<compile_context>
chip_gen: v7x
topology: tpu7x:2x2x1
jax: 0.10.2.dev20260603
libtpu: 0.0.44.dev20260713+nightly
codegen_flags: <defaults>
</compile_context>

<pallas_src>
import functools

import jax
import jax.numpy as jnp
from jax import lax
from jax.experimental import pallas as pl
from jax.experimental.pallas import tpu as pltpu
from jax.experimental.pallas import tpu_sc as plsc

_T = 2048
_B = 64
_N = 256
_K = 16
_DT = 0.001

_TP = 80
_SB = 16
_TB = 16
_NG = 32
_KP = 32


def _make_decoder():
    mesh = plsc.VectorSubcoreMesh(core_axis_name="c", subcore_axis_name="s")

    @functools.partial(
        pl.kernel,
        out_type=jax.ShapeDtypeStruct((_K, _B, _N), jnp.float32),
        mesh=mesh,
        scratch_types=[
            pltpu.VMEM((_TP, 8, 128), jnp.float32),
            pltpu.VMEM((_KP, 4, 128), jnp.float32),
            pltpu.VMEM((_NG, 16), jnp.int32),
            pltpu.VMEM_SHARED((8, 2, _K // 2, 4, 128), jnp.float32),
            pltpu.VMEM((_K // 2, 4, 128), jnp.float32),
            pltpu.VMEM((_K // 2, 8, 128), jnp.float32),
            pltpu.SemaphoreType.DMA,
            pltpu.SemaphoreType.DMA,
        ],
        compiler_params=pltpu.CompilerParams(needs_layout_passes=False),
    )
    def decode(x_hbm, out_hbm, chunk_v, out_v, cnt_v, shared_v, part_v,
               asm_v, sem0, sem1):
        core = lax.axis_index("c")
        sub = lax.axis_index("s")
        slab_loc = sub % 8
        half = sub // 8
        b_slab = pl.multiple_of(slab_loc * 8, 8)
        n0 = pl.multiple_of(core * 128, 128)
        bh = half * 4

        _TSPLIT = 2 * _SB
        pltpu.async_copy(
            x_hbm.at[pl.ds(0, _TSPLIT), pl.ds(b_slab, 8), pl.ds(n0, 128)],
            chunk_v.at[pl.ds(0, _TSPLIT)], sem0).wait()
        tail_copy = pltpu.async_copy(
            x_hbm.at[pl.ds(_TSPLIT, _TP - _TSPLIT),
                     pl.ds(b_slab, 8), pl.ds(n0, 128)],
            chunk_v.at[pl.ds(_TSPLIT, _TP - _TSPLIT)], sem1)

        def wait_tail(w):
            def do_wait(z):
                tail_copy.wait()
                return jnp.int32(1)

            return lax.cond(w == 0, do_wait, lambda z: z, w)

        lane = jnp.arange(16, dtype=jnp.int32)
        inf_v = jnp.full((16,), jnp.inf, dtype=jnp.float32)
        one_v = jnp.ones((16,), dtype=jnp.int32)
        zero_v = jnp.zeros((16,), dtype=jnp.int32)
        k_v = jnp.full((16,), _K, dtype=jnp.int32)
        onef_v = jnp.ones((16,), dtype=jnp.float32)
        dt_v = jnp.full((16,), _DT, dtype=jnp.float32)

        def raw_step(row, geom, cnt, val):
            b_loc, n_off, b_rel_v, n_idx = geom
            v = chunk_v[row, b_loc, pl.ds(n_off, 16)]
            spike = v > 0.0
            plsc.store_scatter(out_v, [cnt, b_rel_v, n_idx], val, mask=spike)
            return cnt + jnp.where(spike, one_v, zero_v)

        def num_live(cnt):
            return plsc.all_reduce_population_count(cnt < _K)[0]

        def group_geom(g):
            b_rel = g // 8
            n_off = (g % 8) * 16
            b_loc = bh + b_rel
            b_rel_v = jnp.broadcast_to(b_rel, (16,)).astype(jnp.int32)
            n_idx = n_off + lane
            return b_loc, n_off, b_rel_v, n_idx

        def scan_sub(t0, geom0, geom1, c0, c1, tv):
            @plsc.parallel_loop(t0, t0 + _SB, unroll=_SB, carry=(c0, c1, tv))
            def scan(row, state):
                c0, c1, tv = state
                val = tv * dt_v
                c0 = raw_step(row, geom0, c0, val)
                c1 = raw_step(row, geom1, c1, val)
                return c0, c1, tv + onef_v

            c0, c1, tv = scan
            return jnp.minimum(c0, k_v), jnp.minimum(c1, k_v), tv

        def pair_body(p, state):
            mk, w = state
            g0 = p * 2
            g1 = g0 + 1
            geom0 = group_geom(g0)
            geom1 = group_geom(g1)

            def sub_cond(state):
                t, c0, c1, tv, w = state
                return (t < _TP) & (num_live(c0) + num_live(c1) > 0)

            def sub_body(state):
                t, c0, c1, tv, w = state
                w = lax.cond(t >= _TSPLIT, wait_tail, lambda z: z, w)
                c0, c1, tv = scan_sub(t, geom0, geom1, c0, c1, tv)
                return t + _SB, c0, c1, tv, w

            _, c0, c1, _, w = lax.while_loop(
                sub_cond, sub_body,
                (jnp.int32(0), zero_v, zero_v,
                 jnp.zeros((16,), jnp.float32), w))
            cnt_v[g0, :] = c0
            cnt_v[g1, :] = c1
            s0 = (num_live(c0) > 0).astype(jnp.int32)
            s1 = (num_live(c1) > 0).astype(jnp.int32)
            return mk | (s0 << g0) | (s1 << g1), w

        mask, w = lax.fori_loop(0, _NG // 2, pair_body,
                                (jnp.int32(0), jnp.int32(0)))
        wait_tail(w)

        def rare_cond(state):
            t, mask = state
            return (t < _T) & (mask != 0)

        def rare_body(state):
            t, mask = state
            pltpu.sync_copy(
                x_hbm.at[pl.ds(t, _TB), pl.ds(b_slab, 8), pl.ds(n0, 128)],
                chunk_v.at[pl.ds(0, _TB)])

            def gb(g, mk):
                def live(mk):
                    geom = group_geom(g)
                    tv0 = jnp.broadcast_to(t.astype(jnp.float32), (16,))

                    def inner(i, state):
                        cnt, tv = state
                        v = chunk_v[i, geom[0], pl.ds(geom[1], 16)]
                        spike = v > 0.0
                        plsc.store_scatter(out_v, [cnt, geom[2], geom[3]],
                                           tv * dt_v, mask=spike)
                        cnt = jnp.minimum(
                            cnt + jnp.where(spike, one_v, zero_v), k_v)
                        return cnt, tv + onef_v

                    cnt, _ = lax.fori_loop(0, _TB, inner, (cnt_v[g, :], tv0))
                    cnt_v[g, :] = cnt
                    done = num_live(cnt) == 0
                    return mk & ~jnp.where(done, jnp.int32(1) << g,
                                           jnp.int32(0))

                return lax.cond((mk >> g) & 1 != 0, live, lambda m: m, mk)

            mask = lax.fori_loop(0, _NG, gb, mask)
            return t + _TB, mask

        _, mask = lax.while_loop(rare_cond, rare_body, (jnp.int32(_TP), mask))

        def fill_body(g, mk):
            def live(mk):
                _, _, b_rel_v, n_idx = group_geom(g)
                cnt = cnt_v[g, :]
                for slot in range(_K):
                    m = cnt <= slot
                    slot_v = jnp.broadcast_to(slot, (16,)).astype(jnp.int32)
                    plsc.store_scatter(out_v, [slot_v, b_rel_v, n_idx],
                                       inf_v, mask=m)
                return mk

            return lax.cond((mk >> g) & 1 != 0, live, lambda m: m, mk)

        lax.fori_loop(0, _NG, fill_body, mask)

        other = 1 - half
        slot0 = half * (_K // 2)
        pltpu.sync_copy(out_v.at[pl.ds(other * (_K // 2), _K // 2)],
                        shared_v.at[slab_loc, half])
        plsc.subcore_barrier()
        pltpu.sync_copy(shared_v.at[slab_loc, other], part_v)
        bh_own = half * 4
        bh_other = other * 4

        @plsc.parallel_loop(0, _K // 2, carry=jnp.int32(0))
        def _asm(slot, carry):
            for br in range(4):
                for j in range(8):
                    sl = pl.ds(j * 16, 16)
                    asm_v[slot, bh_own + br, sl] = out_v[slot0 + slot, br, sl]
                    asm_v[slot, bh_other + br, sl] = part_v[slot, br, sl]
            return carry

        pltpu.sync_copy(
            asm_v,
            out_hbm.at[pl.ds(slot0, _K // 2), pl.ds(b_slab, 8),
                       pl.ds(n0, 128)])

    return decode


_decoder = _make_decoder()


def kernel(spike_input):
    return _decoder(spike_input)

# --- scband reference (transcript-rebuilt; emitter-appended) ---
"""Pipeline reference for scband-spikes-to-times-decoder-54606214201659 (READ-ONLY COPY).

The authoritative reference and input builder live on the scoring server;
editing this copy changes nothing except your own understanding.
"""

import jax, jax.numpy as jnp
import numpy as np

SPIKE_COUNT = 16
DT = 0.001
T, B, N = 2048, 64, 256


def setup_inputs(seed: int = 0) -> dict:
    key = jax.random.key(seed)
    spike_input = jax.random.randint(key, (T, B, N), 0, 2).astype(jnp.float32)
    return {"spike_input": spike_input}


def reference(spike_input):
    # Faithful translation of norse's ToSpikeTimes.forward:
    # 1-based time indices multiplied by the binary spike raster; zeros (no spike)
    # are replaced by +inf, then an ascending sort along the time axis brings the
    # earliest spike indices to the front; subtract 1 to restore 0-based indices
    # and keep the first `spike_count` entries.
    t = spike_input.shape[0]
    idx = jnp.arange(1, t + 1, dtype=spike_input.dtype).reshape(-1, 1, 1)
    spike_idx = idx * spike_input
    spike_idx = jnp.where(spike_idx == 0, jnp.inf, spike_idx)
    spike_idx = jnp.sort(spike_idx, axis=0) - 1.0
    k = SPIKE_COUNT if SPIKE_COUNT <= t else t
    spike_idx = spike_idx[:k]
    # convert_indices_to_times=True -> multiply by dt
    return spike_idx * DT

if __name__ == "__main__":
    import jax
    _d = setup_inputs()
    print(jax.jit(kernel)(*tuple(_d.values())))

</pallas_src>

<mosaic_0001>
#map = affine_map<(d0, d1) -> (0, 0, 0)>
module attributes {stable_mosaic.version = 14 : i64} {
  func.func @decode(%arg0: i32, %arg1: i32, %arg2: memref<2048x64x256xf32, #tpu.memory_space<hbm>>, %arg3: memref<16x64x256xf32, #tpu.memory_space<hbm>>, %arg4: memref<80x8x128xf32, #tpu.memory_space<vmem>>, %arg5: memref<32x4x128xf32, #tpu.memory_space<vmem>>, %arg6: memref<32x16xi32, #tpu.memory_space<vmem>>, %arg7: memref<8x2x8x4x128xf32, #tpu.memory_space<vmem_shared>>, %arg8: memref<8x4x128xf32, #tpu.memory_space<vmem>>, %arg9: memref<8x8x128xf32, #tpu.memory_space<vmem>>, %arg10: memref<!tpu.dma_semaphore, #tpu.memory_space<semaphore_mem>>, %arg11: memref<!tpu.dma_semaphore, #tpu.memory_space<semaphore_mem>>) attributes {dimension_semantics = [#tpu.dimension_semantics<core_parallel>, #tpu.dimension_semantics<subcore_parallel>], iteration_bounds = array<i64: 2, 16>, scalar_prefetch = 0 : i64, scratch_operands = 8 : i64, tpu.core_type = #tpu.core_type<sc_vector_subcore>, window_params = [{transform_indices = #map}, {transform_indices = #map}]} {
    %jit3A = arith.constant 8 : i32
    %eq3A = arith.constant 0 : i32
    %eq3A_0 = arith.cmpi eq, %jit3A, %eq3A : i32
    %jit3A_1 = arith.constant 1 : i32
    %select_n3A = arith.select %eq3A_0, %jit3A_1, %jit3A : i32
    %rem3A = arith.remsi %arg1, %select_n3A : i32
    %ne3A = arith.constant 0 : i32
    %ne3A_2 = arith.cmpi ne, %rem3A, %ne3A : i32
    %lt3A = arith.constant 0 : i32
    %lt3A_3 = arith.cmpi slt, %rem3A, %lt3A : i32
    %lt3A_4 = arith.constant 0 : i32
    %lt3A_5 = arith.cmpi slt, %select_n3A, %lt3A_4 : i32
    %ne3A_6 = arith.xori %lt3A_3, %lt3A_5 : i1
    %and3A = arith.andi %ne3A_6, %ne3A_2 : i1
    %add3A = arith.addi %rem3A, %select_n3A : i32
    %select_n3A_7 = arith.select %and3A, %add3A, %rem3A : i32
    %jit3A_8 = arith.constant 8 : i32
    %div3A = arith.divsi %arg1, %jit3A_8 : i32
    %sign3A = arith.constant 0 : i32
    %sign3A_9 = arith.cmpi sgt, %arg1, %sign3A : i32
    %sign3A_10 = arith.extui %sign3A_9 : i1 to i32
    %sign3A_11 = arith.constant 0 : i32
    %sign3A_12 = arith.cmpi slt, %arg1, %sign3A_11 : i32
    %sign3A_13 = arith.extui %sign3A_12 : i1 to i32
    %sign3A_14 = arith.subi %sign3A_10, %sign3A_13 : i32
    %sign3A_15 = arith.constant 0 : i32
    %sign3A_16 = arith.cmpi sgt, %jit3A_8, %sign3A_15 : i32
    %sign3A_17 = arith.extui %sign3A_16 : i1 to i32
    %sign3A_18 = arith.constant 0 : i32
    %sign3A_19 = arith.cmpi slt, %jit3A_8, %sign3A_18 : i32
    %sign3A_20 = arith.extui %sign3A_19 : i1 to i32
    %sign3A_21 = arith.subi %sign3A_17, %sign3A_20 : i32
    %ne3A_22 = arith.cmpi ne, %sign3A_14, %sign3A_21 : i32
    %rem3A_23 = arith.remsi %arg1, %jit3A_8 : i32
    %ne3A_24 = arith.constant 0 : i32
    %ne3A_25 = arith.cmpi ne, %rem3A_23, %ne3A_24 : i32
    %and3A_26 = arith.andi %ne3A_22, %ne3A_25 : i1
    %sub3A = arith.constant 1 : i32
    %sub3A_27 = arith.subi %div3A, %sub3A : i32
    %select_n3A_28 = arith.select %and3A_26, %sub3A_27, %div3A : i32
    %mul3A = arith.constant 8 : i32
    %mul3A_29 = arith.muli %select_n3A_7, %mul3A : i32
    %multiple_of3A = tpu.assume_multiple %mul3A_29, 8 : i32
    %mul3A_30 = arith.constant 128 : i32
    %mul3A_31 = arith.muli %arg0, %mul3A_30 : i32
    %multiple_of3A_32 = tpu.assume_multiple %mul3A_31, 128 : i32
    %mul3A_33 = arith.constant 4 : i32
    %mul3A_34 = arith.muli %select_n3A_28, %mul3A_33 : i32
    %dma_start3A = arith.constant 0 : i32
    %dma_start3A_35 = arith.constant 0 : i32
    %dma_start3A_36 = arith.constant 0 : i32
    %dma_start3A_37 = tpu.memref_slice %arg4[%dma_start3A, %dma_start3A_35, %dma_start3A_36] : memref<80x8x128xf32, #tpu.memory_space<vmem>> -> memref<32x8x128xf32, #tpu.memory_space<vmem>>
    %dma_start3A_38 = arith.constant 0 : i32
    %dma_start3A_39 = tpu.memref_slice %arg2[%dma_start3A_38, %multiple_of3A, %multiple_of3A_32] : memref<2048x64x256xf32, #tpu.memory_space<hbm>> -> memref<32x8x128xf32, #tpu.memory_space<hbm>>
    %dma_start3A_40 = arith.constant 0 : i32
    %dma_start3A_41 = arith.constant 0 : i32
    %dma_start3A_42 = arith.constant 0 : i32
    %dma_start3A_43 = tpu.memref_slice %arg4[%dma_start3A_40, %dma_start3A_41, %dma_start3A_42] : memref<80x8x128xf32, #tpu.memory_space<vmem>> -> memref<32x8x128xf32, #tpu.memory_space<vmem>>
    %dma_start3A_44 = arith.constant 0 : i32
    %dma_start3A_45 = tpu.memref_slice %arg2[%dma_start3A_44, %multiple_of3A, %multiple_of3A_32] : memref<2048x64x256xf32, #tpu.memory_space<hbm>> -> memref<32x8x128xf32, #tpu.memory_space<hbm>>
    tpu.enqueue_dma source(%dma_start3A_45 : memref<32x8x128xf32, #tpu.memory_space<hbm>>) target(%dma_start3A_43 : memref<32x8x128xf32, #tpu.memory_space<vmem>>) target_semaphore(%arg10 : memref<!tpu.dma_semaphore, #tpu.memory_space<semaphore_mem>>)
    %dma_wait3A = arith.constant 0 : i32
    %dma_wait3A_46 = arith.constant 0 : i32
    %dma_wait3A_47 = arith.constant 0 : i32
    %dma_wait3A_48 = tpu.memref_slice %arg4[%dma_wait3A, %dma_wait3A_46, %dma_wait3A_47] : memref<80x8x128xf32, #tpu.memory_space<vmem>> -> memref<32x8x128xf32, #tpu.memory_space<vmem>>
    %dma_wait3A_49 = arith.constant 0 : i32
    %dma_wait3A_50 = tpu.memref_slice %arg2[%dma_wait3A_49, %multiple_of3A, %multiple_of3A_32] : memref<2048x64x256xf32, #tpu.memory_space<hbm>> -> memref<32x8x128xf32, #tpu.memory_space<hbm>>
    %dma_wait3A_51 = arith.constant 0 : i32
    %dma_wait3A_52 = arith.constant 0 : i32
    %dma_wait3A_53 = arith.constant 0 : i32
    %dma_wait3A_54 = tpu.memref_slice %arg4[%dma_wait3A_51, %dma_wait3A_52, %dma_wait3A_53] : memref<80x8x128xf32, #tpu.memory_space<vmem>> -> memref<32x8x128xf32, #tpu.memory_space<vmem>>
    %dma_wait3A_55 = arith.constant 0 : i32
    %dma_wait3A_56 = tpu.memref_slice %arg2[%dma_wait3A_55, %multiple_of3A, %multiple_of3A_32] : memref<2048x64x256xf32, #tpu.memory_space<hbm>> -> memref<32x8x128xf32, #tpu.memory_space<hbm>>
    tpu.wait_dma2 semaphore(%arg10 : memref<!tpu.dma_semaphore, #tpu.memory_space<semaphore_mem>>) src(%dma_wait3A_56 : memref<32x8x128xf32, #tpu.memory_space<hbm>>) dst(%dma_wait3A_54 : memref<32x8x128xf32, #tpu.memory_space<vmem>>)
    %dma_start3A_57 = arith.constant 32 : i32
    %dma_start3A_58 = arith.constant 0 : i32
    %dma_start3A_59 = arith.constant 0 : i32
    %dma_start3A_60 = tpu.memref_slice %arg4[%dma_start3A_57, %dma_start3A_58, %dma_start3A_59] : memref<80x8x128xf32, #tpu.memory_space<vmem>> -> memref<48x8x128xf32, #tpu.memory_space<vmem>>
    %dma_start3A_61 = arith.constant 32 : i32
    %dma_start3A_62 = tpu.memref_slice %arg2[%dma_start3A_61, %multiple_of3A, %multiple_of3A_32] : memref<2048x64x256xf32, #tpu.memory_space<hbm>> -> memref<48x8x128xf32, #tpu.memory_space<hbm>>
    %dma_start3A_63 = arith.constant 32 : i32
    %dma_start3A_64 = arith.constant 0 : i32
    %dma_start3A_65 = arith.constant 0 : i32
    %dma_start3A_66 = tpu.memref_slice %arg4[%dma_start3A_63, %dma_start3A_64, %dma_start3A_65] : memref<80x8x128xf32, #tpu.memory_space<vmem>> -> memref<48x8x128xf32, #tpu.memory_space<vmem>>
    %dma_start3A_67 = arith.constant 32 : i32
    %dma_start3A_68 = tpu.memref_slice %arg2[%dma_start3A_67, %multiple_of3A, %multiple_of3A_32] : memref<2048x64x256xf32, #tpu.memory_space<hbm>> -> memref<48x8x128xf32, #tpu.memory_space<hbm>>
    tpu.enqueue_dma source(%dma_start3A_68 : memref<48x8x128xf32, #tpu.memory_space<hbm>>) target(%dma_start3A_66 : memref<48x8x128xf32, #tpu.memory_space<vmem>>) target_semaphore(%arg11 : memref<!tpu.dma_semaphore, #tpu.memory_space<semaphore_mem>>)
    %iota3A = tpu.iota {dimensions = array<i32: 0>} : vector<16xi32>
    %broadcast_in_dim3A = arith.constant 0x7F800000 : f32
    %broadcast_in_dim3A_69 = vector.broadcast %broadcast_in_dim3A : f32 to vector<16xf32>
    %broadcast_in_dim3A_70 = arith.constant 1 : i32
    %broadcast_in_dim3A_71 = vector.broadcast %broadcast_in_dim3A_70 : i32 to vector<16xi32>
    %broadcast_in_dim3A_72 = arith.constant 0 : i32
    %broadcast_in_dim3A_73 = vector.broadcast %broadcast_in_dim3A_72 : i32 to vector<16xi32>
    %broadcast_in_dim3A_74 = arith.constant 16 : i32
    %broadcast_in_dim3A_75 = vector.broadcast %broadcast_in_dim3A_74 : i32 to vector<16xi32>
    %broadcast_in_dim3A_76 = arith.constant 1.000000e+00 : f32
    %broadcast_in_dim3A_77 = vector.broadcast %broadcast_in_dim3A_76 : f32 to vector<16xf32>
    %broadcast_in_dim3A_78 = arith.constant 1.000000e-03 : f32
    %broadcast_in_dim3A_79 = vector.broadcast %broadcast_in_dim3A_78 : f32 to vector<16xf32>
    %scan3A = arith.constant 0 : i32
    %scan3A_80 = arith.constant 0 : i32
    %scan3A_81 = arith.constant 0 : i32
    %scan3A_82 = arith.constant 16 : i32
    %scan3A_83 = arith.addi %scan3A_81, %scan3A_82 : i32
    %scan3A_84 = arith.constant 1 : i32
    %scan3A_85:2 = scf.for %scan3A_111 = %scan3A_81 to %scan3A_83 step %scan3A_84 iter_args(%scan3A_112 = %scan3A, %scan3A_113 = %scan3A_80) -> (i32, i32)  : i32 {
      %mul3A_114 = arith.constant 2 : i32
      %mul3A_115 = arith.muli %scan3A_111, %mul3A_114 : i32
      %add3A_116 = arith.constant 1 : i32
      %add3A_117 = arith.addi %mul3A_115, %add3A_116 : i32
      %jit3A_118 = arith.constant 8 : i32
      %div3A_119 = arith.divsi %mul3A_115, %jit3A_118 : i32
      %sign3A_120 = arith.constant 0 : i32
      %sign3A_121 = arith.cmpi sgt, %mul3A_115, %sign3A_120 : i32
      %sign3A_122 = arith.extui %sign3A_121 : i1 to i32
      %sign3A_123 = arith.constant 0 : i32
      %sign3A_124 = arith.cmpi slt, %mul3A_115, %sign3A_123 : i32
      %sign3A_125 = arith.extui %sign3A_124 : i1 to i32
      %sign3A_126 = arith.subi %sign3A_122, %sign3A_125 : i32
      %sign3A_127 = arith.constant 0 : i32
      %sign3A_128 = arith.cmpi sgt, %jit3A_118, %sign3A_127 : i32
      %sign3A_129 = arith.extui %sign3A_128 : i1 to i32
      %sign3A_130 = arith.constant 0 : i32
      %sign3A_131 = arith.cmpi slt, %jit3A_118, %sign3A_130 : i32
      %sign3A_132 = arith.extui %sign3A_131 : i1 to i32
      %sign3A_133 = arith.subi %sign3A_129, %sign3A_132 : i32
      %ne3A_134 = arith.cmpi ne, %sign3A_126, %sign3A_133 : i32
      %rem3A_135 = arith.remsi %mul3A_115, %jit3A_118 : i32
      %ne3A_136 = arith.constant 0 : i32
      %ne3A_137 = arith.cmpi ne, %rem3A_135, %ne3A_136 : i32
      %and3A_138 = arith.andi %ne3A_134, %ne3A_137 : i1
      %sub3A_139 = arith.constant 1 : i32
      %sub3A_140 = arith.subi %div3A_119, %sub3A_139 : i32
      %select_n3A_141 = arith.select %and3A_138, %sub3A_140, %div3A_119 : i32
      %jit3A_142 = arith.constant 8 : i32
      %eq3A_143 = arith.constant 0 : i32
      %eq3A_144 = arith.cmpi eq, %jit3A_142, %eq3A_143 : i32
      %jit3A_145 = arith.constant 1 : i32
      %select_n3A_146 = arith.select %eq3A_144, %jit3A_145, %jit3A_142 : i32
      %rem3A_147 = arith.remsi %mul3A_115, %select_n3A_146 : i32
      %ne3A_148 = arith.constant 0 : i32
      %ne3A_149 = arith.cmpi ne, %rem3A_147, %ne3A_148 : i32
      %lt3A_150 = arith.constant 0 : i32
      %lt3A_151 = arith.cmpi slt, %rem3A_147, %lt3A_150 : i32
      %lt3A_152 = arith.constant 0 : i32
      %lt3A_153 = arith.cmpi slt, %select_n3A_146, %lt3A_152 : i32
      %ne3A_154 = arith.xori %lt3A_151, %lt3A_153 : i1
      %and3A_155 = arith.andi %ne3A_154, %ne3A_149 : i1
      %add3A_156 = arith.addi %rem3A_147, %select_n3A_146 : i32
      %select_n3A_157 = arith.select %and3A_155, %add3A_156, %rem3A_147 : i32
      %mul3A_158 = arith.constant 16 : i32
      %mul3A_159 = arith.muli %select_n3A_157, %mul3A_158 : i32
      %add3A_160 = arith.addi %mul3A_34, %select_n3A_141 : i32
      %broadcast_in_dim3A_161 = vector.broadcast %select_n3A_141 : i32 to vector<16xi32>
      %add3A_162 = vector.broadcast %mul3A_159 : i32 to vector<16xi32>
      %add3A_163 = arith.addi %add3A_162, %iota3A : vector<16xi32>
      %jit3A_164 = arith.constant 8 : i32
      %div3A_165 = arith.divsi %add3A_117, %jit3A_164 : i32
      %sign3A_166 = arith.constant 0 : i32
      %sign3A_167 = arith.cmpi sgt, %add3A_117, %sign3A_166 : i32
      %sign3A_168 = arith.extui %sign3A_167 : i1 to i32
      %sign3A_169 = arith.constant 0 : i32
      %sign3A_170 = arith.cmpi slt, %add3A_117, %sign3A_169 : i32
      %sign3A_171 = arith.extui %sign3A_170 : i1 to i32
      %sign3A_172 = arith.subi %sign3A_168, %sign3A_171 : i32
      %sign3A_173 = arith.constant 0 : i32
      %sign3A_174 = arith.cmpi sgt, %jit3A_164, %sign3A_173 : i32
      %sign3A_175 = arith.extui %sign3A_174 : i1 to i32
      %sign3A_176 = arith.constant 0 : i32
      %sign3A_177 = arith.cmpi slt, %jit3A_164, %sign3A_176 : i32
      %sign3A_178 = arith.extui %sign3A_177 : i1 to i32
      %sign3A_179 = arith.subi %sign3A_175, %sign3A_178 : i32
      %ne3A_180 = arith.cmpi ne, %sign3A_172, %sign3A_179 : i32
      %rem3A_181 = arith.remsi %add3A_117, %jit3A_164 : i32
      %ne3A_182 = arith.constant 0 : i32
      %ne3A_183 = arith.cmpi ne, %rem3A_181, %ne3A_182 : i32
      %and3A_184 = arith.andi %ne3A_180, %ne3A_183 : i1
      %sub3A_185 = arith.constant 1 : i32
      %sub3A_186 = arith.subi %div3A_165, %sub3A_185 : i32
      %select_n3A_187 = arith.select %and3A_184, %sub3A_186, %div3A_165 : i32
      %jit3A_188 = arith.constant 8 : i32
      %eq3A_189 = arith.constant 0 : i32
      %eq3A_190 = arith.cmpi eq, %jit3A_188, %eq3A_189 : i32
      %jit3A_191 = arith.constant 1 : i32
      %select_n3A_192 = arith.select %eq3A_190, %jit3A_191, %jit3A_188 : i32
      %rem3A_193 = arith.remsi %add3A_117, %select_n3A_192 : i32
      %ne3A_194 = arith.constant 0 : i32
      %ne3A_195 = arith.cmpi ne, %rem3A_193, %ne3A_194 : i32
      %lt3A_196 = arith.constant 0 : i32
      %lt3A_197 = arith.cmpi slt, %rem3A_193, %lt3A_196 : i32
      %lt3A_198 = arith.constant 0 : i32
      %lt3A_199 = arith.cmpi slt, %select_n3A_192, %lt3A_198 : i32
      %ne3A_200 = arith.xori %lt3A_197, %lt3A_199 : i1
      %and3A_201 = arith.andi %ne3A_200, %ne3A_195 : i1
      %add3A_202 = arith.addi %rem3A_193, %select_n3A_192 : i32
      %select_n3A_203 = arith.select %and3A_201, %add3A_202, %rem3A_193 : i32
      %mul3A_204 = arith.constant 16 : i32
      %mul3A_205 = arith.muli %select_n3A_203, %mul3A_204 : i32
      %add3A_206 = arith.addi %mul3A_34, %select_n3A_187 : i32
      %broadcast_in_dim3A_207 = vector.broadcast %select_n3A_187 : i32 to vector<16xi32>
      %add3A_208 = vector.broadcast %mul3A_205 : i32 to vector<16xi32>
      %add3A_209 = arith.addi %add3A_208, %iota3A : vector<16xi32>
      %broadcast_in_dim3A_210 = arith.constant 0.000000e+00 : f32
      %broadcast_in_dim3A_211 = vector.broadcast %broadcast_in_dim3A_210 : f32 to vector<16xf32>
      %while3A_212 = arith.constant 0 : i32
      %while3A_213:5 = scf.while (%while3A_235 = %while3A_212, %while3A_236 = %broadcast_in_dim3A_73, %while3A_237 = %broadcast_in_dim3A_73, %while3A_238 = %broadcast_in_dim3A_211, %while3A_239 = %scan3A_113) : (i32, vector<16xi32>, vector<16xi32>, vector<16xf32>, i32) -> (i32, vector<16xi32>, vector<16xi32>, vector<16xf32>, i32) {
        %lt3A_240 = arith.constant 80 : i32
        %lt3A_241 = arith.cmpi slt, %while3A_235, %lt3A_240 : i32
        %lt3A_242 = arith.constant 16 : i32
        %lt3A_243 = vector.broadcast %lt3A_242 : i32 to vector<16xi32>
        %lt3A_244 = arith.cmpi slt, %while3A_236, %lt3A_243 : vector<16xi32>
        %all_reduce_population_count3A_245 = tpu.all_reduce %lt3A_244 {dim = 0 : i64, kind = #tpu.reduction_kind<sum>} : vector<16xi1> -> vector<16xi32>
        %slice3A_246 = vector.extract_strided_slice %all_reduce_population_count3A_245 {offsets = [0], sizes = [1], strides = [1]} : vector<16xi32> to vector<1xi32>
        %squeeze3A_247 = vector.extract %slice3A_246[0] : i32 from vector<1xi32>
        %lt3A_248 = arith.constant 16 : i32
        %lt3A_249 = vector.broadcast %lt3A_248 : i32 to vector<16xi32>
        %lt3A_250 = arith.cmpi slt, %while3A_237, %lt3A_249 : vector<16xi32>
        %all_reduce_population_count3A_251 = tpu.all_reduce %lt3A_250 {dim = 0 : i64, kind = #tpu.reduction_kind<sum>} : vector<16xi1> -> vector<16xi32>
        %slice3A_252 = vector.extract_strided_slice %all_reduce_population_count3A_251 {offsets = [0], sizes = [1], strides = [1]} : vector<16xi32> to vector<1xi32>
        %squeeze3A_253 = vector.extract %slice3A_252[0] : i32 from vector<1xi32>
        %add3A_254 = arith.addi %squeeze3A_247, %squeeze3A_253 : i32
        %gt3A_255 = arith.constant 0 : i32
        %gt3A_256 = arith.cmpi sgt, %add3A_254, %gt3A_255 : i32
        %and3A_257 = arith.andi %lt3A_241, %gt3A_256 : i1
        scf.condition(%and3A_257) %while3A_235, %while3A_236, %while3A_237, %while3A_238, %while3A_239 : i32, vector<16xi32>, vector<16xi32>, vector<16xf32>, i32
      } do {
      ^bb0(%while3A_235: i32, %while3A_236: vector<16xi32>, %while3A_237: vector<16xi32>, %while3A_238: vector<16xf32>, %while3A_239: i32):
        %ge3A = arith.constant 32 : i32
        %ge3A_240 = arith.cmpi sge, %while3A_235, %ge3A : i32
        %convert_element_type3A_241 = arith.extui %ge3A_240 : i1 to i32
        %cond3A_242 = arith.constant 0 : i32
        %cond3A_243 = arith.cmpi ne, %convert_element_type3A_241, %cond3A_242 : i32
        %cond3A_244 = scf.if %cond3A_243 -> (i32) {
          %eq3A_252 = arith.constant 0 : i32
          %eq3A_253 = arith.cmpi eq, %while3A_239, %eq3A_252 : i32
          %convert_element_type3A_254 = arith.extui %eq3A_253 : i1 to i32
          %cond3A_255 = arith.constant 0 : i32
          %cond3A_256 = arith.cmpi ne, %convert_element_type3A_254, %cond3A_255 : i32
          %cond3A_257 = scf.if %cond3A_256 -> (i32) {
            %dma_wait3A_258 = arith.constant 32 : i32
            %dma_wait3A_259 = arith.constant 0 : i32
            %dma_wait3A_260 = arith.constant 0 : i32
            %dma_wait3A_261 = tpu.memref_slice %arg4[%dma_wait3A_258, %dma_wait3A_259, %dma_wait3A_260] : memref<80x8x128xf32, #tpu.memory_space<vmem>> -> memref<48x8x128xf32, #tpu.memory_space<vmem>>
            %dma_wait3A_262 = arith.constant 32 : i32
            %dma_wait3A_263 = tpu.memref_slice %arg2[%dma_wait3A_262, %multiple_of3A, %multiple_of3A_32] : memref<2048x64x256xf32, #tpu.memory_space<hbm>> -> memref<48x8x128xf32, #tpu.memory_space<hbm>>
            %dma_wait3A_264 = arith.constant 32 : i32
            %dma_wait3A_265 = arith.constant 0 : i32
            %dma_wait3A_266 = arith.constant 0 : i32
            %dma_wait3A_267 = tpu.memref_slice %arg4[%dma_wait3A_264, %dma_wait3A_265, %dma_wait3A_266] : memref<80x8x128xf32, #tpu.memory_space<vmem>> -> memref<48x8x128xf32, #tpu.memory_space<vmem>>
            %dma_wait3A_268 = arith.constant 32 : i32
            %dma_wait3A_269 = tpu.memref_slice %arg2[%dma_wait3A_268, %multiple_of3A, %multiple_of3A_32] : memref<2048x64x256xf32, #tpu.memory_space<hbm>> -> memref<48x8x128xf32, #tpu.memory_space<hbm>>
            tpu.wait_dma2 semaphore(%arg11 : memref<!tpu.dma_semaphore, #tpu.memory_space<semaphore_mem>>) src(%dma_wait3A_269 : memref<48x8x128xf32, #tpu.memory_space<hbm>>) dst(%dma_wait3A_267 : memref<48x8x128xf32, #tpu.memory_space<vmem>>)
            %cond3A_270 = arith.constant 1 : i32
            scf.yield %cond3A_270 : i32
          } else {
            scf.yield %while3A_239 : i32
          }
          scf.yield %cond3A_257 : i32
        } else {
          scf.yield %while3A_239 : i32
        }
        %add3A_245 = arith.constant 16 : i32
        %add3A_246 = arith.addi %while3A_235, %add3A_245 : i32
        %parallel_loop3A_247 = arith.constant 1 : i32
        %parallel_loop3A_248:3 = scf.for %parallel_loop3A_252 = %while3A_235 to %add3A_246 step %parallel_loop3A_247 iter_args(%parallel_loop3A_253 = %while3A_236, %parallel_loop3A_254 = %while3A_237, %parallel_loop3A_255 = %while3A_238) -> (vector<16xi32>, vector<16xi32>, vector<16xf32>)  : i32 {
          %parallel_loop3A_256 = arith.mulf %parallel_loop3A_255, %broadcast_in_dim3A_79 : vector<16xf32>
          %parallel_loop3A_257 = arith.index_cast %parallel_loop3A_252 : i32 to index
          %parallel_loop3A_258 = arith.index_cast %add3A_160 : i32 to index
          %parallel_loop3A_259 = arith.index_cast %mul3A_159 : i32 to index
          %parallel_loop3A_260 = tpu.vector_load %arg4[%parallel_loop3A_257, %parallel_loop3A_258, %parallel_loop3A_259] {strides = array<i32>} : memref<80x8x128xf32, #tpu.memory_space<vmem>>, vector<16xf32>,
          %parallel_loop3A_261 = arith.constant 0.000000e+00 : f32
          %parallel_loop3A_262 = vector.broadcast %parallel_loop3A_261 : f32 to vector<16xf32>
          %parallel_loop3A_263 = arith.cmpf ogt, %parallel_loop3A_260, %parallel_loop3A_262 : vector<16xf32>
          tpu.vector_store_idx %arg5[%parallel_loop3A_253, %broadcast_in_dim3A_161, %add3A_163], %parallel_loop3A_256 masked %parallel_loop3A_263 : memref<32x4x128xf32, #tpu.memory_space<vmem>>[vector<16xi32>, vector<16xi32>, vector<16xi32>], vector<16xf32>, vector<16xi1>
          %parallel_loop3A_264 = arith.select %parallel_loop3A_263, %broadcast_in_dim3A_71, %broadcast_in_dim3A_73 : vector<16xi1>, vector<16xi32>
          %parallel_loop3A_265 = arith.addi %parallel_loop3A_253, %parallel_loop3A_264 : vector<16xi32>
          %parallel_loop3A_266 = arith.index_cast %parallel_loop3A_252 : i32 to index
          %parallel_loop3A_267 = arith.index_cast %add3A_206 : i32 to index
          %parallel_loop3A_268 = arith.index_cast %mul3A_205 : i32 to index
          %parallel_loop3A_269 = tpu.vector_load %arg4[%parallel_loop3A_266, %parallel_loop3A_267, %parallel_loop3A_268] {strides = array<i32>} : memref<80x8x128xf32, #tpu.memory_space<vmem>>, vector<16xf32>,
          %parallel_loop3A_270 = arith.constant 0.000000e+00 : f32
          %parallel_loop3A_271 = vector.broadcast %parallel_loop3A_270 : f32 to vector<16xf32>
          %parallel_loop3A_272 = arith.cmpf ogt, %parallel_loop3A_269, %parallel_loop3A_271 : vector<16xf32>
          tpu.vector_store_idx %arg5[%parallel_loop3A_254, %broadcast_in_dim3A_207, %add3A_209], %parallel_loop3A_256 masked %parallel_loop3A_272 : memref<32x4x128xf32, #tpu.memory_space<vmem>>[vector<16xi32>, vector<16xi32>, vector<16xi32>], vector<16xf32>, vector<16xi1>
          %parallel_loop3A_273 = arith.select %parallel_loop3A_272, %broadcast_in_dim3A_71, %broadcast_in_dim3A_73 : vector<16xi1>, vector<16xi32>
          %parallel_loop3A_274 = arith.addi %parallel_loop3A_254, %parallel_loop3A_273 : vector<16xi32>
          %parallel_loop3A_275 = arith.addf %parallel_loop3A_255, %broadcast_in_dim3A_77 : vector<16xf32>
          scf.yield %parallel_loop3A_265, %parallel_loop3A_274, %parallel_loop3A_275 : vector<16xi32>, vector<16xi32>, vector<16xf32>
        } {sc.loop_unroll_factor = 16 : i64, sc.parallel_access}
        %min3A = arith.minsi %parallel_loop3A_248#0, %broadcast_in_dim3A_75 : vector<16xi32>
        %min3A_249 = arith.minsi %parallel_loop3A_248#1, %broadcast_in_dim3A_75 : vector<16xi32>
        %add3A_250 = arith.constant 16 : i32
        %add3A_251 = arith.addi %while3A_235, %add3A_250 : i32
        scf.yield %add3A_251, %min3A, %min3A_249, %parallel_loop3A_248#2, %cond3A_244 : i32, vector<16xi32>, vector<16xi32>, vector<16xf32>, i32
      }
      %swap3A = arith.index_cast %mul3A_115 : i32 to index
      %swap3A_214 = arith.constant 0 : index
      %swap3A_215 = tpu.vector_load %arg6[%swap3A, %swap3A_214] {strides = array<i32>} : memref<32x16xi32, #tpu.memory_space<vmem>>, vector<16xi32>,
      tpu.vector_store %arg6[%swap3A, %swap3A_214], %while3A_213#1 {strides = array<i32>} : memref<32x16xi32, #tpu.memory_space<vmem>>, vector<16xi32>,
      %swap3A_216 = arith.index_cast %add3A_117 : i32 to index
      %swap3A_217 = arith.constant 0 : index
      %swap3A_218 = tpu.vector_load %arg6[%swap3A_216, %swap3A_217] {strides = array<i32>} : memref<32x16xi32, #tpu.memory_space<vmem>>, vector<16xi32>,
      tpu.vector_store %arg6[%swap3A_216, %swap3A_217], %while3A_213#2 {strides = array<i32>} : memref<32x16xi32, #tpu.memory_space<vmem>>, vector<16xi32>,
      %lt3A_219 = arith.constant 16 : i32
      %lt3A_220 = vector.broadcast %lt3A_219 : i32 to vector<16xi32>
      %lt3A_221 = arith.cmpi slt, %while3A_213#1, %lt3A_220 : vector<16xi32>
      %all_reduce_population_count3A = tpu.all_reduce %lt3A_221 {dim = 0 : i64, kind = #tpu.reduction_kind<sum>} : vector<16xi1> -> vector<16xi32>
      %slice3A = vector.extract_strided_slice %all_reduce_population_count3A {offsets = [0], sizes = [1], strides = [1]} : vector<16xi32> to vector<1xi32>
      %squeeze3A = vector.extract %slice3A[0] : i32 from vector<1xi32>
      %gt3A = arith.constant 0 : i32
      %gt3A_222 = arith.cmpi sgt, %squeeze3A, %gt3A : i32
      %convert_element_type3A_223 = arith.extui %gt3A_222 : i1 to i32
      %lt3A_224 = arith.constant 16 : i32
      %lt3A_225 = vector.broadcast %lt3A_224 : i32 to vector<16xi32>
      %lt3A_226 = arith.cmpi slt, %while3A_213#2, %lt3A_225 : vector<16xi32>
      %all_reduce_population_count3A_227 = tpu.all_reduce %lt3A_226 {dim = 0 : i64, kind = #tpu.reduction_kind<sum>} : vector<16xi1> -> vector<16xi32>
      %slice3A_228 = vector.extract_strided_slice %all_reduce_population_count3A_227 {offsets = [0], sizes = [1], strides = [1]} : vector<16xi32> to vector<1xi32>
      %squeeze3A_229 = vector.extract %slice3A_228[0] : i32 from vector<1xi32>
      %gt3A_230 = arith.constant 0 : i32
      %gt3A_231 = arith.cmpi sgt, %squeeze3A_229, %gt3A_230 : i32
      %convert_element_type3A_232 = arith.extui %gt3A_231 : i1 to i32
      %shift_left3A = arith.shli %convert_element_type3A_223, %mul3A_115 : i32
      %or3A = arith.ori %scan3A_112, %shift_left3A : i32
      %shift_left3A_233 = arith.shli %convert_element_type3A_232, %add3A_117 : i32
      %or3A_234 = arith.ori %or3A, %shift_left3A_233 : i32
      scf.yield %or3A_234, %while3A_213#4 : i32, i32
    }
    %scan3A_86 = arith.constant 16 : i32
    %eq3A_87 = arith.constant 0 : i32
    %eq3A_88 = arith.cmpi eq, %scan3A_85#1, %eq3A_87 : i32
    %convert_element_type3A = arith.extui %eq3A_88 : i1 to i32
    %cond3A = arith.constant 0 : i32
    %cond3A_89 = arith.cmpi ne, %convert_element_type3A, %cond3A : i32
    %cond3A_90 = scf.if %cond3A_89 -> (i32) {
      %dma_wait3A_111 = arith.constant 32 : i32
      %dma_wait3A_112 = arith.constant 0 : i32
      %dma_wait3A_113 = arith.constant 0 : i32
      %dma_wait3A_114 = tpu.memref_slice %arg4[%dma_wait3A_111, %dma_wait3A_112, %dma_wait3A_113] : memref<80x8x128xf32, #tpu.memory_space<vmem>> -> memref<48x8x128xf32, #tpu.memory_space<vmem>>
      %dma_wait3A_115 = arith.constant 32 : i32
      %dma_wait3A_116 = tpu.memref_slice %arg2[%dma_wait3A_115, %multiple_of3A, %multiple_of3A_32] : memref<2048x64x256xf32, #tpu.memory_space<hbm>> -> memref<48x8x128xf32, #tpu.memory_space<hbm>>
      %dma_wait3A_117 = arith.constant 32 : i32
      %dma_wait3A_118 = arith.constant 0 : i32
      %dma_wait3A_119 = arith.constant 0 : i32
      %dma_wait3A_120 = tpu.memref_slice %arg4[%dma_wait3A_117, %dma_wait3A_118, %dma_wait3A_119] : memref<80x8x128xf32, #tpu.memory_space<vmem>> -> memref<48x8x128xf32, #tpu.memory_space<vmem>>
      %dma_wait3A_121 = arith.constant 32 : i32
      %dma_wait3A_122 = tpu.memref_slice %arg2[%dma_wait3A_121, %multiple_of3A, %multiple_of3A_32] : memref<2048x64x256xf32, #tpu.memory_space<hbm>> -> memref<48x8x128xf32, #tpu.memory_space<hbm>>
      tpu.wait_dma2 semaphore(%arg11 : memref<!tpu.dma_semaphore, #tpu.memory_space<semaphore_mem>>) src(%dma_wait3A_122 : memref<48x8x128xf32, #tpu.memory_space<hbm>>) dst(%dma_wait3A_120 : memref<48x8x128xf32, #tpu.memory_space<vmem>>)
      %cond3A_123 = arith.constant 1 : i32
      scf.yield %cond3A_123 : i32
    } else {
      scf.yield %scan3A_85#1 : i32
    }
    %while3A = arith.constant 80 : i32
    %while3A_91:2 = scf.while (%while3A_111 = %while3A, %while3A_112 = %scan3A_85#0) : (i32, i32) -> (i32, i32) {
      %lt3A_113 = arith.constant 2048 : i32
      %lt3A_114 = arith.cmpi slt, %while3A_111, %lt3A_113 : i32
      %ne3A_115 = arith.constant 0 : i32
      %ne3A_116 = arith.cmpi ne, %while3A_112, %ne3A_115 : i32
      %and3A_117 = arith.andi %lt3A_114, %ne3A_116 : i1
      scf.condition(%and3A_117) %while3A_111, %while3A_112 : i32, i32
    } do {
    ^bb0(%while3A_111: i32, %while3A_112: i32):
      "tpu.region"() ({
        %run_scoped3A = tpu.sem_alloc : memref<!tpu.dma_semaphore, #tpu.memory_space<semaphore_mem>>
        %dma_start3A_121 = arith.constant 0 : i32
        %dma_start3A_122 = arith.constant 0 : i32
        %dma_start3A_123 = arith.constant 0 : i32
        %dma_start3A_124 = tpu.memref_slice %arg4[%dma_start3A_121, %dma_start3A_122, %dma_start3A_123] : memref<80x8x128xf32, #tpu.memory_space<vmem>> -> memref<16x8x128xf32, #tpu.memory_space<vmem>>
        %dma_start3A_125 = tpu.memref_slice %arg2[%while3A_111, %multiple_of3A, %multiple_of3A_32] : memref<2048x64x256xf32, #tpu.memory_space<hbm>> -> memref<16x8x128xf32, #tpu.memory_space<hbm>>
        %dma_start3A_126 = arith.constant 0 : i32
        %dma_start3A_127 = arith.constant 0 : i32
        %dma_start3A_128 = arith.constant 0 : i32
        %dma_start3A_129 = tpu.memref_slice %arg4[%dma_start3A_126, %dma_start3A_127, %dma_start3A_128] : memref<80x8x128xf32, #tpu.memory_space<vmem>> -> memref<16x8x128xf32, #tpu.memory_space<vmem>>
        %dma_start3A_130 = tpu.memref_slice %arg2[%while3A_111, %multiple_of3A, %multiple_of3A_32] : memref<2048x64x256xf32, #tpu.memory_space<hbm>> -> memref<16x8x128xf32, #tpu.memory_space<hbm>>
        tpu.enqueue_dma source(%dma_start3A_130 : memref<16x8x128xf32, #tpu.memory_space<hbm>>) target(%dma_start3A_129 : memref<16x8x128xf32, #tpu.memory_space<vmem>>) target_semaphore(%run_scoped3A : memref<!tpu.dma_semaphore, #tpu.memory_space<semaphore_mem>>)
        %dma_wait3A_131 = arith.constant 0 : i32
        %dma_wait3A_132 = arith.constant 0 : i32
        %dma_wait3A_133 = arith.constant 0 : i32
        %dma_wait3A_134 = tpu.memref_slice %arg4[%dma_wait3A_131, %dma_wait3A_132, %dma_wait3A_133] : memref<80x8x128xf32, #tpu.memory_space<vmem>> -> memref<16x8x128xf32, #tpu.memory_space<vmem>>
        %dma_wait3A_135 = tpu.memref_slice %arg2[%while3A_111, %multiple_of3A, %multiple_of3A_32] : memref<2048x64x256xf32, #tpu.memory_space<hbm>> -> memref<16x8x128xf32, #tpu.memory_space<hbm>>
        %dma_wait3A_136 = arith.constant 0 : i32
        %dma_wait3A_137 = arith.constant 0 : i32
        %dma_wait3A_138 = arith.constant 0 : i32
        %dma_wait3A_139 = tpu.memref_slice %arg4[%dma_wait3A_136, %dma_wait3A_137, %dma_wait3A_138] : memref<80x8x128xf32, #tpu.memory_space<vmem>> -> memref<16x8x128xf32, #tpu.memory_space<vmem>>
        %dma_wait3A_140 = tpu.memref_slice %arg2[%while3A_111, %multiple_of3A, %multiple_of3A_32] : memref<2048x64x256xf32, #tpu.memory_space<hbm>> -> memref<16x8x128xf32, #tpu.memory_space<hbm>>
        tpu.wait_dma2 semaphore(%run_scoped3A : memref<!tpu.dma_semaphore, #tpu.memory_space<semaphore_mem>>) src(%dma_wait3A_140 : memref<16x8x128xf32, #tpu.memory_space<hbm>>) dst(%dma_wait3A_139 : memref<16x8x128xf32, #tpu.memory_space<vmem>>)
        tpu.yield
      }) : () -> ()
      %scan3A_113 = arith.constant 0 : i32
      %scan3A_114 = arith.constant 32 : i32
      %scan3A_115 = arith.addi %scan3A_113, %scan3A_114 : i32
      %scan3A_116 = arith.constant 1 : i32
      %scan3A_117 = scf.for %scan3A_121 = %scan3A_113 to %scan3A_115 step %scan3A_116 iter_args(%scan3A_122 = %while3A_112) -> (i32)  : i32 {
        %shift_right_arithmetic3A = arith.shrsi %scan3A_122, %scan3A_121 : i32
        %and3A_123 = arith.constant 1 : i32
        %and3A_124 = arith.andi %shift_right_arithmetic3A, %and3A_123 : i32
        %ne3A_125 = arith.constant 0 : i32
        %ne3A_126 = arith.cmpi ne, %and3A_124, %ne3A_125 : i32
        %convert_element_type3A_127 = arith.extui %ne3A_126 : i1 to i32
        %cond3A_128 = arith.constant 0 : i32
        %cond3A_129 = arith.cmpi ne, %convert_element_type3A_127, %cond3A_128 : i32
        %cond3A_130 = scf.if %cond3A_129 -> (i32) {
          %jit3A_131 = arith.constant 8 : i32
          %div3A_132 = arith.divsi %scan3A_121, %jit3A_131 : i32
          %sign3A_133 = arith.constant 0 : i32
          %sign3A_134 = arith.cmpi sgt, %scan3A_121, %sign3A_133 : i32
          %sign3A_135 = arith.extui %sign3A_134 : i1 to i32
          %sign3A_136 = arith.constant 0 : i32
          %sign3A_137 = arith.cmpi slt, %scan3A_121, %sign3A_136 : i32
          %sign3A_138 = arith.extui %sign3A_137 : i1 to i32
          %sign3A_139 = arith.subi %sign3A_135, %sign3A_138 : i32
          %sign3A_140 = arith.constant 0 : i32
          %sign3A_141 = arith.cmpi sgt, %jit3A_131, %sign3A_140 : i32
          %sign3A_142 = arith.extui %sign3A_141 : i1 to i32
          %sign3A_143 = arith.constant 0 : i32
          %sign3A_144 = arith.cmpi slt, %jit3A_131, %sign3A_143 : i32
          %sign3A_145 = arith.extui %sign3A_144 : i1 to i32
          %sign3A_146 = arith.subi %sign3A_142, %sign3A_145 : i32
          %ne3A_147 = arith.cmpi ne, %sign3A_139, %sign3A_146 : i32
          %rem3A_148 = arith.remsi %scan3A_121, %jit3A_131 : i32
          %ne3A_149 = arith.constant 0 : i32
          %ne3A_150 = arith.cmpi ne, %rem3A_148, %ne3A_149 : i32
          %and3A_151 = arith.andi %ne3A_147, %ne3A_150 : i1
          %sub3A_152 = arith.constant 1 : i32
          %sub3A_153 = arith.subi %div3A_132, %sub3A_152 : i32
          %select_n3A_154 = arith.select %and3A_151, %sub3A_153, %div3A_132 : i32
          %jit3A_155 = arith.constant 8 : i32
          %eq3A_156 = arith.constant 0 : i32
          %eq3A_157 = arith.cmpi eq, %jit3A_155, %eq3A_156 : i32
          %jit3A_158 = arith.constant 1 : i32
          %select_n3A_159 = arith.select %eq3A_157, %jit3A_158, %jit3A_155 : i32
          %rem3A_160 = arith.remsi %scan3A_121, %select_n3A_159 : i32
          %ne3A_161 = arith.constant 0 : i32
          %ne3A_162 = arith.cmpi ne, %rem3A_160, %ne3A_161 : i32
          %lt3A_163 = arith.constant 0 : i32
          %lt3A_164 = arith.cmpi slt, %rem3A_160, %lt3A_163 : i32
          %lt3A_165 = arith.constant 0 : i32
          %lt3A_166 = arith.cmpi slt, %select_n3A_159, %lt3A_165 : i32
          %ne3A_167 = arith.xori %lt3A_164, %lt3A_166 : i1
          %and3A_168 = arith.andi %ne3A_167, %ne3A_162 : i1
          %add3A_169 = arith.addi %rem3A_160, %select_n3A_159 : i32
          %select_n3A_170 = arith.select %and3A_168, %add3A_169, %rem3A_160 : i32
          %mul3A_171 = arith.constant 16 : i32
          %mul3A_172 = arith.muli %select_n3A_170, %mul3A_171 : i32
          %add3A_173 = arith.addi %mul3A_34, %select_n3A_154 : i32
          %broadcast_in_dim3A_174 = vector.broadcast %select_n3A_154 : i32 to vector<16xi32>
          %add3A_175 = vector.broadcast %mul3A_172 : i32 to vector<16xi32>
          %add3A_176 = arith.addi %add3A_175, %iota3A : vector<16xi32>
          %convert_element_type3A_177 = arith.sitofp %while3A_111 : i32 to f32
          %broadcast_in_dim3A_178 = vector.broadcast %convert_element_type3A_177 : f32 to vector<16xf32>
          %get3A = arith.index_cast %scan3A_121 : i32 to index
          %get3A_179 = arith.constant 0 : index
          %get3A_180 = tpu.vector_load %arg6[%get3A, %get3A_179] {strides = array<i32>} : memref<32x16xi32, #tpu.memory_space<vmem>>, vector<16xi32>,
          %scan3A_181 = arith.constant 0 : i32
          %scan3A_182 = arith.constant 16 : i32
          %scan3A_183 = arith.addi %scan3A_181, %scan3A_182 : i32
          %scan3A_184 = arith.constant 1 : i32
          %scan3A_185:2 = scf.for %scan3A_199 = %scan3A_181 to %scan3A_183 step %scan3A_184 iter_args(%scan3A_200 = %get3A_180, %scan3A_201 = %broadcast_in_dim3A_178) -> (vector<16xi32>, vector<16xf32>)  : i32 {
            %get3A_202 = arith.index_cast %scan3A_199 : i32 to index
            %get3A_203 = arith.index_cast %add3A_173 : i32 to index
            %get3A_204 = arith.index_cast %mul3A_172 : i32 to index
            %get3A_205 = tpu.vector_load %arg4[%get3A_202, %get3A_203, %get3A_204] {strides = array<i32>} : memref<80x8x128xf32, #tpu.memory_space<vmem>>, vector<16xf32>,
            %gt3A = arith.constant 0.000000e+00 : f32
            %gt3A_206 = vector.broadcast %gt3A : f32 to vector<16xf32>
            %gt3A_207 = arith.cmpf ogt, %get3A_205, %gt3A_206 : vector<16xf32>
            %mul3A_208 = arith.mulf %scan3A_201, %broadcast_in_dim3A_79 : vector<16xf32>
            tpu.vector_store_idx %arg5[%scan3A_200, %broadcast_in_dim3A_174, %add3A_176], %mul3A_208 masked %gt3A_207 : memref<32x4x128xf32, #tpu.memory_space<vmem>>[vector<16xi32>, vector<16xi32>, vector<16xi32>], vector<16xf32>, vector<16xi1>
            %select_n3A_209 = arith.select %gt3A_207, %broadcast_in_dim3A_71, %broadcast_in_dim3A_73 : vector<16xi1>, vector<16xi32>
            %add3A_210 = arith.addi %scan3A_200, %select_n3A_209 : vector<16xi32>
            %min3A = arith.minsi %add3A_210, %broadcast_in_dim3A_75 : vector<16xi32>
            %add3A_211 = arith.addf %scan3A_201, %broadcast_in_dim3A_77 : vector<16xf32>
            scf.yield %min3A, %add3A_211 : vector<16xi32>, vector<16xf32>
          }
          %scan3A_186 = arith.constant 16 : i32
          %swap3A = arith.index_cast %scan3A_121 : i32 to index
          %swap3A_187 = arith.constant 0 : index
          %swap3A_188 = tpu.vector_load %arg6[%swap3A, %swap3A_187] {strides = array<i32>} : memref<32x16xi32, #tpu.memory_space<vmem>>, vector<16xi32>,
          tpu.vector_store %arg6[%swap3A, %swap3A_187], %scan3A_185#0 {strides = array<i32>} : memref<32x16xi32, #tpu.memory_space<vmem>>, vector<16xi32>,
          %lt3A_189 = arith.constant 16 : i32
          %lt3A_190 = vector.broadcast %lt3A_189 : i32 to vector<16xi32>
          %lt3A_191 = arith.cmpi slt, %scan3A_185#0, %lt3A_190 : vector<16xi32>
          %all_reduce_population_count3A = tpu.all_reduce %lt3A_191 {dim = 0 : i64, kind = #tpu.reduction_kind<sum>} : vector<16xi1> -> vector<16xi32>
          %slice3A = vector.extract_strided_slice %all_reduce_population_count3A {offsets = [0], sizes = [1], strides = [1]} : vector<16xi32> to vector<1xi32>
          %squeeze3A = vector.extract %slice3A[0] : i32 from vector<1xi32>
          %eq3A_192 = arith.constant 0 : i32
          %eq3A_193 = arith.cmpi eq, %squeeze3A, %eq3A_192 : i32
          %shift_left3A = arith.constant 1 : i32
          %shift_left3A_194 = arith.shli %shift_left3A, %scan3A_121 : i32
          %jit3A_195 = arith.constant 0 : i32
          %select_n3A_196 = arith.select %eq3A_193, %shift_left3A_194, %jit3A_195 : i32
          %not3A = arith.constant -1 : i32
          %not3A_197 = arith.xori %select_n3A_196, %not3A : i32
          %and3A_198 = arith.andi %scan3A_122, %not3A_197 : i32
          scf.yield %and3A_198 : i32
        } else {
          scf.yield %scan3A_122 : i32
        }
        scf.yield %cond3A_130 : i32
      }
      %scan3A_118 = arith.constant 32 : i32
      %add3A_119 = arith.constant 16 : i32
      %add3A_120 = arith.addi %while3A_111, %add3A_119 : i32
      scf.yield %add3A_120, %scan3A_117 : i32, i32
    }
    %scan3A_92 = arith.constant 0 : i32
    %scan3A_93 = arith.constant 32 : i32
    %scan3A_94 = arith.addi %scan3A_92, %scan3A_93 : i32
    %scan3A_95 = arith.constant 1 : i32
    scf.for %scan3A_111 = %scan3A_92 to %scan3A_94 step %scan3A_95  : i32 {
      %shift_right_arithmetic3A = arith.shrsi %while3A_91#1, %scan3A_111 : i32
      %and3A_112 = arith.constant 1 : i32
      %and3A_113 = arith.andi %shift_right_arithmetic3A, %and3A_112 : i32
      %ne3A_114 = arith.constant 0 : i32
      %ne3A_115 = arith.cmpi ne, %and3A_113, %ne3A_114 : i32
      %convert_element_type3A_116 = arith.extui %ne3A_115 : i1 to i32
      %cond3A_117 = arith.constant 0 : i32
      %cond3A_118 = arith.cmpi ne, %convert_element_type3A_116, %cond3A_117 : i32
      scf.if %cond3A_118 {
        %jit3A_119 = arith.constant 8 : i32
        %div3A_120 = arith.divsi %scan3A_111, %jit3A_119 : i32
        %sign3A_121 = arith.constant 0 : i32
        %sign3A_122 = arith.cmpi sgt, %scan3A_111, %sign3A_121 : i32
        %sign3A_123 = arith.extui %sign3A_122 : i1 to i32
        %sign3A_124 = arith.constant 0 : i32
        %sign3A_125 = arith.cmpi slt, %scan3A_111, %sign3A_124 : i32
        %sign3A_126 = arith.extui %sign3A_125 : i1 to i32
        %sign3A_127 = arith.subi %sign3A_123, %sign3A_126 : i32
        %sign3A_128 = arith.constant 0 : i32
        %sign3A_129 = arith.cmpi sgt, %jit3A_119, %sign3A_128 : i32
        %sign3A_130 = arith.extui %sign3A_129 : i1 to i32
        %sign3A_131 = arith.constant 0 : i32
        %sign3A_132 = arith.cmpi slt, %jit3A_119, %sign3A_131 : i32
        %sign3A_133 = arith.extui %sign3A_132 : i1 to i32
        %sign3A_134 = arith.subi %sign3A_130, %sign3A_133 : i32
        %ne3A_135 = arith.cmpi ne, %sign3A_127, %sign3A_134 : i32
        %rem3A_136 = arith.remsi %scan3A_111, %jit3A_119 : i32
        %ne3A_137 = arith.constant 0 : i32
        %ne3A_138 = arith.cmpi ne, %rem3A_136, %ne3A_137 : i32
        %and3A_139 = arith.andi %ne3A_135, %ne3A_138 : i1
        %sub3A_140 = arith.constant 1 : i32
        %sub3A_141 = arith.subi %div3A_120, %sub3A_140 : i32
        %select_n3A_142 = arith.select %and3A_139, %sub3A_141, %div3A_120 : i32
        %jit3A_143 = arith.constant 8 : i32
        %eq3A_144 = arith.constant 0 : i32
        %eq3A_145 = arith.cmpi eq, %jit3A_143, %eq3A_144 : i32
        %jit3A_146 = arith.constant 1 : i32
        %select_n3A_147 = arith.select %eq3A_145, %jit3A_146, %jit3A_143 : i32
        %rem3A_148 = arith.remsi %scan3A_111, %select_n3A_147 : i32
        %ne3A_149 = arith.constant 0 : i32
        %ne3A_150 = arith.cmpi ne, %rem3A_148, %ne3A_149 : i32
        %lt3A_151 = arith.constant 0 : i32
        %lt3A_152 = arith.cmpi slt, %rem3A_148, %lt3A_151 : i32
        %lt3A_153 = arith.constant 0 : i32
        %lt3A_154 = arith.cmpi slt, %select_n3A_147, %lt3A_153 : i32
        %ne3A_155 = arith.xori %lt3A_152, %lt3A_154 : i1
        %and3A_156 = arith.andi %ne3A_155, %ne3A_150 : i1
        %add3A_157 = arith.addi %rem3A_148, %select_n3A_147 : i32
        %select_n3A_158 = arith.select %and3A_156, %add3A_157, %rem3A_148 : i32
        %mul3A_159 = arith.constant 16 : i32
        %mul3A_160 = arith.muli %select_n3A_158, %mul3A_159 : i32
        %add3A_161 = arith.addi %mul3A_34, %select_n3A_142 : i32
        %broadcast_in_dim3A_162 = vector.broadcast %select_n3A_142 : i32 to vector<16xi32>
        %add3A_163 = vector.broadcast %mul3A_160 : i32 to vector<16xi32>
        %add3A_164 = arith.addi %add3A_163, %iota3A : vector<16xi32>
        %get3A = arith.index_cast %scan3A_111 : i32 to index
        %get3A_165 = arith.constant 0 : index
        %get3A_166 = tpu.vector_load %arg6[%get3A, %get3A_165] {strides = array<i32>} : memref<32x16xi32, #tpu.memory_space<vmem>>, vector<16xi32>,
        %le3A = arith.constant 0 : i32
        %le3A_167 = vector.broadcast %le3A : i32 to vector<16xi32>
        %le3A_168 = arith.cmpi sle, %get3A_166, %le3A_167 : vector<16xi32>
        %broadcast_in_dim3A_169 = arith.constant 0 : i32
        %broadcast_in_dim3A_170 = vector.broadcast %broadcast_in_dim3A_169 : i32 to vector<16xi32>
        tpu.vector_store_idx %arg5[%broadcast_in_dim3A_170, %broadcast_in_dim3A_162, %add3A_164], %broadcast_in_dim3A_69 masked %le3A_168 : memref<32x4x128xf32, #tpu.memory_space<vmem>>[vector<16xi32>, vector<16xi32>, vector<16xi32>], vector<16xf32>, vector<16xi1>
        %le3A_171 = arith.constant 1 : i32
        %le3A_172 = vector.broadcast %le3A_171 : i32 to vector<16xi32>
        %le3A_173 = arith.cmpi sle, %get3A_166, %le3A_172 : vector<16xi32>
        %broadcast_in_dim3A_174 = arith.constant 1 : i32
        %broadcast_in_dim3A_175 = vector.broadcast %broadcast_in_dim3A_174 : i32 to vector<16xi32>
        tpu.vector_store_idx %arg5[%broadcast_in_dim3A_175, %broadcast_in_dim3A_162, %add3A_164], %broadcast_in_dim3A_69 masked %le3A_173 : memref<32x4x128xf32, #tpu.memory_space<vmem>>[vector<16xi32>, vector<16xi32>, vector<16xi32>], vector<16xf32>, vector<16xi1>
        %le3A_176 = arith.constant 2 : i32
        %le3A_177 = vector.broadcast %le3A_176 : i32 to vector<16xi32>
        %le3A_178 = arith.cmpi sle, %get3A_166, %le3A_177 : vector<16xi32>
        %broadcast_in_dim3A_179 = arith.constant 2 : i32
        %broadcast_in_dim3A_180 = vector.broadcast %broadcast_in_dim3A_179 : i32 to vector<16xi32>
        tpu.vector_store_idx %arg5[%broadcast_in_dim3A_180, %broadcast_in_dim3A_162, %add3A_164], %broadcast_in_dim3A_69 masked %le3A_178 : memref<32x4x128xf32, #tpu.memory_space<vmem>>[vector<16xi32>, vector<16xi32>, vector<16xi32>], vector<16xf32>, vector<16xi1>
        %le3A_181 = arith.constant 3 : i32
        %le3A_182 = vector.broadcast %le3A_181 : i32 to vector<16xi32>
        %le3A_183 = arith.cmpi sle, %get3A_166, %le3A_182 : vector<16xi32>
        %broadcast_in_dim3A_184 = arith.constant 3 : i32
        %broadcast_in_dim3A_185 = vector.broadcast %broadcast_in_dim3A_184 : i32 to vector<16xi32>
        tpu.vector_store_idx %arg5[%broadcast_in_dim3A_185, %broadcast_in_dim3A_162, %add3A_164], %broadcast_in_dim3A_69 masked %le3A_183 : memref<32x4x128xf32, #tpu.memory_space<vmem>>[vector<16xi32>, vector<16xi32>, vector<16xi32>], vector<16xf32>, vector<16xi1>
        %le3A_186 = arith.constant 4 : i32
        %le3A_187 = vector.broadcast %le3A_186 : i32 to vector<16xi32>
        %le3A_188 = arith.cmpi sle, %get3A_166, %le3A_187 : vector<16xi32>
        %broadcast_in_dim3A_189 = arith.constant 4 : i32
        %broadcast_in_dim3A_190 = vector.broadcast %broadcast_in_dim3A_189 : i32 to vector<16xi32>
        tpu.vector_store_idx %arg5[%broadcast_in_dim3A_190, %broadcast_in_dim3A_162, %add3A_164], %broadcast_in_dim3A_69 masked %le3A_188 : memref<32x4x128xf32, #tpu.memory_space<vmem>>[vector<16xi32>, vector<16xi32>, vector<16xi32>], vector<16xf32>, vector<16xi1>
        %le3A_191 = arith.constant 5 : i32
        %le3A_192 = vector.broadcast %le3A_191 : i32 to vector<16xi32>
        %le3A_193 = arith.cmpi sle, %get3A_166, %le3A_192 : vector<16xi32>
        %broadcast_in_dim3A_194 = arith.constant 5 : i32
        %broadcast_in_dim3A_195 = vector.broadcast %broadcast_in_dim3A_194 : i32 to vector<16xi32>
        tpu.vector_store_idx %arg5[%broadcast_in_dim3A_195, %broadcast_in_dim3A_162, %add3A_164], %broadcast_in_dim3A_69 masked %le3A_193 : memref<32x4x128xf32, #tpu.memory_space<vmem>>[vector<16xi32>, vector<16xi32>, vector<16xi32>], vector<16xf32>, vector<16xi1>
        %le3A_196 = arith.constant 6 : i32
        %le3A_197 = vector.broadcast %le3A_196 : i32 to vector<16xi32>
        %le3A_198 = arith.cmpi sle, %get3A_166, %le3A_197 : vector<16xi32>
        %broadcast_in_dim3A_199 = arith.constant 6 : i32
        %broadcast_in_dim3A_200 = vector.broadcast %broadcast_in_dim3A_199 : i32 to vector<16xi32>
        tpu.vector_store_idx %arg5[%broadcast_in_dim3A_200, %broadcast_in_dim3A_162, %add3A_164], %broadcast_in_dim3A_69 masked %le3A_198 : memref<32x4x128xf32, #tpu.memory_space<vmem>>[vector<16xi32>, vector<16xi32>, vector<16xi32>], vector<16xf32>, vector<16xi1>
        %le3A_201 = arith.constant 7 : i32
        %le3A_202 = vector.broadcast %le3A_201 : i32 to vector<16xi32>
        %le3A_203 = arith.cmpi sle, %get3A_166, %le3A_202 : vector<16xi32>
        %broadcast_in_dim3A_204 = arith.constant 7 : i32
        %broadcast_in_dim3A_205 = vector.broadcast %broadcast_in_dim3A_204 : i32 to vector<16xi32>
        tpu.vector_store_idx %arg5[%broadcast_in_dim3A_205, %broadcast_in_dim3A_162, %add3A_164], %broadcast_in_dim3A_69 masked %le3A_203 : memref<32x4x128xf32, #tpu.memory_space<vmem>>[vector<16xi32>, vector<16xi32>, vector<16xi32>], vector<16xf32>, vector<16xi1>
        %le3A_206 = arith.constant 8 : i32
        %le3A_207 = vector.broadcast %le3A_206 : i32 to vector<16xi32>
        %le3A_208 = arith.cmpi sle, %get3A_166, %le3A_207 : vector<16xi32>
        %broadcast_in_dim3A_209 = arith.constant 8 : i32
        %broadcast_in_dim3A_210 = vector.broadcast %broadcast_in_dim3A_209 : i32 to vector<16xi32>
        tpu.vector_store_idx %arg5[%broadcast_in_dim3A_210, %broadcast_in_dim3A_162, %add3A_164], %broadcast_in_dim3A_69 masked %le3A_208 : memref<32x4x128xf32, #tpu.memory_space<vmem>>[vector<16xi32>, vector<16xi32>, vector<16xi32>], vector<16xf32>, vector<16xi1>
        %le3A_211 = arith.constant 9 : i32
        %le3A_212 = vector.broadcast %le3A_211 : i32 to vector<16xi32>
        %le3A_213 = arith.cmpi sle, %get3A_166, %le3A_212 : vector<16xi32>
        %broadcast_in_dim3A_214 = arith.constant 9 : i32
        %broadcast_in_dim3A_215 = vector.broadcast %broadcast_in_dim3A_214 : i32 to vector<16xi32>
        tpu.vector_store_idx %arg5[%broadcast_in_dim3A_215, %broadcast_in_dim3A_162, %add3A_164], %broadcast_in_dim3A_69 masked %le3A_213 : memref<32x4x128xf32, #tpu.memory_space<vmem>>[vector<16xi32>, vector<16xi32>, vector<16xi32>], vector<16xf32>, vector<16xi1>
        %le3A_216 = arith.constant 10 : i32
        %le3A_217 = vector.broadcast %le3A_216 : i32 to vector<16xi32>
        %le3A_218 = arith.cmpi sle, %get3A_166, %le3A_217 : vector<16xi32>
        %broadcast_in_dim3A_219 = arith.constant 10 : i32
        %broadcast_in_dim3A_220 = vector.broadcast %broadcast_in_dim3A_219 : i32 to vector<16xi32>
        tpu.vector_store_idx %arg5[%broadcast_in_dim3A_220, %broadcast_in_dim3A_162, %add3A_164], %broadcast_in_dim3A_69 masked %le3A_218 : memref<32x4x128xf32, #tpu.memory_space<vmem>>[vector<16xi32>, vector<16xi32>, vector<16xi32>], vector<16xf32>, vector<16xi1>
        %le3A_221 = arith.constant 11 : i32
        %le3A_222 = vector.broadcast %le3A_221 : i32 to vector<16xi32>
        %le3A_223 = arith.cmpi sle, %get3A_166, %le3A_222 : vector<16xi32>
        %broadcast_in_dim3A_224 = arith.constant 11 : i32
        %broadcast_in_dim3A_225 = vector.broadcast %broadcast_in_dim3A_224 : i32 to vector<16xi32>
        tpu.vector_store_idx %arg5[%broadcast_in_dim3A_225, %broadcast_in_dim3A_162, %add3A_164], %broadcast_in_dim3A_69 masked %le3A_223 : memref<32x4x128xf32, #tpu.memory_space<vmem>>[vector<16xi32>, vector<16xi32>, vector<16xi32>], vector<16xf32>, vector<16xi1>
        %le3A_226 = arith.constant 12 : i32
        %le3A_227 = vector.broadcast %le3A_226 : i32 to vector<16xi32>
        %le3A_228 = arith.cmpi sle, %get3A_166, %le3A_227 : vector<16xi32>
        %broadcast_in_dim3A_229 = arith.constant 12 : i32
        %broadcast_in_dim3A_230 = vector.broadcast %broadcast_in_dim3A_229 : i32 to vector<16xi32>
        tpu.vector_store_idx %arg5[%broadcast_in_dim3A_230, %broadcast_in_dim3A_162, %add3A_164], %broadcast_in_dim3A_69 masked %le3A_228 : memref<32x4x128xf32, #tpu.memory_space<vmem>>[vector<16xi32>, vector<16xi32>, vector<16xi32>], vector<16xf32>, vector<16xi1>
        %le3A_231 = arith.constant 13 : i32
        %le3A_232 = vector.broadcast %le3A_231 : i32 to vector<16xi32>
        %le3A_233 = arith.cmpi sle, %get3A_166, %le3A_232 : vector<16xi32>
        %broadcast_in_dim3A_234 = arith.constant 13 : i32
        %broadcast_in_dim3A_235 = vector.broadcast %broadcast_in_dim3A_234 : i32 to vector<16xi32>
        tpu.vector_store_idx %arg5[%broadcast_in_dim3A_235, %broadcast_in_dim3A_162, %add3A_164], %broadcast_in_dim3A_69 masked %le3A_233 : memref<32x4x128xf32, #tpu.memory_space<vmem>>[vector<16xi32>, vector<16xi32>, vector<16xi32>], vector<16xf32>, vector<16xi1>
        %le3A_236 = arith.constant 14 : i32
        %le3A_237 = vector.broadcast %le3A_236 : i32 to vector<16xi32>
        %le3A_238 = arith.cmpi sle, %get3A_166, %le3A_237 : vector<16xi32>
        %broadcast_in_dim3A_239 = arith.constant 14 : i32
        %broadcast_in_dim3A_240 = vector.broadcast %broadcast_in_dim3A_239 : i32 to vector<16xi32>
        tpu.vector_store_idx %arg5[%broadcast_in_dim3A_240, %broadcast_in_dim3A_162, %add3A_164], %broadcast_in_dim3A_69 masked %le3A_238 : memref<32x4x128xf32, #tpu.memory_space<vmem>>[vector<16xi32>, vector<16xi32>, vector<16xi32>], vector<16xf32>, vector<16xi1>
        %le3A_241 = arith.constant 15 : i32
        %le3A_242 = vector.broadcast %le3A_241 : i32 to vector<16xi32>
        %le3A_243 = arith.cmpi sle, %get3A_166, %le3A_242 : vector<16xi32>
        %broadcast_in_dim3A_244 = arith.constant 15 : i32
        %broadcast_in_dim3A_245 = vector.broadcast %broadcast_in_dim3A_244 : i32 to vector<16xi32>
        tpu.vector_store_idx %arg5[%broadcast_in_dim3A_245, %broadcast_in_dim3A_162, %add3A_164], %broadcast_in_dim3A_69 masked %le3A_243 : memref<32x4x128xf32, #tpu.memory_space<vmem>>[vector<16xi32>, vector<16xi32>, vector<16xi32>], vector<16xf32>, vector<16xi1>
      } else {
      }
    }
    %scan3A_96 = arith.constant 32 : i32
    %sub3A_97 = arith.constant 1 : i32
    %sub3A_98 = arith.subi %sub3A_97, %select_n3A_28 : i32
    %mul3A_99 = arith.constant 8 : i32
    %mul3A_100 = arith.muli %select_n3A_28, %mul3A_99 : i32
    %mul3A_101 = arith.constant 8 : i32
    %mul3A_102 = arith.muli %sub3A_98, %mul3A_101 : i32
    "tpu.region"() ({
      %run_scoped3A = tpu.sem_alloc : memref<!tpu.dma_semaphore, #tpu.memory_space<semaphore_mem>>
      %dma_start3A_111 = arith.constant 0 : i32
      %dma_start3A_112 = arith.constant 0 : i32
      %dma_start3A_113 = tpu.memref_slice %arg5[%mul3A_102, %dma_start3A_111, %dma_start3A_112] : memref<32x4x128xf32, #tpu.memory_space<vmem>> -> memref<8x4x128xf32, #tpu.memory_space<vmem>>
      %dma_start3A_114 = arith.constant 0 : i32
      %dma_start3A_115 = arith.constant 0 : i32
      %dma_start3A_116 = arith.constant 0 : i32
      %dma_start3A_117 = tpu.memref_slice %arg7[%select_n3A_7, %select_n3A_28, %dma_start3A_114, %dma_start3A_115, %dma_start3A_116] : memref<8x2x8x4x128xf32, #tpu.memory_space<vmem_shared>> -> memref<1x1x8x4x128xf32, #tpu.memory_space<vmem_shared>>
      %dma_start3A_118 = tpu.memref_squeeze %dma_start3A_117 : memref<1x1x8x4x128xf32, #tpu.memory_space<vmem_shared>> -> memref<8x4x128xf32, #tpu.memory_space<vmem_shared>>
      %dma_start3A_119 = arith.constant 0 : i32
      %dma_start3A_120 = arith.constant 0 : i32
      %dma_start3A_121 = arith.constant 0 : i32
      %dma_start3A_122 = tpu.memref_slice %arg7[%select_n3A_7, %select_n3A_28, %dma_start3A_119, %dma_start3A_120, %dma_start3A_121] : memref<8x2x8x4x128xf32, #tpu.memory_space<vmem_shared>> -> memref<1x1x8x4x128xf32, #tpu.memory_space<vmem_shared>>
      %dma_start3A_123 = tpu.memref_squeeze %dma_start3A_122 : memref<1x1x8x4x128xf32, #tpu.memory_space<vmem_shared>> -> memref<8x4x128xf32, #tpu.memory_space<vmem_shared>>
      %dma_start3A_124 = arith.constant 0 : i32
      %dma_start3A_125 = arith.constant 0 : i32
      %dma_start3A_126 = tpu.memref_slice %arg5[%mul3A_102, %dma_start3A_124, %dma_start3A_125] : memref<32x4x128xf32, #tpu.memory_space<vmem>> -> memref<8x4x128xf32, #tpu.memory_space<vmem>>
      tpu.enqueue_dma source(%dma_start3A_126 : memref<8x4x128xf32, #tpu.memory_space<vmem>>) target(%dma_start3A_123 : memref<8x4x128xf32, #tpu.memory_space<vmem_shared>>) target_semaphore(%run_scoped3A : memref<!tpu.dma_semaphore, #tpu.memory_space<semaphore_mem>>)
      %dma_wait3A_127 = arith.constant 0 : i32
      %dma_wait3A_128 = arith.constant 0 : i32
      %dma_wait3A_129 = tpu.memref_slice %arg5[%mul3A_102, %dma_wait3A_127, %dma_wait3A_128] : memref<32x4x128xf32, #tpu.memory_space<vmem>> -> memref<8x4x128xf32, #tpu.memory_space<vmem>>
      %dma_wait3A_130 = arith.constant 0 : i32
      %dma_wait3A_131 = arith.constant 0 : i32
      %dma_wait3A_132 = arith.constant 0 : i32
      %dma_wait3A_133 = tpu.memref_slice %arg7[%select_n3A_7, %select_n3A_28, %dma_wait3A_130, %dma_wait3A_131, %dma_wait3A_132] : memref<8x2x8x4x128xf32, #tpu.memory_space<vmem_shared>> -> memref<1x1x8x4x128xf32, #tpu.memory_space<vmem_shared>>
      %dma_wait3A_134 = tpu.memref_squeeze %dma_wait3A_133 : memref<1x1x8x4x128xf32, #tpu.memory_space<vmem_shared>> -> memref<8x4x128xf32, #tpu.memory_space<vmem_shared>>
      %dma_wait3A_135 = arith.constant 0 : i32
      %dma_wait3A_136 = arith.constant 0 : i32
      %dma_wait3A_137 = arith.constant 0 : i32
      %dma_wait3A_138 = tpu.memref_slice %arg7[%select_n3A_7, %select_n3A_28, %dma_wait3A_135, %dma_wait3A_136, %dma_wait3A_137] : memref<8x2x8x4x128xf32, #tpu.memory_space<vmem_shared>> -> memref<1x1x8x4x128xf32, #tpu.memory_space<vmem_shared>>
      %dma_wait3A_139 = tpu.memref_squeeze %dma_wait3A_138 : memref<1x1x8x4x128xf32, #tpu.memory_space<vmem_shared>> -> memref<8x4x128xf32, #tpu.memory_space<vmem_shared>>
      %dma_wait3A_140 = arith.constant 0 : i32
      %dma_wait3A_141 = arith.constant 0 : i32
      %dma_wait3A_142 = tpu.memref_slice %arg5[%mul3A_102, %dma_wait3A_140, %dma_wait3A_141] : memref<32x4x128xf32, #tpu.memory_space<vmem>> -> memref<8x4x128xf32, #tpu.memory_space<vmem>>
      tpu.wait_dma2 semaphore(%run_scoped3A : memref<!tpu.dma_semaphore, #tpu.memory_space<semaphore_mem>>) src(%dma_wait3A_142 : memref<8x4x128xf32, #tpu.memory_space<vmem>>) dst(%dma_wait3A_139 : memref<8x4x128xf32, #tpu.memory_space<vmem_shared>>)
      tpu.yield
    }) : () -> ()
    %barrier3A = arith.constant 0 : index
    tpu.barrier barrier_id(%barrier3A)
    "tpu.region"() ({
      %run_scoped3A = tpu.sem_alloc : memref<!tpu.dma_semaphore, #tpu.memory_space<semaphore_mem>>
      %dma_start3A_111 = arith.constant 0 : i32
      %dma_start3A_112 = arith.constant 0 : i32
      %dma_start3A_113 = arith.constant 0 : i32
      %dma_start3A_114 = tpu.memref_slice %arg7[%select_n3A_7, %sub3A_98, %dma_start3A_111, %dma_start3A_112, %dma_start3A_113] : memref<8x2x8x4x128xf32, #tpu.memory_space<vmem_shared>> -> memref<1x1x8x4x128xf32, #tpu.memory_space<vmem_shared>>
      %dma_start3A_115 = tpu.memref_squeeze %dma_start3A_114 : memref<1x1x8x4x128xf32, #tpu.memory_space<vmem_shared>> -> memref<8x4x128xf32, #tpu.memory_space<vmem_shared>>
      %dma_start3A_116 = arith.constant 0 : i32
      %dma_start3A_117 = arith.constant 0 : i32
      %dma_start3A_118 = arith.constant 0 : i32
      %dma_start3A_119 = tpu.memref_slice %arg7[%select_n3A_7, %sub3A_98, %dma_start3A_116, %dma_start3A_117, %dma_start3A_118] : memref<8x2x8x4x128xf32, #tpu.memory_space<vmem_shared>> -> memref<1x1x8x4x128xf32, #tpu.memory_space<vmem_shared>>
      %dma_start3A_120 = tpu.memref_squeeze %dma_start3A_119 : memref<1x1x8x4x128xf32, #tpu.memory_space<vmem_shared>> -> memref<8x4x128xf32, #tpu.memory_space<vmem_shared>>
      tpu.enqueue_dma source(%dma_start3A_120 : memref<8x4x128xf32, #tpu.memory_space<vmem_shared>>) target(%arg8 : memref<8x4x128xf32, #tpu.memory_space<vmem>>) target_semaphore(%run_scoped3A : memref<!tpu.dma_semaphore, #tpu.memory_space<semaphore_mem>>)
      %dma_wait3A_121 = arith.constant 0 : i32
      %dma_wait3A_122 = arith.constant 0 : i32
      %dma_wait3A_123 = arith.constant 0 : i32
      %dma_wait3A_124 = tpu.memref_slice %arg7[%select_n3A_7, %sub3A_98, %dma_wait3A_121, %dma_wait3A_122, %dma_wait3A_123] : memref<8x2x8x4x128xf32, #tpu.memory_space<vmem_shared>> -> memref<1x1x8x4x128xf32, #tpu.memory_space<vmem_shared>>
      %dma_wait3A_125 = tpu.memref_squeeze %dma_wait3A_124 : memref<1x1x8x4x128xf32, #tpu.memory_space<vmem_shared>> -> memref<8x4x128xf32, #tpu.memory_space<vmem_shared>>
      %dma_wait3A_126 = arith.constant 0 : i32
      %dma_wait3A_127 = arith.constant 0 : i32
      %dma_wait3A_128 = arith.constant 0 : i32
      %dma_wait3A_129 = tpu.memref_slice %arg7[%select_n3A_7, %sub3A_98, %dma_wait3A_126, %dma_wait3A_127, %dma_wait3A_128] : memref<8x2x8x4x128xf32, #tpu.memory_space<vmem_shared>> -> memref<1x1x8x4x128xf32, #tpu.memory_space<vmem_shared>>
      %dma_wait3A_130 = tpu.memref_squeeze %dma_wait3A_129 : memref<1x1x8x4x128xf32, #tpu.memory_space<vmem_shared>> -> memref<8x4x128xf32, #tpu.memory_space<vmem_shared>>
      tpu.wait_dma2 semaphore(%run_scoped3A : memref<!tpu.dma_semaphore, #tpu.memory_space<semaphore_mem>>) src(%dma_wait3A_130 : memref<8x4x128xf32, #tpu.memory_space<vmem_shared>>) dst(%arg8 : memref<8x4x128xf32, #tpu.memory_space<vmem>>)
      tpu.yield
    }) : () -> ()
    %mul3A_103 = arith.constant 4 : i32
    %mul3A_104 = arith.muli %select_n3A_28, %mul3A_103 : i32
    %mul3A_105 = arith.constant 4 : i32
    %mul3A_106 = arith.muli %sub3A_98, %mul3A_105 : i32
    %parallel_loop3A = arith.constant 0 : i32
    %parallel_loop3A_107 = arith.constant 8 : i32
    %parallel_loop3A_108 = arith.constant 1 : i32
    %parallel_loop3A_109 = arith.constant 0 : i32
    %parallel_loop3A_110 = scf.for %parallel_loop3A_111 = %parallel_loop3A to %parallel_loop3A_107 step %parallel_loop3A_108 iter_args(%parallel_loop3A_112 = %parallel_loop3A_109) -> (i32)  : i32 {
      %parallel_loop3A_113 = arith.addi %mul3A_100, %parallel_loop3A_111 : i32
      %parallel_loop3A_114 = arith.constant 0 : i32
      %parallel_loop3A_115 = arith.index_cast %parallel_loop3A_113 : i32 to index
      %parallel_loop3A_116 = arith.index_cast %parallel_loop3A_114 : i32 to index
      %parallel_loop3A_117 = arith.constant 0 : index
      %parallel_loop3A_118 = tpu.vector_load %arg5[%parallel_loop3A_115, %parallel_loop3A_116, %parallel_loop3A_117] {strides = array<i32>} : memref<32x4x128xf32, #tpu.memory_space<vmem>>, vector<16xf32>,
      %parallel_loop3A_119 = arith.constant 0 : i32
      %parallel_loop3A_120 = arith.addi %mul3A_104, %parallel_loop3A_119 : i32
      %parallel_loop3A_121 = arith.index_cast %parallel_loop3A_111 : i32 to index
      %parallel_loop3A_122 = arith.index_cast %parallel_loop3A_120 : i32 to index
      %parallel_loop3A_123 = arith.constant 0 : index
      %parallel_loop3A_124 = tpu.vector_load %arg9[%parallel_loop3A_121, %parallel_loop3A_122, %parallel_loop3A_123] {strides = array<i32>} : memref<8x8x128xf32, #tpu.memory_space<vmem>>, vector<16xf32>,
      tpu.vector_store %arg9[%parallel_loop3A_121, %parallel_loop3A_122, %parallel_loop3A_123], %parallel_loop3A_118 {strides = array<i32>} : memref<8x8x128xf32, #tpu.memory_space<vmem>>, vector<16xf32>,
      %parallel_loop3A_125 = arith.constant 0 : i32
      %parallel_loop3A_126 = arith.index_cast %parallel_loop3A_111 : i32 to index
      %parallel_loop3A_127 = arith.index_cast %parallel_loop3A_125 : i32 to index
      %parallel_loop3A_128 = arith.constant 0 : index
      %parallel_loop3A_129 = tpu.vector_load %arg8[%parallel_loop3A_126, %parallel_loop3A_127, %parallel_loop3A_128] {strides = array<i32>} : memref<8x4x128xf32, #tpu.memory_space<vmem>>, vector<16xf32>,
      %parallel_loop3A_130 = arith.constant 0 : i32
      %parallel_loop3A_131 = arith.addi %mul3A_106, %parallel_loop3A_130 : i32
      %parallel_loop3A_132 = arith.index_cast %parallel_loop3A_111 : i32 to index
      %parallel_loop3A_133 = arith.index_cast %parallel_loop3A_131 : i32 to index
      %parallel_loop3A_134 = arith.constant 0 : index
      %parallel_loop3A_135 = tpu.vector_load %arg9[%parallel_loop3A_132, %parallel_loop3A_133, %parallel_loop3A_134] {strides = array<i32>} : memref<8x8x128xf32, #tpu.memory_space<vmem>>, vector<16xf32>,
      tpu.vector_store %arg9[%parallel_loop3A_132, %parallel_loop3A_133, %parallel_loop3A_134], %parallel_loop3A_129 {strides = array<i32>} : memref<8x8x128xf32, #tpu.memory_space<vmem>>, vector<16xf32>,
      %parallel_loop3A_136 = arith.addi %mul3A_100, %parallel_loop3A_111 : i32
      %parallel_loop3A_137 = arith.constant 0 : i32
      %parallel_loop3A_138 = arith.index_cast %parallel_loop3A_136 : i32 to index
      %parallel_loop3A_139 = arith.index_cast %parallel_loop3A_137 : i32 to index
      %parallel_loop3A_140 = arith.constant 16 : index
      %parallel_loop3A_141 = tpu.vector_load %arg5[%parallel_loop3A_138, %parallel_loop3A_139, %parallel_loop3A_140] {strides = array<i32>} : memref<32x4x128xf32, #tpu.memory_space<vmem>>, vector<16xf32>,
      %parallel_loop3A_142 = arith.constant 0 : i32
      %parallel_loop3A_143 = arith.addi %mul3A_104, %parallel_loop3A_142 : i32
      %parallel_loop3A_144 = arith.index_cast %parallel_loop3A_111 : i32 to index
      %parallel_loop3A_145 = arith.index_cast %parallel_loop3A_143 : i32 to index
      %parallel_loop3A_146 = arith.constant 16 : index
      %parallel_loop3A_147 = tpu.vector_load %arg9[%parallel_loop3A_144, %parallel_loop3A_145, %parallel_loop3A_146] {strides = array<i32>} : memref<8x8x128xf32, #tpu.memory_space<vmem>>, vector<16xf32>,
      tpu.vector_store %arg9[%parallel_loop3A_144, %parallel_loop3A_145, %parallel_loop3A_146], %parallel_loop3A_141 {strides = array<i32>} : memref<8x8x128xf32, #tpu.memory_space<vmem>>, vector<16xf32>,
      %parallel_loop3A_148 = arith.constant 0 : i32
      %parallel_loop3A_149 = arith.index_cast %parallel_loop3A_111 : i32 to index
      %parallel_loop3A_150 = arith.index_cast %parallel_loop3A_148 : i32 to index
      %parallel_loop3A_151 = arith.constant 16 : index
      %parallel_loop3A_152 = tpu.vector_load %arg8[%parallel_loop3A_149, %parallel_loop3A_150, %parallel_loop3A_151] {strides = array<i32>} : memref<8x4x128xf32, #tpu.memory_space<vmem>>, vector<16xf32>,
      %parallel_loop3A_153 = arith.constant 0 : i32
      %parallel_loop3A_154 = arith.addi %mul3A_106, %parallel_loop3A_153 : i32
      %parallel_loop3A_155 = arith.index_cast %parallel_loop3A_111 : i32 to index
      %parallel_loop3A_156 = arith.index_cast %parallel_loop3A_154 : i32 to index
      %parallel_loop3A_157 = arith.constant 16 : index
      %parallel_loop3A_158 = tpu.vector_load %arg9[%parallel_loop3A_155, %parallel_loop3A_156, %parallel_loop3A_157] {strides = array<i32>} : memref<8x8x128xf32, #tpu.memory_space<vmem>>, vector<16xf32>,
      tpu.vector_store %arg9[%parallel_loop3A_155, %parallel_loop3A_156, %parallel_loop3A_157], %parallel_loop3A_152 {strides = array<i32>} : memref<8x8x128xf32, #tpu.memory_space<vmem>>, vector<16xf32>,
      %parallel_loop3A_159 = arith.addi %mul3A_100, %parallel_loop3A_111 : i32
      %parallel_loop3A_160 = arith.constant 0 : i32
      %parallel_loop3A_161 = arith.index_cast %parallel_loop3A_159 : i32 to index
      %parallel_loop3A_162 = arith.index_cast %parallel_loop3A_160 : i32 to index
      %parallel_loop3A_163 = arith.constant 32 : index
      %parallel_loop3A_164 = tpu.vector_load %arg5[%parallel_loop3A_161, %parallel_loop3A_162, %parallel_loop3A_163] {strides = array<i32>} : memref<32x4x128xf32, #tpu.memory_space<vmem>>, vector<16xf32>,
      %parallel_loop3A_165 = arith.constant 0 : i32
      %parallel_loop3A_166 = arith.addi %mul3A_104, %parallel_loop3A_165 : i32
      %parallel_loop3A_167 = arith.index_cast %parallel_loop3A_111 : i32 to index
      %parallel_loop3A_168 = arith.index_cast %parallel_loop3A_166 : i32 to index
      %parallel_loop3A_169 = arith.constant 32 : index
      %parallel_loop3A_170 = tpu.vector_load %arg9[%parallel_loop3A_167, %parallel_loop3A_168, %parallel_loop3A_169] {strides = array<i32>} : memref<8x8x128xf32, #tpu.memory_space<vmem>>, vector<16xf32>,
      tpu.vector_store %arg9[%parallel_loop3A_167, %parallel_loop3A_168, %parallel_loop3A_169], %parallel_loop3A_164 {strides = array<i32>} : memref<8x8x128xf32, #tpu.memory_space<vmem>>, vector<16xf32>,
      %parallel_loop3A_171 = arith.constant 0 : i32
      %parallel_loop3A_172 = arith.index_cast %parallel_loop3A_111 : i32 to index
      %parallel_loop3A_173 = arith.index_cast %parallel_loop3A_171 : i32 to index
      %parallel_loop3A_174 = arith.constant 32 : index
      %parallel_loop3A_175 = tpu.vector_load %arg8[%parallel_loop3A_172, %parallel_loop3A_173, %parallel_loop3A_174] {strides = array<i32>} : memref<8x4x128xf32, #tpu.memory_space<vmem>>, vector<16xf32>,
      %parallel_loop3A_176 = arith.constant 0 : i32
      %parallel_loop3A_177 = arith.addi %mul3A_106, %parallel_loop3A_176 : i32
      %parallel_loop3A_178 = arith.index_cast %parallel_loop3A_111 : i32 to index
      %parallel_loop3A_179 = arith.index_cast %parallel_loop3A_177 : i32 to index
      %parallel_loop3A_180 = arith.constant 32 : index
      %parallel_loop3A_181 = tpu.vector_load %arg9[%parallel_loop3A_178, %parallel_loop3A_179, %parallel_loop3A_180] {strides = array<i32>} : memref<8x8x128xf32, #tpu.memory_space<vmem>>, vector<16xf32>,
      tpu.vector_store %arg9[%parallel_loop3A_178, %parallel_loop3A_179, %parallel_loop3A_180], %parallel_loop3A_175 {strides = array<i32>} : memref<8x8x128xf32, #tpu.memory_space<vmem>>, vector<16xf32>,
      %parallel_loop3A_182 = arith.addi %mul3A_100, %parallel_loop3A_111 : i32
      %parallel_loop3A_183 = arith.constant 0 : i32
      %parallel_loop3A_184 = arith.index_cast %parallel_loop3A_182 : i32 to index
      %parallel_loop3A_185 = arith.index_cast %parallel_loop3A_183 : i32 to index
      %parallel_loop3A_186 = arith.constant 48 : index
      %parallel_loop3A_187 = tpu.vector_load %arg5[%parallel_loop3A_184, %parallel_loop3A_185, %parallel_loop3A_186] {strides = array<i32>} : memref<32x4x128xf32, #tpu.memory_space<vmem>>, vector<16xf32>,
      %parallel_loop3A_188 = arith.constant 0 : i32
      %parallel_loop3A_189 = arith.addi %mul3A_104, %parallel_loop3A_188 : i32
      %parallel_loop3A_190 = arith.index_cast %parallel_loop3A_111 : i32 to index
      %parallel_loop3A_191 = arith.index_cast %parallel_loop3A_189 : i32 to index
      %parallel_loop3A_192 = arith.constant 48 : index
      %parallel_loop3A_193 = tpu.vector_load %arg9[%parallel_loop3A_190, %parallel_loop3A_191, %parallel_loop3A_192] {strides = array<i32>} : memref<8x8x128xf32, #tpu.memory_space<vmem>>, vector<16xf32>,
      tpu.vector_store %arg9[%parallel_loop3A_190, %parallel_loop3A_191, %parallel_loop3A_192], %parallel_loop3A_187 {strides = array<i32>} : memref<8x8x128xf32, #tpu.memory_space<vmem>>, vector<16xf32>,
      %parallel_loop3A_194 = arith.constant 0 : i32
      %parallel_loop3A_195 = arith.index_cast %parallel_loop3A_111 : i32 to index
      %parallel_loop3A_196 = arith.index_cast %parallel_loop3A_194 : i32 to index
      %parallel_loop3A_197 = arith.constant 48 : index
      %parallel_loop3A_198 = tpu.vector_load %arg8[%parallel_loop3A_195, %parallel_loop3A_196, %parallel_loop3A_197] {strides = array<i32>} : memref<8x4x128xf32, #tpu.memory_space<vmem>>, vector<16xf32>,
      %parallel_loop3A_199 = arith.constant 0 : i32
      %parallel_loop3A_200 = arith.addi %mul3A_106, %parallel_loop3A_199 : i32
      %parallel_loop3A_201 = arith.index_cast %parallel_loop3A_111 : i32 to index
      %parallel_loop3A_202 = arith.index_cast %parallel_loop3A_200 : i32 to index
      %parallel_loop3A_203 = arith.constant 48 : index
      %parallel_loop3A_204 = tpu.vector_load %arg9[%parallel_loop3A_201, %parallel_loop3A_202, %parallel_loop3A_203] {strides = array<i32>} : memref<8x8x128xf32, #tpu.memory_space<vmem>>, vector<16xf32>,
      tpu.vector_store %arg9[%parallel_loop3A_201, %parallel_loop3A_202, %parallel_loop3A_203], %parallel_loop3A_198 {strides = array<i32>} : memref<8x8x128xf32, #tpu.memory_space<vmem>>, vector<16xf32>,
      %parallel_loop3A_205 = arith.addi %mul3A_100, %parallel_loop3A_111 : i32
      %parallel_loop3A_206 = arith.constant 0 : i32
      %parallel_loop3A_207 = arith.index_cast %parallel_loop3A_205 : i32 to index
      %parallel_loop3A_208 = arith.index_cast %parallel_loop3A_206 : i32 to index
      %parallel_loop3A_209 = arith.constant 64 : index
      %parallel_loop3A_210 = tpu.vector_load %arg5[%parallel_loop3A_207, %parallel_loop3A_208, %parallel_loop3A_209] {strides = array<i32>} : memref<32x4x128xf32, #tpu.memory_space<vmem>>, vector<16xf32>,
      %parallel_loop3A_211 = arith.constant 0 : i32
      %parallel_loop3A_212 = arith.addi %mul3A_104, %parallel_loop3A_211 : i32
      %parallel_loop3A_213 = arith.index_cast %parallel_loop3A_111 : i32 to index
      %parallel_loop3A_214 = arith.index_cast %parallel_loop3A_212 : i32 to index
      %parallel_loop3A_215 = arith.constant 64 : index
      %parallel_loop3A_216 = tpu.vector_load %arg9[%parallel_loop3A_213, %parallel_loop3A_214, %parallel_loop3A_215] {strides = array<i32>} : memref<8x8x128xf32, #tpu.memory_space<vmem>>, vector<16xf32>,
      tpu.vector_store %arg9[%parallel_loop3A_213, %parallel_loop3A_214, %parallel_loop3A_215], %parallel_loop3A_210 {strides = array<i32>} : memref<8x8x128xf32, #tpu.memory_space<vmem>>, vector<16xf32>,
      %parallel_loop3A_217 = arith.constant 0 : i32
      %parallel_loop3A_218 = arith.index_cast %parallel_loop3A_111 : i32 to index
      %parallel_loop3A_219 = arith.index_cast %parallel_loop3A_217 : i32 to index
      %parallel_loop3A_220 = arith.constant 64 : index
      %parallel_loop3A_221 = tpu.vector_load %arg8[%parallel_loop3A_218, %parallel_loop3A_219, %parallel_loop3A_220] {strides = array<i32>} : memref<8x4x128xf32, #tpu.memory_space<vmem>>, vector<16xf32>,
      %parallel_loop3A_222 = arith.constant 0 : i32
      %parallel_loop3A_223 = arith.addi %mul3A_106, %parallel_loop3A_222 : i32
      %parallel_loop3A_224 = arith.index_cast %parallel_loop3A_111 : i32 to index
      %parallel_loop3A_225 = arith.index_cast %parallel_loop3A_223 : i32 to index
      %parallel_loop3A_226 = arith.constant 64 : index
      %parallel_loop3A_227 = tpu.vector_load %arg9[%parallel_loop3A_224, %parallel_loop3A_225, %parallel_loop3A_226] {strides = array<i32>} : memref<8x8x128xf32, #tpu.memory_space<vmem>>, vector<16xf32>,
      tpu.vector_store %arg9[%parallel_loop3A_224, %parallel_loop3A_225, %parallel_loop3A_226], %parallel_loop3A_221 {strides = array<i32>} : memref<8x8x128xf32, #tpu.memory_space<vmem>>, vector<16xf32>,
      %parallel_loop3A_228 = arith.addi %mul3A_100, %parallel_loop3A_111 : i32
      %parallel_loop3A_229 = arith.constant 0 : i32
      %parallel_loop3A_230 = arith.index_cast %parallel_loop3A_228 : i32 to index
      %parallel_loop3A_231 = arith.index_cast %parallel_loop3A_229 : i32 to index
      %parallel_loop3A_232 = arith.constant 80 : index
      %parallel_loop3A_233 = tpu.vector_load %arg5[%parallel_loop3A_230, %parallel_loop3A_231, %parallel_loop3A_232] {strides = array<i32>} : memref<32x4x128xf32, #tpu.memory_space<vmem>>, vector<16xf32>,
      %parallel_loop3A_234 = arith.constant 0 : i32
      %parallel_loop3A_235 = arith.addi %mul3A_104, %parallel_loop3A_234 : i32
      %parallel_loop3A_236 = arith.index_cast %parallel_loop3A_111 : i32 to index
      %parallel_loop3A_237 = arith.index_cast %parallel_loop3A_235 : i32 to index
      %parallel_loop3A_238 = arith.constant 80 : index
      %parallel_loop3A_239 = tpu.vector_load %arg9[%parallel_loop3A_236, %parallel_loop3A_237, %parallel_loop3A_238] {strides = array<i32>} : memref<8x8x128xf32, #tpu.memory_space<vmem>>, vector<16xf32>,
      tpu.vector_store %arg9[%parallel_loop3A_236, %parallel_loop3A_237, %parallel_loop3A_238], %parallel_loop3A_233 {strides = array<i32>} : memref<8x8x128xf32, #tpu.memory_space<vmem>>, vector<16xf32>,
      %parallel_loop3A_240 = arith.constant 0 : i32
      %parallel_loop3A_241 = arith.index_cast %parallel_loop3A_111 : i32 to index
      %parallel_loop3A_242 = arith.index_cast %parallel_loop3A_240 : i32 to index
      %parallel_loop3A_243 = arith.constant 80 : index
      %parallel_loop3A_244 = tpu.vector_load %arg8[%parallel_loop3A_241, %parallel_loop3A_242, %parallel_loop3A_243] {strides = array<i32>} : memref<8x4x128xf32, #tpu.memory_space<vmem>>, vector<16xf32>,
      %parallel_loop3A_245 = arith.constant 0 : i32
      %parallel_loop3A_246 = arith.addi %mul3A_106, %parallel_loop3A_245 : i32
      %parallel_loop3A_247 = arith.index_cast %parallel_loop3A_111 : i32 to index
      %parallel_loop3A_248 = arith.index_cast %parallel_loop3A_246 : i32 to index
      %parallel_loop3A_249 = arith.constant 80 : index
      %parallel_loop3A_250 = tpu.vector_load %arg9[%parallel_loop3A_247, %parallel_loop3A_248, %parallel_loop3A_249] {strides = array<i32>} : memref<8x8x128xf32, #tpu.memory_space<vmem>>, vector<16xf32>,
      tpu.vector_store %arg9[%parallel_loop3A_247, %parallel_loop3A_248, %parallel_loop3A_249], %parallel_loop3A_244 {strides = array<i32>} : memref<8x8x128xf32, #tpu.memory_space<vmem>>, vector<16xf32>,
      %parallel_loop3A_251 = arith.addi %mul3A_100, %parallel_loop3A_111 : i32
      %parallel_loop3A_252 = arith.constant 0 : i32
      %parallel_loop3A_253 = arith.index_cast %parallel_loop3A_251 : i32 to index
      %parallel_loop3A_254 = arith.index_cast %parallel_loop3A_252 : i32 to index
      %parallel_loop3A_255 = arith.constant 96 : index
      %parallel_loop3A_256 = tpu.vector_load %arg5[%parallel_loop3A_253, %parallel_loop3A_254, %parallel_loop3A_255] {strides = array<i32>} : memref<32x4x128xf32, #tpu.memory_space<vmem>>, vector<16xf32>,
      %parallel_loop3A_257 = arith.constant 0 : i32
      %parallel_loop3A_258 = arith.addi %mul3A_104, %parallel_loop3A_257 : i32
      %parallel_loop3A_259 = arith.index_cast %parallel_loop3A_111 : i32 to index
      %parallel_loop3A_260 = arith.index_cast %parallel_loop3A_258 : i32 to index
      %parallel_loop3A_261 = arith.constant 96 : index
      %parallel_loop3A_262 = tpu.vector_load %arg9[%parallel_loop3A_259, %parallel_loop3A_260, %parallel_loop3A_261] {strides = array<i32>} : memref<8x8x128xf32, #tpu.memory_space<vmem>>, vector<16xf32>,
      tpu.vector_store %arg9[%parallel_loop3A_259, %parallel_loop3A_260, %parallel_loop3A_261], %parallel_loop3A_256 {strides = array<i32>} : memref<8x8x128xf32, #tpu.memory_space<vmem>>, vector<16xf32>,
      %parallel_loop3A_263 = arith.constant 0 : i32
      %parallel_loop3A_264 = arith.index_cast %parallel_loop3A_111 : i32 to index
      %parallel_loop3A_265 = arith.index_cast %parallel_loop3A_263 : i32 to index
      %parallel_loop3A_266 = arith.constant 96 : index
      %parallel_loop3A_267 = tpu.vector_load %arg8[%parallel_loop3A_264, %parallel_loop3A_265, %parallel_loop3A_266] {strides = array<i32>} : memref<8x4x128xf32, #tpu.memory_space<vmem>>, vector<16xf32>,
      %parallel_loop3A_268 = arith.constant 0 : i32
      %parallel_loop3A_269 = arith.addi %mul3A_106, %parallel_loop3A_268 : i32
      %parallel_loop3A_270 = arith.index_cast %parallel_loop3A_111 : i32 to index
      %parallel_loop3A_271 = arith.index_cast %parallel_loop3A_269 : i32 to index
      %parallel_loop3A_272 = arith.constant 96 : index
      %parallel_loop3A_273 = tpu.vector_load %arg9[%parallel_loop3A_270, %parallel_loop3A_271, %parallel_loop3A_272] {strides = array<i32>} : memref<8x8x128xf32, #tpu.memory_space<vmem>>, vector<16xf32>,
      tpu.vector_store %arg9[%parallel_loop3A_270, %parallel_loop3A_271, %parallel_loop3A_272], %parallel_loop3A_267 {strides = array<i32>} : memref<8x8x128xf32, #tpu.memory_space<vmem>>, vector<16xf32>,
      %parallel_loop3A_274 = arith.addi %mul3A_100, %parallel_loop3A_111 : i32
      %parallel_loop3A_275 = arith.constant 0 : i32
      %parallel_loop3A_276 = arith.index_cast %parallel_loop3A_274 : i32 to index
      %parallel_loop3A_277 = arith.index_cast %parallel_loop3A_275 : i32 to index
      %parallel_loop3A_278 = arith.constant 112 : index
      %parallel_loop3A_279 = tpu.vector_load %arg5[%parallel_loop3A_276, %parallel_loop3A_277, %parallel_loop3A_278] {strides = array<i32>} : memref<32x4x128xf32, #tpu.memory_space<vmem>>, vector<16xf32>,
      %parallel_loop3A_280 = arith.constant 0 : i32
      %parallel_loop3A_281 = arith.addi %mul3A_104, %parallel_loop3A_280 : i32
      %parallel_loop3A_282 = arith.index_cast %parallel_loop3A_111 : i32 to index
      %parallel_loop3A_283 = arith.index_cast %parallel_loop3A_281 : i32 to index
      %parallel_loop3A_284 = arith.constant 112 : index
      %parallel_loop3A_285 = tpu.vector_load %arg9[%parallel_loop3A_282, %parallel_loop3A_283, %parallel_loop3A_284] {strides = array<i32>} : memref<8x8x128xf32, #tpu.memory_space<vmem>>, vector<16xf32>,
      tpu.vector_store %arg9[%parallel_loop3A_282, %parallel_loop3A_283, %parallel_loop3A_284], %parallel_loop3A_279 {strides = array<i32>} : memref<8x8x128xf32, #tpu.memory_space<vmem>>, vector<16xf32>,
      %parallel_loop3A_286 = arith.constant 0 : i32
      %parallel_loop3A_287 = arith.index_cast %parallel_loop3A_111 : i32 to index
      %parallel_loop3A_288 = arith.index_cast %parallel_loop3A_286 : i32 to index
      %parallel_loop3A_289 = arith.constant 112 : index
      %parallel_loop3A_290 = tpu.vector_load %arg8[%parallel_loop3A_287, %parallel_loop3A_288, %parallel_loop3A_289] {strides = array<i32>} : memref<8x4x128xf32, #tpu.memory_space<vmem>>, vector<16xf32>,
      %parallel_loop3A_291 = arith.constant 0 : i32
      %parallel_loop3A_292 = arith.addi %mul3A_106, %parallel_loop3A_291 : i32
      %parallel_loop3A_293 = arith.index_cast %parallel_loop3A_111 : i32 to index
      %parallel_loop3A_294 = arith.index_cast %parallel_loop3A_292 : i32 to index
      %parallel_loop3A_295 = arith.constant 112 : index
      %parallel_loop3A_296 = tpu.vector_load %arg9[%parallel_loop3A_293, %parallel_loop3A_294, %parallel_loop3A_295] {strides = array<i32>} : memref<8x8x128xf32, #tpu.memory_space<vmem>>, vector<16xf32>,
      tpu.vector_store %arg9[%parallel_loop3A_293, %parallel_loop3A_294, %parallel_loop3A_295], %parallel_loop3A_290 {strides = array<i32>} : memref<8x8x128xf32, #tpu.memory_space<vmem>>, vector<16xf32>,
      %parallel_loop3A_297 = arith.addi %mul3A_100, %parallel_loop3A_111 : i32
      %parallel_loop3A_298 = arith.constant 1 : i32
      %parallel_loop3A_299 = arith.index_cast %parallel_loop3A_297 : i32 to index
      %parallel_loop3A_300 = arith.index_cast %parallel_loop3A_298 : i32 to index
      %parallel_loop3A_301 = arith.constant 0 : index
      %parallel_loop3A_302 = tpu.vector_load %arg5[%parallel_loop3A_299, %parallel_loop3A_300, %parallel_loop3A_301] {strides = array<i32>} : memref<32x4x128xf32, #tpu.memory_space<vmem>>, vector<16xf32>,
      %parallel_loop3A_303 = arith.constant 1 : i32
      %parallel_loop3A_304 = arith.addi %mul3A_104, %parallel_loop3A_303 : i32
      %parallel_loop3A_305 = arith.index_cast %parallel_loop3A_111 : i32 to index
      %parallel_loop3A_306 = arith.index_cast %parallel_loop3A_304 : i32 to index
      %parallel_loop3A_307 = arith.constant 0 : index
      %parallel_loop3A_308 = tpu.vector_load %arg9[%parallel_loop3A_305, %parallel_loop3A_306, %parallel_loop3A_307] {strides = array<i32>} : memref<8x8x128xf32, #tpu.memory_space<vmem>>, vector<16xf32>,
      tpu.vector_store %arg9[%parallel_loop3A_305, %parallel_loop3A_306, %parallel_loop3A_307], %parallel_loop3A_302 {strides = array<i32>} : memref<8x8x128xf32, #tpu.memory_space<vmem>>, vector<16xf32>,
      %parallel_loop3A_309 = arith.constant 1 : i32
      %parallel_loop3A_310 = arith.index_cast %parallel_loop3A_111 : i32 to index
      %parallel_loop3A_311 = arith.index_cast %parallel_loop3A_309 : i32 to index
      %parallel_loop3A_312 = arith.constant 0 : index
      %parallel_loop3A_313 = tpu.vector_load %arg8[%parallel_loop3A_310, %parallel_loop3A_311, %parallel_loop3A_312] {strides = array<i32>} : memref<8x4x128xf32, #tpu.memory_space<vmem>>, vector<16xf32>,
      %parallel_loop3A_314 = arith.constant 1 : i32
      %parallel_loop3A_315 = arith.addi %mul3A_106, %parallel_loop3A_314 : i32
      %parallel_loop3A_316 = arith.index_cast %parallel_loop3A_111 : i32 to index
      %parallel_loop3A_317 = arith.index_cast %parallel_loop3A_315 : i32 to index
      %parallel_loop3A_318 = arith.constant 0 : index
      %parallel_loop3A_319 = tpu.vector_load %arg9[%parallel_loop3A_316, %parallel_loop3A_317, %parallel_loop3A_318] {strides = array<i32>} : memref<8x8x128xf32, #tpu.memory_space<vmem>>, vector<16xf32>,
      tpu.vector_store %arg9[%parallel_loop3A_316, %parallel_loop3A_317, %parallel_loop3A_318], %parallel_loop3A_313 {strides = array<i32>} : memref<8x8x128xf32, #tpu.memory_space<vmem>>, vector<16xf32>,
      %parallel_loop3A_320 = arith.addi %mul3A_100, %parallel_loop3A_111 : i32
      %parallel_loop3A_321 = arith.constant 1 : i32
      %parallel_loop3A_322 = arith.index_cast %parallel_loop3A_320 : i32 to index
      %parallel_loop3A_323 = arith.index_cast %parallel_loop3A_321 : i32 to index
      %parallel_loop3A_324 = arith.constant 16 : index
      %parallel_loop3A_325 = tpu.vector_load %arg5[%parallel_loop3A_322, %parallel_loop3A_323, %parallel_loop3A_324] {strides = array<i32>} : memref<32x4x128xf32, #tpu.memory_space<vmem>>, vector<16xf32>,
      %parallel_loop3A_326 = arith.constant 1 : i32
      %parallel_loop3A_327 = arith.addi %mul3A_104, %parallel_loop3A_326 : i32
      %parallel_loop3A_328 = arith.index_cast %parallel_loop3A_111 : i32 to index
      %parallel_loop3A_329 = arith.index_cast %parallel_loop3A_327 : i32 to index
      %parallel_loop3A_330 = arith.constant 16 : index
      %parallel_loop3A_331 = tpu.vector_load %arg9[%parallel_loop3A_328, %parallel_loop3A_329, %parallel_loop3A_330] {strides = array<i32>} : memref<8x8x128xf32, #tpu.memory_space<vmem>>, vector<16xf32>,
      tpu.vector_store %arg9[%parallel_loop3A_328, %parallel_loop3A_329, %parallel_loop3A_330], %parallel_loop3A_325 {strides = array<i32>} : memref<8x8x128xf32, #tpu.memory_space<vmem>>, vector<16xf32>,
      %parallel_loop3A_332 = arith.constant 1 : i32
      %parallel_loop3A_333 = arith.index_cast %parallel_loop3A_111 : i32 to index
      %parallel_loop3A_334 = arith.index_cast %parallel_loop3A_332 : i32 to index
      %parallel_loop3A_335 = arith.constant 16 : index
      %parallel_loop3A_336 = tpu.vector_load %arg8[%parallel_loop3A_333, %parallel_loop3A_334, %parallel_loop3A_335] {strides = array<i32>} : memref<8x4x128xf32, #tpu.memory_space<vmem>>, vector<16xf32>,
      %parallel_loop3A_337 = arith.constant 1 : i32
      %parallel_loop3A_338 = arith.addi %mul3A_106, %parallel_loop3A_337 : i32
      %parallel_loop3A_339 = arith.index_cast %parallel_loop3A_111 : i32 to index
      %parallel_loop3A_340 = arith.index_cast %parallel_loop3A_338 : i32 to index
      %parallel_loop3A_341 = arith.constant 16 : index
      %parallel_loop3A_342 = tpu.vector_load %arg9[%parallel_loop3A_339, %parallel_loop3A_340, %parallel_loop3A_341] {strides = array<i32>} : memref<8x8x128xf32, #tpu.memory_space<vmem>>, vector<16xf32>,
      tpu.vector_store %arg9[%parallel_loop3A_339, %parallel_loop3A_340, %parallel_loop3A_341], %parallel_loop3A_336 {strides = array<i32>} : memref<8x8x128xf32, #tpu.memory_space<vmem>>, vector<16xf32>,
      %parallel_loop3A_343 = arith.addi %mul3A_100, %parallel_loop3A_111 : i32
      %parallel_loop3A_344 = arith.constant 1 : i32
      %parallel_loop3A_345 = arith.index_cast %parallel_loop3A_343 : i32 to index
      %parallel_loop3A_346 = arith.index_cast %parallel_loop3A_344 : i32 to index
      %parallel_loop3A_347 = arith.constant 32 : index
      %parallel_loop3A_348 = tpu.vector_load %arg5[%parallel_loop3A_345, %parallel_loop3A_346, %parallel_loop3A_347] {strides = array<i32>} : memref<32x4x128xf32, #tpu.memory_space<vmem>>, vector<16xf32>,
      %parallel_loop3A_349 = arith.constant 1 : i32
      %parallel_loop3A_350 = arith.addi %mul3A_104, %parallel_loop3A_349 : i32
      %parallel_loop3A_351 = arith.index_cast %parallel_loop3A_111 : i32 to index
      %parallel_loop3A_352 = arith.index_cast %parallel_loop3A_350 : i32 to index
      %parallel_loop3A_353 = arith.constant 32 : index
      %parallel_loop3A_354 = tpu.vector_load %arg9[%parallel_loop3A_351, %parallel_loop3A_352, %parallel_loop3A_353] {strides = array<i32>} : memref<8x8x128xf32, #tpu.memory_space<vmem>>, vector<16xf32>,
      tpu.vector_store %arg9[%parallel_loop3A_351, %parallel_loop3A_352, %parallel_loop3A_353], %parallel_loop3A_348 {strides = array<i32>} : memref<8x8x128xf32, #tpu.memory_space<vmem>>, vector<16xf32>,
      %parallel_loop3A_355 = arith.constant 1 : i32
      %parallel_loop3A_356 = arith.index_cast %parallel_loop3A_111 : i32 to index
      %parallel_loop3A_357 = arith.index_cast %parallel_loop3A_355 : i32 to index
      %parallel_loop3A_358 = arith.constant 32 : index
      %parallel_loop3A_359 = tpu.vector_load %arg8[%parallel_loop3A_356, %parallel_loop3A_357, %parallel_loop3A_358] {strides = array<i32>} : memref<8x4x128xf32, #tpu.memory_space<vmem>>, vector<16xf32>,
      %parallel_loop3A_360 = arith.constant 1 : i32
      %parallel_loop3A_361 = arith.addi %mul3A_106, %parallel_loop3A_360 : i32
      %parallel_loop3A_362 = arith.index_cast %parallel_loop3A_111 : i32 to index
      %parallel_loop3A_363 = arith.index_cast %parallel_loop3A_361 : i32 to index
      %parallel_loop3A_364 = arith.constant 32 : index
      %parallel_loop3A_365 = tpu.vector_load %arg9[%parallel_loop3A_362, %parallel_loop3A_363, %parallel_loop3A_364] {strides = array<i32>} : memref<8x8x128xf32, #tpu.memory_space<vmem>>, vector<16xf32>,
      tpu.vector_store %arg9[%parallel_loop3A_362, %parallel_loop3A_363, %parallel_loop3A_364], %parallel_loop3A_359 {strides = array<i32>} : memref<8x8x128xf32, #tpu.memory_space<vmem>>, vector<16xf32>,
      %parallel_loop3A_366 = arith.addi %mul3A_100, %parallel_loop3A_111 : i32
      %parallel_loop3A_367 = arith.constant 1 : i32
      %parallel_loop3A_368 = arith.index_cast %parallel_loop3A_366 : i32 to index
      %parallel_loop3A_369 = arith.index_cast %parallel_loop3A_367 : i32 to index
      %parallel_loop3A_370 = arith.constant 48 : index
      %parallel_loop3A_371 = tpu.vector_load %arg5[%parallel_loop3A_368, %parallel_loop3A_369, %parallel_loop3A_370] {strides = array<i32>} : memref<32x4x128xf32, #tpu.memory_space<vmem>>, vector<16xf32>,
      %parallel_loop3A_372 = arith.constant 1 : i32
      %parallel_loop3A_373 = arith.addi %mul3A_104, %parallel_loop3A_372 : i32
      %parallel_loop3A_374 = arith.index_cast %parallel_loop3A_111 : i32 to index
      %parallel_loop3A_375 = arith.index_cast %parallel_loop3A_373 : i32 to index
      %parallel_loop3A_376 = arith.constant 48 : index
      %parallel_loop3A_377 = tpu.vector_load %arg9[%parallel_loop3A_374, %parallel_loop3A_375, %parallel_loop3A_376] {strides = array<i32>} : memref<8x8x128xf32, #tpu.memory_space<vmem>>, vector<16xf32>,
      tpu.vector_store %arg9[%parallel_loop3A_374, %parallel_loop3A_375, %parallel_loop3A_376], %parallel_loop3A_371 {strides = array<i32>} : memref<8x8x128xf32, #tpu.memory_space<vmem>>, vector<16xf32>,
      %parallel_loop3A_378 = arith.constant 1 : i32
      %parallel_loop3A_379 = arith.index_cast %parallel_loop3A_111 : i32 to index
      %parallel_loop3A_380 = arith.index_cast %parallel_loop3A_378 : i32 to index
      %parallel_loop3A_381 = arith.constant 48 : index
      %parallel_loop3A_382 = tpu.vector_load %arg8[%parallel_loop3A_379, %parallel_loop3A_380, %parallel_loop3A_381] {strides = array<i32>} : memref<8x4x128xf32, #tpu.memory_space<vmem>>, vector<16xf32>,
      %parallel_loop3A_383 = arith.constant 1 : i32
      %parallel_loop3A_384 = arith.addi %mul3A_106, %parallel_loop3A_383 : i32
      %parallel_loop3A_385 = arith.index_cast %parallel_loop3A_111 : i32 to index
      %parallel_loop3A_386 = arith.index_cast %parallel_loop3A_384 : i32 to index
      %parallel_loop3A_387 = arith.constant 48 : index
      %parallel_loop3A_388 = tpu.vector_load %arg9[%parallel_loop3A_385, %parallel_loop3A_386, %parallel_loop3A_387] {strides = array<i32>} : memref<8x8x128xf32, #tpu.memory_space<vmem>>, vector<16xf32>,
      tpu.vector_store %arg9[%parallel_loop3A_385, %parallel_loop3A_386, %parallel_loop3A_387], %parallel_loop3A_382 {strides = array<i32>} : memref<8x8x128xf32, #tpu.memory_space<vmem>>, vector<16xf32>,
      %parallel_loop3A_389 = arith.addi %mul3A_100, %parallel_loop3A_111 : i32
      %parallel_loop3A_390 = arith.constant 1 : i32
      %parallel_loop3A_391 = arith.index_cast %parallel_loop3A_389 : i32 to index
      %parallel_loop3A_392 = arith.index_cast %parallel_loop3A_390 : i32 to index
      %parallel_loop3A_393 = arith.constant 64 : index
      %parallel_loop3A_394 = tpu.vector_load %arg5[%parallel_loop3A_391, %parallel_loop3A_392, %parallel_loop3A_393] {strides = array<i32>} : memref<32x4x128xf32, #tpu.memory_space<vmem>>, vector<16xf32>,
      %parallel_loop3A_395 = arith.constant 1 : i32
      %parallel_loop3A_396 = arith.addi %mul3A_104, %parallel_loop3A_395 : i32
      %parallel_loop3A_397 = arith.index_cast %parallel_loop3A_111 : i32 to index
      %parallel_loop3A_398 = arith.index_cast %parallel_loop3A_396 : i32 to index
      %parallel_loop3A_399 = arith.constant 64 : index
      %parallel_loop3A_400 = tpu.vector_load %arg9[%parallel_loop3A_397, %parallel_loop3A_398, %parallel_loop3A_399] {strides = array<i32>} : memref<8x8x128xf32, #tpu.memory_space<vmem>>, vector<16xf32>,
      tpu.vector_store %arg9[%parallel_loop3A_397, %parallel_loop3A_398, %parallel_loop3A_399], %parallel_loop3A_394 {strides = array<i32>} : memref<8x8x128xf32, #tpu.memory_space<vmem>>, vector<16xf32>,
      %parallel_loop3A_401 = arith.constant 1 : i32
      %parallel_loop3A_402 = arith.index_cast %parallel_loop3A_111 : i32 to index
      %parallel_loop3A_403 = arith.index_cast %parallel_loop3A_401 : i32 to index
      %parallel_loop3A_404 = arith.constant 64 : index
      %parallel_loop3A_405 = tpu.vector_load %arg8[%parallel_loop3A_402, %parallel_loop3A_403, %parallel_loop3A_404] {strides = array<i32>} : memref<8x4x128xf32, #tpu.memory_space<vmem>>, vector<16xf32>,
      %parallel_loop3A_406 = arith.constant 1 : i32
      %parallel_loop3A_407 = arith.addi %mul3A_106, %parallel_loop3A_406 : i32
      %parallel_loop3A_408 = arith.index_cast %parallel_loop3A_111 : i32 to index
      %parallel_loop3A_409 = arith.index_cast %parallel_loop3A_407 : i32 to index
      %parallel_loop3A_410 = arith.constant 64 : index
      %parallel_loop3A_411 = tpu.vector_load %arg9[%parallel_loop3A_408, %parallel_loop3A_409, %parallel_loop3A_410] {strides = array<i32>} : memref<8x8x128xf32, #tpu.memory_space<vmem>>, vector<16xf32>,
      tpu.vector_store %arg9[%parallel_loop3A_408, %parallel_loop3A_409, %parallel_loop3A_410], %parallel_loop3A_405 {strides = array<i32>} : memref<8x8x128xf32, #tpu.memory_space<vmem>>, vector<16xf32>,
      %parallel_loop3A_412 = arith.addi %mul3A_100, %parallel_loop3A_111 : i32
      %parallel_loop3A_413 = arith.constant 1 : i32
      %parallel_loop3A_414 = arith.index_cast %parallel_loop3A_412 : i32 to index
      %parallel_loop3A_415 = arith.index_cast %parallel_loop3A_413 : i32 to index
      %parallel_loop3A_416 = arith.constant 80 : index
      %parallel_loop3A_417 = tpu.vector_load %arg5[%parallel_loop3A_414, %parallel_loop3A_415, %parallel_loop3A_416] {strides = array<i32>} : memref<32x4x128xf32, #tpu.memory_space<vmem>>, vector<16xf32>,
      %parallel_loop3A_418 = arith.constant 1 : i32
      %parallel_loop3A_419 = arith.addi %mul3A_104, %parallel_loop3A_418 : i32
      %parallel_loop3A_420 = arith.index_cast %parallel_loop3A_111 : i32 to index
      %parallel_loop3A_421 = arith.index_cast %parallel_loop3A_419 : i32 to index
      %parallel_loop3A_422 = arith.constant 80 : index
      %parallel_loop3A_423 = tpu.vector_load %arg9[%parallel_loop3A_420, %parallel_loop3A_421, %parallel_loop3A_422] {strides = array<i32>} : memref<8x8x128xf32, #tpu.memory_space<vmem>>, vector<16xf32>,
      tpu.vector_store %arg9[%parallel_loop3A_420, %parallel_loop3A_421, %parallel_loop3A_422], %parallel_loop3A_417 {strides = array<i32>} : memref<8x8x128xf32, #tpu.memory_space<vmem>>, vector<16xf32>,
      %parallel_loop3A_424 = arith.constant 1 : i32
      %parallel_loop3A_425 = arith.index_cast %parallel_loop3A_111 : i32 to index
      %parallel_loop3A_426 = arith.index_cast %parallel_loop3A_424 : i32 to index
      %parallel_loop3A_427 = arith.constant 80 : index
      %parallel_loop3A_428 = tpu.vector_load %arg8[%parallel_loop3A_425, %parallel_loop3A_426, %parallel_loop3A_427] {strides = array<i32>} : memref<8x4x128xf32, #tpu.memory_space<vmem>>, vector<16xf32>,
      %parallel_loop3A_429 = arith.constant 1 : i32
      %parallel_loop3A_430 = arith.addi %mul3A_106, %parallel_loop3A_429 : i32
      %parallel_loop3A_431 = arith.index_cast %parallel_loop3A_111 : i32 to index
      %parallel_loop3A_432 = arith.index_cast %parallel_loop3A_430 : i32 to index
      %parallel_loop3A_433 = arith.constant 80 : index
      %parallel_loop3A_434 = tpu.vector_load %arg9[%parallel_loop3A_431, %parallel_loop3A_432, %parallel_loop3A_433] {strides = array<i32>} : memref<8x8x128xf32, #tpu.memory_space<vmem>>, vector<16xf32>,
      tpu.vector_store %arg9[%parallel_loop3A_431, %parallel_loop3A_432, %parallel_loop3A_433], %parallel_loop3A_428 {strides = array<i32>} : memref<8x8x128xf32, #tpu.memory_space<vmem>>, vector<16xf32>,
      %parallel_loop3A_435 = arith.addi %mul3A_100, %parallel_loop3A_111 : i32
      %parallel_loop3A_436 = arith.constant 1 : i32
      %parallel_loop3A_437 = arith.index_cast %parallel_loop3A_435 : i32 to index
      %parallel_loop3A_438 = arith.index_cast %parallel_loop3A_436 : i32 to index
      %parallel_loop3A_439 = arith.constant 96 : index
      %parallel_loop3A_440 = tpu.vector_load %arg5[%parallel_loop3A_437, %parallel_loop3A_438, %parallel_loop3A_439] {strides = array<i32>} : memref<32x4x128xf32, #tpu.memory_space<vmem>>, vector<16xf32>,
      %parallel_loop3A_441 = arith.constant 1 : i32
      %parallel_loop3A_442 = arith.addi %mul3A_104, %parallel_loop3A_441 : i32
      %parallel_loop3A_443 = arith.index_cast %parallel_loop3A_111 : i32 to index
      %parallel_loop3A_444 = arith.index_cast %parallel_loop3A_442 : i32 to index
      %parallel_loop3A_445 = arith.constant 96 : index
      %parallel_loop3A_446 = tpu.vector_load %arg9[%parallel_loop3A_443, %parallel_loop3A_444, %parallel_loop3A_445] {strides = array<i32>} : memref<8x8x128xf32, #tpu.memory_space<vmem>>, vector<16xf32>,
      tpu.vector_store %arg9[%parallel_loop3A_443, %parallel_loop3A_444, %parallel_loop3A_445], %parallel_loop3A_440 {strides = array<i32>} : memref<8x8x128xf32, #tpu.memory_space<vmem>>, vector<16xf32>,
      %parallel_loop3A_447 = arith.constant 1 : i32
      %parallel_loop3A_448 = arith.index_cast %parallel_loop3A_111 : i32 to index
      %parallel_loop3A_449 = arith.index_cast %parallel_loop3A_447 : i32 to index
      %parallel_loop3A_450 = arith.constant 96 : index
      %parallel_loop3A_451 = tpu.vector_load %arg8[%parallel_loop3A_448, %parallel_loop3A_449, %parallel_loop3A_450] {strides = array<i32>} : memref<8x4x128xf32, #tpu.memory_space<vmem>>, vector<16xf32>,
      %parallel_loop3A_452 = arith.constant 1 : i32
      %parallel_loop3A_453 = arith.addi %mul3A_106, %parallel_loop3A_452 : i32
      %parallel_loop3A_454 = arith.index_cast %parallel_loop3A_111 : i32 to index
      %parallel_loop3A_455 = arith.index_cast %parallel_loop3A_453 : i32 to index
      %parallel_loop3A_456 = arith.constant 96 : index
      %parallel_loop3A_457 = tpu.vector_load %arg9[%parallel_loop3A_454, %parallel_loop3A_455, %parallel_loop3A_456] {strides = array<i32>} : memref<8x8x128xf32, #tpu.memory_space<vmem>>, vector<16xf32>,
      tpu.vector_store %arg9[%parallel_loop3A_454, %parallel_loop3A_455, %parallel_loop3A_456], %parallel_loop3A_451 {strides = array<i32>} : memref<8x8x128xf32, #tpu.memory_space<vmem>>, vector<16xf32>,
      %parallel_loop3A_458 = arith.addi %mul3A_100, %parallel_loop3A_111 : i32
      %parallel_loop3A_459 = arith.constant 1 : i32
      %parallel_loop3A_460 = arith.index_cast %parallel_loop3A_458 : i32 to index
      %parallel_loop3A_461 = arith.index_cast %parallel_loop3A_459 : i32 to index
      %parallel_loop3A_462 = arith.constant 112 : index
      %parallel_loop3A_463 = tpu.vector_load %arg5[%parallel_loop3A_460, %parallel_loop3A_461, %parallel_loop3A_462] {strides = array<i32>} : memref<32x4x128xf32, #tpu.memory_space<vmem>>, vector<16xf32>,
      %parallel_loop3A_464 = arith.constant 1 : i32
      %parallel_loop3A_465 = arith.addi %mul3A_104, %parallel_loop3A_464 : i32
      %parallel_loop3A_466 = arith.index_cast %parallel_loop3A_111 : i32 to index
      %parallel_loop3A_467 = arith.index_cast %parallel_loop3A_465 : i32 to index
      %parallel_loop3A_468 = arith.constant 112 : index
      %parallel_loop3A_469 = tpu.vector_load %arg9[%parallel_loop3A_466, %parallel_loop3A_467, %parallel_loop3A_468] {strides = array<i32>} : memref<8x8x128xf32, #tpu.memory_space<vmem>>, vector<16xf32>,
      tpu.vector_store %arg9[%parallel_loop3A_466, %parallel_loop3A_467, %parallel_loop3A_468], %parallel_loop3A_463 {strides = array<i32>} : memref<8x8x128xf32, #tpu.memory_space<vmem>>, vector<16xf32>,
      %parallel_loop3A_470 = arith.constant 1 : i32
      %parallel_loop3A_471 = arith.index_cast %parallel_loop3A_111 : i32 to index
      %parallel_loop3A_472 = arith.index_cast %parallel_loop3A_470 : i32 to index
      %parallel_loop3A_473 = arith.constant 112 : index
      %parallel_loop3A_474 = tpu.vector_load %arg8[%parallel_loop3A_471, %parallel_loop3A_472, %parallel_loop3A_473] {strides = array<i32>} : memref<8x4x128xf32, #tpu.memory_space<vmem>>, vector<16xf32>,
      %parallel_loop3A_475 = arith.constant 1 : i32
      %parallel_loop3A_476 = arith.addi %mul3A_106, %parallel_loop3A_475 : i32
      %parallel_loop3A_477 = arith.index_cast %parallel_loop3A_111 : i32 to index
      %parallel_loop3A_478 = arith.index_cast %parallel_loop3A_476 : i32 to index
      %parallel_loop3A_479 = arith.constant 112 : index
      %parallel_loop3A_480 = tpu.vector_load %arg9[%parallel_loop3A_477, %parallel_loop3A_478, %parallel_loop3A_479] {strides = array<i32>} : memref<8x8x128xf32, #tpu.memory_space<vmem>>, vector<16xf32>,
      tpu.vector_store %arg9[%parallel_loop3A_477, %parallel_loop3A_478, %parallel_loop3A_479], %parallel_loop3A_474 {strides = array<i32>} : memref<8x8x128xf32, #tpu.memory_space<vmem>>, vector<16xf32>,
      %parallel_loop3A_481 = arith.addi %mul3A_100, %parallel_loop3A_111 : i32
      %parallel_loop3A_482 = arith.constant 2 : i32
      %parallel_loop3A_483 = arith.index_cast %parallel_loop3A_481 : i32 to index
      %parallel_loop3A_484 = arith.index_cast %parallel_loop3A_482 : i32 to index
      %parallel_loop3A_485 = arith.constant 0 : index
      %parallel_loop3A_486 = tpu.vector_load %arg5[%parallel_loop3A_483, %parallel_loop3A_484, %parallel_loop3A_485] {strides = array<i32>} : memref<32x4x128xf32, #tpu.memory_space<vmem>>, vector<16xf32>,
      %parallel_loop3A_487 = arith.constant 2 : i32
      %parallel_loop3A_488 = arith.addi %mul3A_104, %parallel_loop3A_487 : i32
      %parallel_loop3A_489 = arith.index_cast %parallel_loop3A_111 : i32 to index
      %parallel_loop3A_490 = arith.index_cast %parallel_loop3A_488 : i32 to index
      %parallel_loop3A_491 = arith.constant 0 : index
      %parallel_loop3A_492 = tpu.vector_load %arg9[%parallel_loop3A_489, %parallel_loop3A_490, %parallel_loop3A_491] {strides = array<i32>} : memref<8x8x128xf32, #tpu.memory_space<vmem>>, vector<16xf32>,
      tpu.vector_store %arg9[%parallel_loop3A_489, %parallel_loop3A_490, %parallel_loop3A_491], %parallel_loop3A_486 {strides = array<i32>} : memref<8x8x128xf32, #tpu.memory_space<vmem>>, vector<16xf32>,
      %parallel_loop3A_493 = arith.constant 2 : i32
      %parallel_loop3A_494 = arith.index_cast %parallel_loop3A_111 : i32 to index
      %parallel_loop3A_495 = arith.index_cast %parallel_loop3A_493 : i32 to index
      %parallel_loop3A_496 = arith.constant 0 : index
      %parallel_loop3A_497 = tpu.vector_load %arg8[%parallel_loop3A_494, %parallel_loop3A_495, %parallel_loop3A_496] {strides = array<i32>} : memref<8x4x128xf32, #tpu.memory_space<vmem>>, vector<16xf32>,
      %parallel_loop3A_498 = arith.constant 2 : i32
      %parallel_loop3A_499 = arith.addi %mul3A_106, %parallel_loop3A_498 : i32
      %parallel_loop3A_500 = arith.index_cast %parallel_loop3A_111 : i32 to index
      %parallel_loop3A_501 = arith.index_cast %parallel_loop3A_499 : i32 to index
      %parallel_loop3A_502 = arith.constant 0 : index
      %parallel_loop3A_503 = tpu.vector_load %arg9[%parallel_loop3A_500, %parallel_loop3A_501, %parallel_loop3A_502] {strides = array<i32>} : memref<8x8x128xf32, #tpu.memory_space<vmem>>, vector<16xf32>,
      tpu.vector_store %arg9[%parallel_loop3A_500, %parallel_loop3A_501, %parallel_loop3A_502], %parallel_loop3A_497 {strides = array<i32>} : memref<8x8x128xf32, #tpu.memory_space<vmem>>, vector<16xf32>,
      %parallel_loop3A_504 = arith.addi %mul3A_100, %parallel_loop3A_111 : i32
      %parallel_loop3A_505 = arith.constant 2 : i32
      %parallel_loop3A_506 = arith.index_cast %parallel_loop3A_504 : i32 to index
      %parallel_loop3A_507 = arith.index_cast %parallel_loop3A_505 : i32 to index
      %parallel_loop3A_508 = arith.constant 16 : index
      %parallel_loop3A_509 = tpu.vector_load %arg5[%parallel_loop3A_506, %parallel_loop3A_507, %parallel_loop3A_508] {strides = array<i32>} : memref<32x4x128xf32, #tpu.memory_space<vmem>>, vector<16xf32>,
      %parallel_loop3A_510 = arith.constant 2 : i32
      %parallel_loop3A_511 = arith.addi %mul3A_104, %parallel_loop3A_510 : i32
      %parallel_loop3A_512 = arith.index_cast %parallel_loop3A_111 : i32 to index
      %parallel_loop3A_513 = arith.index_cast %parallel_loop3A_511 : i32 to index
      %parallel_loop3A_514 = arith.constant 16 : index
      %parallel_loop3A_515 = tpu.vector_load %arg9[%parallel_loop3A_512, %parallel_loop3A_513, %parallel_loop3A_514] {strides = array<i32>} : memref<8x8x128xf32, #tpu.memory_space<vmem>>, vector<16xf32>,
      tpu.vector_store %arg9[%parallel_loop3A_512, %parallel_loop3A_513, %parallel_loop3A_514], %parallel_loop3A_509 {strides = array<i32>} : memref<8x8x128xf32, #tpu.memory_space<vmem>>, vector<16xf32>,
      %parallel_loop3A_516 = arith.constant 2 : i32
      %parallel_loop3A_517 = arith.index_cast %parallel_loop3A_111 : i32 to index
      %parallel_loop3A_518 = arith.index_cast %parallel_loop3A_516 : i32 to index
      %parallel_loop3A_519 = arith.constant 16 : index
      %parallel_loop3A_520 = tpu.vector_load %arg8[%parallel_loop3A_517, %parallel_loop3A_518, %parallel_loop3A_519] {strides = array<i32>} : memref<8x4x128xf32, #tpu.memory_space<vmem>>, vector<16xf32>,
      %parallel_loop3A_521 = arith.constant 2 : i32
      %parallel_loop3A_522 = arith.addi %mul3A_106, %parallel_loop3A_521 : i32
      %parallel_loop3A_523 = arith.index_cast %parallel_loop3A_111 : i32 to index
      %parallel_loop3A_524 = arith.index_cast %parallel_loop3A_522 : i32 to index
      %parallel_loop3A_525 = arith.constant 16 : index
      %parallel_loop3A_526 = tpu.vector_load %arg9[%parallel_loop3A_523, %parallel_loop3A_524, %parallel_loop3A_525] {strides = array<i32>} : memref<8x8x128xf32, #tpu.memory_space<vmem>>, vector<16xf32>,
      tpu.vector_store %arg9[%parallel_loop3A_523, %parallel_loop3A_524, %parallel_loop3A_525], %parallel_loop3A_520 {strides = array<i32>} : memref<8x8x128xf32, #tpu.memory_space<vmem>>, vector<16xf32>,
      %parallel_loop3A_527 = arith.addi %mul3A_100, %parallel_loop3A_111 : i32
      %parallel_loop3A_528 = arith.constant 2 : i32
      %parallel_loop3A_529 = arith.index_cast %parallel_loop3A_527 : i32 to index
      %parallel_loop3A_530 = arith.index_cast %parallel_loop3A_528 : i32 to index
      %parallel_loop3A_531 = arith.constant 32 : index
      %parallel_loop3A_532 = tpu.vector_load %arg5[%parallel_loop3A_529, %parallel_loop3A_530, %parallel_loop3A_531] {strides = array<i32>} : memref<32x4x128xf32, #tpu.memory_space<vmem>>, vector<16xf32>,
      %parallel_loop3A_533 = arith.constant 2 : i32
      %parallel_loop3A_534 = arith.addi %mul3A_104, %parallel_loop3A_533 : i32
      %parallel_loop3A_535 = arith.index_cast %parallel_loop3A_111 : i32 to index
      %parallel_loop3A_536 = arith.index_cast %parallel_loop3A_534 : i32 to index
      %parallel_loop3A_537 = arith.constant 32 : index
      %parallel_loop3A_538 = tpu.vector_load %arg9[%parallel_loop3A_535, %parallel_loop3A_536, %parallel_loop3A_537] {strides = array<i32>} : memref<8x8x128xf32, #tpu.memory_space<vmem>>, vector<16xf32>,
      tpu.vector_store %arg9[%parallel_loop3A_535, %parallel_loop3A_536, %parallel_loop3A_537], %parallel_loop3A_532 {strides = array<i32>} : memref<8x8x128xf32, #tpu.memory_space<vmem>>, vector<16xf32>,
      %parallel_loop3A_539 = arith.constant 2 : i32
      %parallel_loop3A_540 = arith.index_cast %parallel_loop3A_111 : i32 to index
      %parallel_loop3A_541 = arith.index_cast %parallel_loop3A_539 : i32 to index
      %parallel_loop3A_542 = arith.constant 32 : index
      %parallel_loop3A_543 = tpu.vector_load %arg8[%parallel_loop3A_540, %parallel_loop3A_541, %parallel_loop3A_542] {strides = array<i32>} : memref<8x4x128xf32, #tpu.memory_space<vmem>>, vector<16xf32>,
      %parallel_loop3A_544 = arith.constant 2 : i32
      %parallel_loop3A_545 = arith.addi %mul3A_106, %parallel_loop3A_544 : i32
      %parallel_loop3A_546 = arith.index_cast %parallel_loop3A_111 : i32 to index
      %parallel_loop3A_547 = arith.index_cast %parallel_loop3A_545 : i32 to index
      %parallel_loop3A_548 = arith.constant 32 : index
      %parallel_loop3A_549 = tpu.vector_load %arg9[%parallel_loop3A_546, %parallel_loop3A_547, %parallel_loop3A_548] {strides = array<i32>} : memref<8x8x128xf32, #tpu.memory_space<vmem>>, vector<16xf32>,
      tpu.vector_store %arg9[%parallel_loop3A_546, %parallel_loop3A_547, %parallel_loop3A_548], %parallel_loop3A_543 {strides = array<i32>} : memref<8x8x128xf32, #tpu.memory_space<vmem>>, vector<16xf32>,
      %parallel_loop3A_550 = arith.addi %mul3A_100, %parallel_loop3A_111 : i32
      %parallel_loop3A_551 = arith.constant 2 : i32
      %parallel_loop3A_552 = arith.index_cast %parallel_loop3A_550 : i32 to index
      %parallel_loop3A_553 = arith.index_cast %parallel_loop3A_551 : i32 to index
      %parallel_loop3A_554 = arith.constant 48 : index
      %parallel_loop3A_555 = tpu.vector_load %arg5[%parallel_loop3A_552, %parallel_loop3A_553, %parallel_loop3A_554] {strides = array<i32>} : memref<32x4x128xf32, #tpu.memory_space<vmem>>, vector<16xf32>,
      %parallel_loop3A_556 = arith.constant 2 : i32
      %parallel_loop3A_557 = arith.addi %mul3A_104, %parallel_loop3A_556 : i32
      %parallel_loop3A_558 = arith.index_cast %parallel_loop3A_111 : i32 to index
      %parallel_loop3A_559 = arith.index_cast %parallel_loop3A_557 : i32 to index
      %parallel_loop3A_560 = arith.constant 48 : index
      %parallel_loop3A_561 = tpu.vector_load %arg9[%parallel_loop3A_558, %parallel_loop3A_559, %parallel_loop3A_560] {strides = array<i32>} : memref<8x8x128xf32, #tpu.memory_space<vmem>>, vector<16xf32>,
      tpu.vector_store %arg9[%parallel_loop3A_558, %parallel_loop3A_559, %parallel_loop3A_560], %parallel_loop3A_555 {strides = array<i32>} : memref<8x8x128xf32, #tpu.memory_space<vmem>>, vector<16xf32>,
      %parallel_loop3A_562 = arith.constant 2 : i32
      %parallel_loop3A_563 = arith.index_cast %parallel_loop3A_111 : i32 to index
      %parallel_loop3A_564 = arith.index_cast %parallel_loop3A_562 : i32 to index
      %parallel_loop3A_565 = arith.constant 48 : index
      %parallel_loop3A_566 = tpu.vector_load %arg8[%parallel_loop3A_563, %parallel_loop3A_564, %parallel_loop3A_565] {strides = array<i32>} : memref<8x4x128xf32, #tpu.memory_space<vmem>>, vector<16xf32>,
      %parallel_loop3A_567 = arith.constant 2 : i32
      %parallel_loop3A_568 = arith.addi %mul3A_106, %parallel_loop3A_567 : i32
      %parallel_loop3A_569 = arith.index_cast %parallel_loop3A_111 : i32 to index
      %parallel_loop3A_570 = arith.index_cast %parallel_loop3A_568 : i32 to index
      %parallel_loop3A_571 = arith.constant 48 : index
      %parallel_loop3A_572 = tpu.vector_load %arg9[%parallel_loop3A_569, %parallel_loop3A_570, %parallel_loop3A_571] {strides = array<i32>} : memref<8x8x128xf32, #tpu.memory_space<vmem>>, vector<16xf32>,
      tpu.vector_store %arg9[%parallel_loop3A_569, %parallel_loop3A_570, %parallel_loop3A_571], %parallel_loop3A_566 {strides = array<i32>} : memref<8x8x128xf32, #tpu.memory_space<vmem>>, vector<16xf32>,
      %parallel_loop3A_573 = arith.addi %mul3A_100, %parallel_loop3A_111 : i32
      %parallel_loop3A_574 = arith.constant 2 : i32
      %parallel_loop3A_575 = arith.index_cast %parallel_loop3A_573 : i32 to index
      %parallel_loop3A_576 = arith.index_cast %parallel_loop3A_574 : i32 to index
      %parallel_loop3A_577 = arith.constant 64 : index
      %parallel_loop3A_578 = tpu.vector_load %arg5[%parallel_loop3A_575, %parallel_loop3A_576, %parallel_loop3A_577] {strides = array<i32>} : memref<32x4x128xf32, #tpu.memory_space<vmem>>, vector<16xf32>,
      %parallel_loop3A_579 = arith.constant 2 : i32
      %parallel_loop3A_580 = arith.addi %mul3A_104, %parallel_loop3A_579 : i32
      %parallel_loop3A_581 = arith.index_cast %parallel_loop3A_111 : i32 to index
      %parallel_loop3A_582 = arith.index_cast %parallel_loop3A_580 : i32 to index
      %parallel_loop3A_583 = arith.constant 64 : index
      %parallel_loop3A_584 = tpu.vector_load %arg9[%parallel_loop3A_581, %parallel_loop3A_582, %parallel_loop3A_583] {strides = array<i32>} : memref<8x8x128xf32, #tpu.memory_space<vmem>>, vector<16xf32>,
      tpu.vector_store %arg9[%parallel_loop3A_581, %parallel_loop3A_582, %parallel_loop3A_583], %parallel_loop3A_578 {strides = array<i32>} : memref<8x8x128xf32, #tpu.memory_space<vmem>>, vector<16xf32>,
      %parallel_loop3A_585 = arith.constant 2 : i32
      %parallel_loop3A_586 = arith.index_cast %parallel_loop3A_111 : i32 to index
      %parallel_loop3A_587 = arith.index_cast %parallel_loop3A_585 : i32 to index
      %parallel_loop3A_588 = arith.constant 64 : index
      %parallel_loop3A_589 = tpu.vector_load %arg8[%parallel_loop3A_586, %parallel_loop3A_587, %parallel_loop3A_588] {strides = array<i32>} : memref<8x4x128xf32, #tpu.memory_space<vmem>>, vector<16xf32>,
      %parallel_loop3A_590 = arith.constant 2 : i32
      %parallel_loop3A_591 = arith.addi %mul3A_106, %parallel_loop3A_590 : i32
      %parallel_loop3A_592 = arith.index_cast %parallel_loop3A_111 : i32 to index
      %parallel_loop3A_593 = arith.index_cast %parallel_loop3A_591 : i32 to index
      %parallel_loop3A_594 = arith.constant 64 : index
      %parallel_loop3A_595 = tpu.vector_load %arg9[%parallel_loop3A_592, %parallel_loop3A_593, %parallel_loop3A_594] {strides = array<i32>} : memref<8x8x128xf32, #tpu.memory_space<vmem>>, vector<16xf32>,
      tpu.vector_store %arg9[%parallel_loop3A_592, %parallel_loop3A_593, %parallel_loop3A_594], %parallel_loop3A_589 {strides = array<i32>} : memref<8x8x128xf32, #tpu.memory_space<vmem>>, vector<16xf32>,
      %parallel_loop3A_596 = arith.addi %mul3A_100, %parallel_loop3A_111 : i32
      %parallel_loop3A_597 = arith.constant 2 : i32
      %parallel_loop3A_598 = arith.index_cast %parallel_loop3A_596 : i32 to index
      %parallel_loop3A_599 = arith.index_cast %parallel_loop3A_597 : i32 to index
      %parallel_loop3A_600 = arith.constant 80 : index
      %parallel_loop3A_601 = tpu.vector_load %arg5[%parallel_loop3A_598, %parallel_loop3A_599, %parallel_loop3A_600] {strides = array<i32>} : memref<32x4x128xf32, #tpu.memory_space<vmem>>, vector<16xf32>,
      %parallel_loop3A_602 = arith.constant 2 : i32
      %parallel_loop3A_603 = arith.addi %mul3A_104, %parallel_loop3A_602 : i32
      %parallel_loop3A_604 = arith.index_cast %parallel_loop3A_111 : i32 to index
      %parallel_loop3A_605 = arith.index_cast %parallel_loop3A_603 : i32 to index
      %parallel_loop3A_606 = arith.constant 80 : index
      %parallel_loop3A_607 = tpu.vector_load %arg9[%parallel_loop3A_604, %parallel_loop3A_605, %parallel_loop3A_606] {strides = array<i32>} : memref<8x8x128xf32, #tpu.memory_space<vmem>>, vector<16xf32>,
      tpu.vector_store %arg9[%parallel_loop3A_604, %parallel_loop3A_605, %parallel_loop3A_606], %parallel_loop3A_601 {strides = array<i32>} : memref<8x8x128xf32, #tpu.memory_space<vmem>>, vector<16xf32>,
      %parallel_loop3A_608 = arith.constant 2 : i32
      %parallel_loop3A_609 = arith.index_cast %parallel_loop3A_111 : i32 to index
      %parallel_loop3A_610 = arith.index_cast %parallel_loop3A_608 : i32 to index
      %parallel_loop3A_611 = arith.constant 80 : index
      %parallel_loop3A_612 = tpu.vector_load %arg8[%parallel_loop3A_609, %parallel_loop3A_610, %parallel_loop3A_611] {strides = array<i32>} : memref<8x4x128xf32, #tpu.memory_space<vmem>>, vector<16xf32>,
      %parallel_loop3A_613 = arith.constant 2 : i32
      %parallel_loop3A_614 = arith.addi %mul3A_106, %parallel_loop3A_613 : i32
      %parallel_loop3A_615 = arith.index_cast %parallel_loop3A_111 : i32 to index
      %parallel_loop3A_616 = arith.index_cast %parallel_loop3A_614 : i32 to index
      %parallel_loop3A_617 = arith.constant 80 : index
      %parallel_loop3A_618 = tpu.vector_load %arg9[%parallel_loop3A_615, %parallel_loop3A_616, %parallel_loop3A_617] {strides = array<i32>} : memref<8x8x128xf32, #tpu.memory_space<vmem>>, vector<16xf32>,
      tpu.vector_store %arg9[%parallel_loop3A_615, %parallel_loop3A_616, %parallel_loop3A_617], %parallel_loop3A_612 {strides = array<i32>} : memref<8x8x128xf32, #tpu.memory_space<vmem>>, vector<16xf32>,
      %parallel_loop3A_619 = arith.addi %mul3A_100, %parallel_loop3A_111 : i32
      %parallel_loop3A_620 = arith.constant 2 : i32
      %parallel_loop3A_621 = arith.index_cast %parallel_loop3A_619 : i32 to index
      %parallel_loop3A_622 = arith.index_cast %parallel_loop3A_620 : i32 to index
      %parallel_loop3A_623 = arith.constant 96 : index
      %parallel_loop3A_624 = tpu.vector_load %arg5[%parallel_loop3A_621, %parallel_loop3A_622, %parallel_loop3A_623] {strides = array<i32>} : memref<32x4x128xf32, #tpu.memory_space<vmem>>, vector<16xf32>,
      %parallel_loop3A_625 = arith.constant 2 : i32
      %parallel_loop3A_626 = arith.addi %mul3A_104, %parallel_loop3A_625 : i32
      %parallel_loop3A_627 = arith.index_cast %parallel_loop3A_111 : i32 to index
      %parallel_loop3A_628 = arith.index_cast %parallel_loop3A_626 : i32 to index
      %parallel_loop3A_629 = arith.constant 96 : index
      %parallel_loop3A_630 = tpu.vector_load %arg9[%parallel_loop3A_627, %parallel_loop3A_628, %parallel_loop3A_629] {strides = array<i32>} : memref<8x8x128xf32, #tpu.memory_space<vmem>>, vector<16xf32>,
      tpu.vector_store %arg9[%parallel_loop3A_627, %parallel_loop3A_628, %parallel_loop3A_629], %parallel_loop3A_624 {strides = array<i32>} : memref<8x8x128xf32, #tpu.memory_space<vmem>>, vector<16xf32>,
      %parallel_loop3A_631 = arith.constant 2 : i32
      %parallel_loop3A_632 = arith.index_cast %parallel_loop3A_111 : i32 to index
      %parallel_loop3A_633 = arith.index_cast %parallel_loop3A_631 : i32 to index
      %parallel_loop3A_634 = arith.constant 96 : index
      %parallel_loop3A_635 = tpu.vector_load %arg8[%parallel_loop3A_632, %parallel_loop3A_633, %parallel_loop3A_634] {strides = array<i32>} : memref<8x4x128xf32, #tpu.memory_space<vmem>>, vector<16xf32>,
      %parallel_loop3A_636 = arith.constant 2 : i32
      %parallel_loop3A_637 = arith.addi %mul3A_106, %parallel_loop3A_636 : i32
      %parallel_loop3A_638 = arith.index_cast %parallel_loop3A_111 : i32 to index
      %parallel_loop3A_639 = arith.index_cast %parallel_loop3A_637 : i32 to index
      %parallel_loop3A_640 = arith.constant 96 : index
      %parallel_loop3A_641 = tpu.vector_load %arg9[%parallel_loop3A_638, %parallel_loop3A_639, %parallel_loop3A_640] {strides = array<i32>} : memref<8x8x128xf32, #tpu.memory_space<vmem>>, vector<16xf32>,
      tpu.vector_store %arg9[%parallel_loop3A_638, %parallel_loop3A_639, %parallel_loop3A_640], %parallel_loop3A_635 {strides = array<i32>} : memref<8x8x128xf32, #tpu.memory_space<vmem>>, vector<16xf32>,
      %parallel_loop3A_642 = arith.addi %mul3A_100, %parallel_loop3A_111 : i32
      %parallel_loop3A_643 = arith.constant 2 : i32
      %parallel_loop3A_644 = arith.index_cast %parallel_loop3A_642 : i32 to index
      %parallel_loop3A_645 = arith.index_cast %parallel_loop3A_643 : i32 to index
      %parallel_loop3A_646 = arith.constant 112 : index
      %parallel_loop3A_647 = tpu.vector_load %arg5[%parallel_loop3A_644, %parallel_loop3A_645, %parallel_loop3A_646] {strides = array<i32>} : memref<32x4x128xf32, #tpu.memory_space<vmem>>, vector<16xf32>,
      %parallel_loop3A_648 = arith.constant 2 : i32
      %parallel_loop3A_649 = arith.addi %mul3A_104, %parallel_loop3A_648 : i32
      %parallel_loop3A_650 = arith.index_cast %parallel_loop3A_111 : i32 to index
      %parallel_loop3A_651 = arith.index_cast %parallel_loop3A_649 : i32 to index
      %parallel_loop3A_652 = arith.constant 112 : index
      %parallel_loop3A_653 = tpu.vector_load %arg9[%parallel_loop3A_650, %parallel_loop3A_651, %parallel_loop3A_652] {strides = array<i32>} : memref<8x8x128xf32, #tpu.memory_space<vmem>>, vector<16xf32>,
      tpu.vector_store %arg9[%parallel_loop3A_650, %parallel_loop3A_651, %parallel_loop3A_652], %parallel_loop3A_647 {strides = array<i32>} : memref<8x8x128xf32, #tpu.memory_space<vmem>>, vector<16xf32>,
      %parallel_loop3A_654 = arith.constant 2 : i32
      %parallel_loop3A_655 = arith.index_cast %parallel_loop3A_111 : i32 to index
      %parallel_loop3A_656 = arith.index_cast %parallel_loop3A_654 : i32 to index
      %parallel_loop3A_657 = arith.constant 112 : index
      %parallel_loop3A_658 = tpu.vector_load %arg8[%parallel_loop3A_655, %parallel_loop3A_656, %parallel_loop3A_657] {strides = array<i32>} : memref<8x4x128xf32, #tpu.memory_space<vmem>>, vector<16xf32>,
      %parallel_loop3A_659 = arith.constant 2 : i32
      %parallel_loop3A_660 = arith.addi %mul3A_106, %parallel_loop3A_659 : i32
      %parallel_loop3A_661 = arith.index_cast %parallel_loop3A_111 : i32 to index
      %parallel_loop3A_662 = arith.index_cast %parallel_loop3A_660 : i32 to index
      %parallel_loop3A_663 = arith.constant 112 : index
      %parallel_loop3A_664 = tpu.vector_load %arg9[%parallel_loop3A_661, %parallel_loop3A_662, %parallel_loop3A_663] {strides = array<i32>} : memref<8x8x128xf32, #tpu.memory_space<vmem>>, vector<16xf32>,
      tpu.vector_store %arg9[%parallel_loop3A_661, %parallel_loop3A_662, %parallel_loop3A_663], %parallel_loop3A_658 {strides = array<i32>} : memref<8x8x128xf32, #tpu.memory_space<vmem>>, vector<16xf32>,
      %parallel_loop3A_665 = arith.addi %mul3A_100, %parallel_loop3A_111 : i32
      %parallel_loop3A_666 = arith.constant 3 : i32
      %parallel_loop3A_667 = arith.index_cast %parallel_loop3A_665 : i32 to index
      %parallel_loop3A_668 = arith.index_cast %parallel_loop3A_666 : i32 to index
      %parallel_loop3A_669 = arith.constant 0 : index
      %parallel_loop3A_670 = tpu.vector_load %arg5[%parallel_loop3A_667, %parallel_loop3A_668, %parallel_loop3A_669] {strides = array<i32>} : memref<32x4x128xf32, #tpu.memory_space<vmem>>, vector<16xf32>,
      %parallel_loop3A_671 = arith.constant 3 : i32
      %parallel_loop3A_672 = arith.addi %mul3A_104, %parallel_loop3A_671 : i32
      %parallel_loop3A_673 = arith.index_cast %parallel_loop3A_111 : i32 to index
      %parallel_loop3A_674 = arith.index_cast %parallel_loop3A_672 : i32 to index
      %parallel_loop3A_675 = arith.constant 0 : index
      %parallel_loop3A_676 = tpu.vector_load %arg9[%parallel_loop3A_673, %parallel_loop3A_674, %parallel_loop3A_675] {strides = array<i32>} : memref<8x8x128xf32, #tpu.memory_space<vmem>>, vector<16xf32>,
      tpu.vector_store %arg9[%parallel_loop3A_673, %parallel_loop3A_674, %parallel_loop3A_675], %parallel_loop3A_670 {strides = array<i32>} : memref<8x8x128xf32, #tpu.memory_space<vmem>>, vector<16xf32>,
      %parallel_loop3A_677 = arith.constant 3 : i32
      %parallel_loop3A_678 = arith.index_cast %parallel_loop3A_111 : i32 to index
      %parallel_loop3A_679 = arith.index_cast %parallel_loop3A_677 : i32 to index
      %parallel_loop3A_680 = arith.constant 0 : index
      %parallel_loop3A_681 = tpu.vector_load %arg8[%parallel_loop3A_678, %parallel_loop3A_679, %parallel_loop3A_680] {strides = array<i32>} : memref<8x4x128xf32, #tpu.memory_space<vmem>>, vector<16xf32>,
      %parallel_loop3A_682 = arith.constant 3 : i32
      %parallel_loop3A_683 = arith.addi %mul3A_106, %parallel_loop3A_682 : i32
      %parallel_loop3A_684 = arith.index_cast %parallel_loop3A_111 : i32 to index
      %parallel_loop3A_685 = arith.index_cast %parallel_loop3A_683 : i32 to index
      %parallel_loop3A_686 = arith.constant 0 : index
      %parallel_loop3A_687 = tpu.vector_load %arg9[%parallel_loop3A_684, %parallel_loop3A_685, %parallel_loop3A_686] {strides = array<i32>} : memref<8x8x128xf32, #tpu.memory_space<vmem>>, vector<16xf32>,
      tpu.vector_store %arg9[%parallel_loop3A_684, %parallel_loop3A_685, %parallel_loop3A_686], %parallel_loop3A_681 {strides = array<i32>} : memref<8x8x128xf32, #tpu.memory_space<vmem>>, vector<16xf32>,
      %parallel_loop3A_688 = arith.addi %mul3A_100, %parallel_loop3A_111 : i32
      %parallel_loop3A_689 = arith.constant 3 : i32
      %parallel_loop3A_690 = arith.index_cast %parallel_loop3A_688 : i32 to index
      %parallel_loop3A_691 = arith.index_cast %parallel_loop3A_689 : i32 to index
      %parallel_loop3A_692 = arith.constant 16 : index
      %parallel_loop3A_693 = tpu.vector_load %arg5[%parallel_loop3A_690, %parallel_loop3A_691, %parallel_loop3A_692] {strides = array<i32>} : memref<32x4x128xf32, #tpu.memory_space<vmem>>, vector<16xf32>,
      %parallel_loop3A_694 = arith.constant 3 : i32
      %parallel_loop3A_695 = arith.addi %mul3A_104, %parallel_loop3A_694 : i32
      %parallel_loop3A_696 = arith.index_cast %parallel_loop3A_111 : i32 to index
      %parallel_loop3A_697 = arith.index_cast %parallel_loop3A_695 : i32 to index
      %parallel_loop3A_698 = arith.constant 16 : index
      %parallel_loop3A_699 = tpu.vector_load %arg9[%parallel_loop3A_696, %parallel_loop3A_697, %parallel_loop3A_698] {strides = array<i32>} : memref<8x8x128xf32, #tpu.memory_space<vmem>>, vector<16xf32>,
      tpu.vector_store %arg9[%parallel_loop3A_696, %parallel_loop3A_697, %parallel_loop3A_698], %parallel_loop3A_693 {strides = array<i32>} : memref<8x8x128xf32, #tpu.memory_space<vmem>>, vector<16xf32>,
      %parallel_loop3A_700 = arith.constant 3 : i32
      %parallel_loop3A_701 = arith.index_cast %parallel_loop3A_111 : i32 to index
      %parallel_loop3A_702 = arith.index_cast %parallel_loop3A_700 : i32 to index
      %parallel_loop3A_703 = arith.constant 16 : index
      %parallel_loop3A_704 = tpu.vector_load %arg8[%parallel_loop3A_701, %parallel_loop3A_702, %parallel_loop3A_703] {strides = array<i32>} : memref<8x4x128xf32, #tpu.memory_space<vmem>>, vector<16xf32>,
      %parallel_loop3A_705 = arith.constant 3 : i32
      %parallel_loop3A_706 = arith.addi %mul3A_106, %parallel_loop3A_705 : i32
      %parallel_loop3A_707 = arith.index_cast %parallel_loop3A_111 : i32 to index
      %parallel_loop3A_708 = arith.index_cast %parallel_loop3A_706 : i32 to index
      %parallel_loop3A_709 = arith.constant 16 : index
      %parallel_loop3A_710 = tpu.vector_load %arg9[%parallel_loop3A_707, %parallel_loop3A_708, %parallel_loop3A_709] {strides = array<i32>} : memref<8x8x128xf32, #tpu.memory_space<vmem>>, vector<16xf32>,
      tpu.vector_store %arg9[%parallel_loop3A_707, %parallel_loop3A_708, %parallel_loop3A_709], %parallel_loop3A_704 {strides = array<i32>} : memref<8x8x128xf32, #tpu.memory_space<vmem>>, vector<16xf32>,
      %parallel_loop3A_711 = arith.addi %mul3A_100, %parallel_loop3A_111 : i32
      %parallel_loop3A_712 = arith.constant 3 : i32
      %parallel_loop3A_713 = arith.index_cast %parallel_loop3A_711 : i32 to index
      %parallel_loop3A_714 = arith.index_cast %parallel_loop3A_712 : i32 to index
      %parallel_loop3A_715 = arith.constant 32 : index
      %parallel_loop3A_716 = tpu.vector_load %arg5[%parallel_loop3A_713, %parallel_loop3A_714, %parallel_loop3A_715] {strides = array<i32>} : memref<32x4x128xf32, #tpu.memory_space<vmem>>, vector<16xf32>,
      %parallel_loop3A_717 = arith.constant 3 : i32
      %parallel_loop3A_718 = arith.addi %mul3A_104, %parallel_loop3A_717 : i32
      %parallel_loop3A_719 = arith.index_cast %parallel_loop3A_111 : i32 to index
      %parallel_loop3A_720 = arith.index_cast %parallel_loop3A_718 : i32 to index
      %parallel_loop3A_721 = arith.constant 32 : index
      %parallel_loop3A_722 = tpu.vector_load %arg9[%parallel_loop3A_719, %parallel_loop3A_720, %parallel_loop3A_721] {strides = array<i32>} : memref<8x8x128xf32, #tpu.memory_space<vmem>>, vector<16xf32>,
      tpu.vector_store %arg9[%parallel_loop3A_719, %parallel_loop3A_720, %parallel_loop3A_721], %parallel_loop3A_716 {strides = array<i32>} : memref<8x8x128xf32, #tpu.memory_space<vmem>>, vector<16xf32>,
      %parallel_loop3A_723 = arith.constant 3 : i32
      %parallel_loop3A_724 = arith.index_cast %parallel_loop3A_111 : i32 to index
      %parallel_loop3A_725 = arith.index_cast %parallel_loop3A_723 : i32 to index
      %parallel_loop3A_726 = arith.constant 32 : index
      %parallel_loop3A_727 = tpu.vector_load %arg8[%parallel_loop3A_724, %parallel_loop3A_725, %parallel_loop3A_726] {strides = array<i32>} : memref<8x4x128xf32, #tpu.memory_space<vmem>>, vector<16xf32>,
      %parallel_loop3A_728 = arith.constant 3 : i32
      %parallel_loop3A_729 = arith.addi %mul3A_106, %parallel_loop3A_728 : i32
      %parallel_loop3A_730 = arith.index_cast %parallel_loop3A_111 : i32 to index
      %parallel_loop3A_731 = arith.index_cast %parallel_loop3A_729 : i32 to index
      %parallel_loop3A_732 = arith.constant 32 : index
      %parallel_loop3A_733 = tpu.vector_load %arg9[%parallel_loop3A_730, %parallel_loop3A_731, %parallel_loop3A_732] {strides = array<i32>} : memref<8x8x128xf32, #tpu.memory_space<vmem>>, vector<16xf32>,
      tpu.vector_store %arg9[%parallel_loop3A_730, %parallel_loop3A_731, %parallel_loop3A_732], %parallel_loop3A_727 {strides = array<i32>} : memref<8x8x128xf32, #tpu.memory_space<vmem>>, vector<16xf32>,
      %parallel_loop3A_734 = arith.addi %mul3A_100, %parallel_loop3A_111 : i32
      %parallel_loop3A_735 = arith.constant 3 : i32
      %parallel_loop3A_736 = arith.index_cast %parallel_loop3A_734 : i32 to index
      %parallel_loop3A_737 = arith.index_cast %parallel_loop3A_735 : i32 to index
      %parallel_loop3A_738 = arith.constant 48 : index
      %parallel_loop3A_739 = tpu.vector_load %arg5[%parallel_loop3A_736, %parallel_loop3A_737, %parallel_loop3A_738] {strides = array<i32>} : memref<32x4x128xf32, #tpu.memory_space<vmem>>, vector<16xf32>,
      %parallel_loop3A_740 = arith.constant 3 : i32
      %parallel_loop3A_741 = arith.addi %mul3A_104, %parallel_loop3A_740 : i32
      %parallel_loop3A_742 = arith.index_cast %parallel_loop3A_111 : i32 to index
      %parallel_loop3A_743 = arith.index_cast %parallel_loop3A_741 : i32 to index
      %parallel_loop3A_744 = arith.constant 48 : index
      %parallel_loop3A_745 = tpu.vector_load %arg9[%parallel_loop3A_742, %parallel_loop3A_743, %parallel_loop3A_744] {strides = array<i32>} : memref<8x8x128xf32, #tpu.memory_space<vmem>>, vector<16xf32>,
      tpu.vector_store %arg9[%parallel_loop3A_742, %parallel_loop3A_743, %parallel_loop3A_744], %parallel_loop3A_739 {strides = array<i32>} : memref<8x8x128xf32, #tpu.memory_space<vmem>>, vector<16xf32>,
      %parallel_loop3A_746 = arith.constant 3 : i32
      %parallel_loop3A_747 = arith.index_cast %parallel_loop3A_111 : i32 to index
      %parallel_loop3A_748 = arith.index_cast %parallel_loop3A_746 : i32 to index
      %parallel_loop3A_749 = arith.constant 48 : index
      %parallel_loop3A_750 = tpu.vector_load %arg8[%parallel_loop3A_747, %parallel_loop3A_748, %parallel_loop3A_749] {strides = array<i32>} : memref<8x4x128xf32, #tpu.memory_space<vmem>>, vector<16xf32>,
      %parallel_loop3A_751 = arith.constant 3 : i32
      %parallel_loop3A_752 = arith.addi %mul3A_106, %parallel_loop3A_751 : i32
      %parallel_loop3A_753 = arith.index_cast %parallel_loop3A_111 : i32 to index
      %parallel_loop3A_754 = arith.index_cast %parallel_loop3A_752 : i32 to index
      %parallel_loop3A_755 = arith.constant 48 : index
      %parallel_loop3A_756 = tpu.vector_load %arg9[%parallel_loop3A_753, %parallel_loop3A_754, %parallel_loop3A_755] {strides = array<i32>} : memref<8x8x128xf32, #tpu.memory_space<vmem>>, vector<16xf32>,
      tpu.vector_store %arg9[%parallel_loop3A_753, %parallel_loop3A_754, %parallel_loop3A_755], %parallel_loop3A_750 {strides = array<i32>} : memref<8x8x128xf32, #tpu.memory_space<vmem>>, vector<16xf32>,
      %parallel_loop3A_757 = arith.addi %mul3A_100, %parallel_loop3A_111 : i32
      %parallel_loop3A_758 = arith.constant 3 : i32
      %parallel_loop3A_759 = arith.index_cast %parallel_loop3A_757 : i32 to index
      %parallel_loop3A_760 = arith.index_cast %parallel_loop3A_758 : i32 to index
      %parallel_loop3A_761 = arith.constant 64 : index
      %parallel_loop3A_762 = tpu.vector_load %arg5[%parallel_loop3A_759, %parallel_loop3A_760, %parallel_loop3A_761] {strides = array<i32>} : memref<32x4x128xf32, #tpu.memory_space<vmem>>, vector<16xf32>,
      %parallel_loop3A_763 = arith.constant 3 : i32
      %parallel_loop3A_764 = arith.addi %mul3A_104, %parallel_loop3A_763 : i32
      %parallel_loop3A_765 = arith.index_cast %parallel_loop3A_111 : i32 to index
      %parallel_loop3A_766 = arith.index_cast %parallel_loop3A_764 : i32 to index
      %parallel_loop3A_767 = arith.constant 64 : index
      %parallel_loop3A_768 = tpu.vector_load %arg9[%parallel_loop3A_765, %parallel_loop3A_766, %parallel_loop3A_767] {strides = array<i32>} : memref<8x8x128xf32, #tpu.memory_space<vmem>>, vector<16xf32>,
      tpu.vector_store %arg9[%parallel_loop3A_765, %parallel_loop3A_766, %parallel_loop3A_767], %parallel_loop3A_762 {strides = array<i32>} : memref<8x8x128xf32, #tpu.memory_space<vmem>>, vector<16xf32>,
      %parallel_loop3A_769 = arith.constant 3 : i32
      %parallel_loop3A_770 = arith.index_cast %parallel_loop3A_111 : i32 to index
      %parallel_loop3A_771 = arith.index_cast %parallel_loop3A_769 : i32 to index
      %parallel_loop3A_772 = arith.constant 64 : index
      %parallel_loop3A_773 = tpu.vector_load %arg8[%parallel_loop3A_770, %parallel_loop3A_771, %parallel_loop3A_772] {strides = array<i32>} : memref<8x4x128xf32, #tpu.memory_space<vmem>>, vector<16xf32>,
      %parallel_loop3A_774 = arith.constant 3 : i32
      %parallel_loop3A_775 = arith.addi %mul3A_106, %parallel_loop3A_774 : i32
      %parallel_loop3A_776 = arith.index_cast %parallel_loop3A_111 : i32 to index
      %parallel_loop3A_777 = arith.index_cast %parallel_loop3A_775 : i32 to index
      %parallel_loop3A_778 = arith.constant 64 : index
      %parallel_loop3A_779 = tpu.vector_load %arg9[%parallel_loop3A_776, %parallel_loop3A_777, %parallel_loop3A_778] {strides = array<i32>} : memref<8x8x128xf32, #tpu.memory_space<vmem>>, vector<16xf32>,
      tpu.vector_store %arg9[%parallel_loop3A_776, %parallel_loop3A_777, %parallel_loop3A_778], %parallel_loop3A_773 {strides = array<i32>} : memref<8x8x128xf32, #tpu.memory_space<vmem>>, vector<16xf32>,
      %parallel_loop3A_780 = arith.addi %mul3A_100, %parallel_loop3A_111 : i32
      %parallel_loop3A_781 = arith.constant 3 : i32
      %parallel_loop3A_782 = arith.index_cast %parallel_loop3A_780 : i32 to index
      %parallel_loop3A_783 = arith.index_cast %parallel_loop3A_781 : i32 to index
      %parallel_loop3A_784 = arith.constant 80 : index
      %parallel_loop3A_785 = tpu.vector_load %arg5[%parallel_loop3A_782, %parallel_loop3A_783, %parallel_loop3A_784] {strides = array<i32>} : memref<32x4x128xf32, #tpu.memory_space<vmem>>, vector<16xf32>,
      %parallel_loop3A_786 = arith.constant 3 : i32
      %parallel_loop3A_787 = arith.addi %mul3A_104, %parallel_loop3A_786 : i32
      %parallel_loop3A_788 = arith.index_cast %parallel_loop3A_111 : i32 to index
      %parallel_loop3A_789 = arith.index_cast %parallel_loop3A_787 : i32 to index
      %parallel_loop3A_790 = arith.constant 80 : index
      %parallel_loop3A_791 = tpu.vector_load %arg9[%parallel_loop3A_788, %parallel_loop3A_789, %parallel_loop3A_790] {strides = array<i32>} : memref<8x8x128xf32, #tpu.memory_space<vmem>>, vector<16xf32>,
      tpu.vector_store %arg9[%parallel_loop3A_788, %parallel_loop3A_789, %parallel_loop3A_790], %parallel_loop3A_785 {strides = array<i32>} : memref<8x8x128xf32, #tpu.memory_space<vmem>>, vector<16xf32>,
      %parallel_loop3A_792 = arith.constant 3 : i32
      %parallel_loop3A_793 = arith.index_cast %parallel_loop3A_111 : i32 to index
      %parallel_loop3A_794 = arith.index_cast %parallel_loop3A_792 : i32 to index
      %parallel_loop3A_795 = arith.constant 80 : index
      %parallel_loop3A_796 = tpu.vector_load %arg8[%parallel_loop3A_793, %parallel_loop3A_794, %parallel_loop3A_795] {strides = array<i32>} : memref<8x4x128xf32, #tpu.memory_space<vmem>>, vector<16xf32>,
      %parallel_loop3A_797 = arith.constant 3 : i32
      %parallel_loop3A_798 = arith.addi %mul3A_106, %parallel_loop3A_797 : i32
      %parallel_loop3A_799 = arith.index_cast %parallel_loop3A_111 : i32 to index
      %parallel_loop3A_800 = arith.index_cast %parallel_loop3A_798 : i32 to index
      %parallel_loop3A_801 = arith.constant 80 : index
      %parallel_loop3A_802 = tpu.vector_load %arg9[%parallel_loop3A_799, %parallel_loop3A_800, %parallel_loop3A_801] {strides = array<i32>} : memref<8x8x128xf32, #tpu.memory_space<vmem>>, vector<16xf32>,
      tpu.vector_store %arg9[%parallel_loop3A_799, %parallel_loop3A_800, %parallel_loop3A_801], %parallel_loop3A_796 {strides = array<i32>} : memref<8x8x128xf32, #tpu.memory_space<vmem>>, vector<16xf32>,
      %parallel_loop3A_803 = arith.addi %mul3A_100, %parallel_loop3A_111 : i32
      %parallel_loop3A_804 = arith.constant 3 : i32
      %parallel_loop3A_805 = arith.index_cast %parallel_loop3A_803 : i32 to index
      %parallel_loop3A_806 = arith.index_cast %parallel_loop3A_804 : i32 to index
      %parallel_loop3A_807 = arith.constant 96 : index
      %parallel_loop3A_808 = tpu.vector_load %arg5[%parallel_loop3A_805, %parallel_loop3A_806, %parallel_loop3A_807] {strides = array<i32>} : memref<32x4x128xf32, #tpu.memory_space<vmem>>, vector<16xf32>,
      %parallel_loop3A_809 = arith.constant 3 : i32
      %parallel_loop3A_810 = arith.addi %mul3A_104, %parallel_loop3A_809 : i32
      %parallel_loop3A_811 = arith.index_cast %parallel_loop3A_111 : i32 to index
      %parallel_loop3A_812 = arith.index_cast %parallel_loop3A_810 : i32 to index
      %parallel_loop3A_813 = arith.constant 96 : index
      %parallel_loop3A_814 = tpu.vector_load %arg9[%parallel_loop3A_811, %parallel_loop3A_812, %parallel_loop3A_813] {strides = array<i32>} : memref<8x8x128xf32, #tpu.memory_space<vmem>>, vector<16xf32>,
      tpu.vector_store %arg9[%parallel_loop3A_811, %parallel_loop3A_812, %parallel_loop3A_813], %parallel_loop3A_808 {strides = array<i32>} : memref<8x8x128xf32, #tpu.memory_space<vmem>>, vector<16xf32>,
      %parallel_loop3A_815 = arith.constant 3 : i32
      %parallel_loop3A_816 = arith.index_cast %parallel_loop3A_111 : i32 to index
      %parallel_loop3A_817 = arith.index_cast %parallel_loop3A_815 : i32 to index
      %parallel_loop3A_818 = arith.constant 96 : index
      %parallel_loop3A_819 = tpu.vector_load %arg8[%parallel_loop3A_816, %parallel_loop3A_817, %parallel_loop3A_818] {strides = array<i32>} : memref<8x4x128xf32, #tpu.memory_space<vmem>>, vector<16xf32>,
      %parallel_loop3A_820 = arith.constant 3 : i32
      %parallel_loop3A_821 = arith.addi %mul3A_106, %parallel_loop3A_820 : i32
      %parallel_loop3A_822 = arith.index_cast %parallel_loop3A_111 : i32 to index
      %parallel_loop3A_823 = arith.index_cast %parallel_loop3A_821 : i32 to index
      %parallel_loop3A_824 = arith.constant 96 : index
      %parallel_loop3A_825 = tpu.vector_load %arg9[%parallel_loop3A_822, %parallel_loop3A_823, %parallel_loop3A_824] {strides = array<i32>} : memref<8x8x128xf32, #tpu.memory_space<vmem>>, vector<16xf32>,
      tpu.vector_store %arg9[%parallel_loop3A_822, %parallel_loop3A_823, %parallel_loop3A_824], %parallel_loop3A_819 {strides = array<i32>} : memref<8x8x128xf32, #tpu.memory_space<vmem>>, vector<16xf32>,
      %parallel_loop3A_826 = arith.addi %mul3A_100, %parallel_loop3A_111 : i32
      %parallel_loop3A_827 = arith.constant 3 : i32
      %parallel_loop3A_828 = arith.index_cast %parallel_loop3A_826 : i32 to index
      %parallel_loop3A_829 = arith.index_cast %parallel_loop3A_827 : i32 to index
      %parallel_loop3A_830 = arith.constant 112 : index
      %parallel_loop3A_831 = tpu.vector_load %arg5[%parallel_loop3A_828, %parallel_loop3A_829, %parallel_loop3A_830] {strides = array<i32>} : memref<32x4x128xf32, #tpu.memory_space<vmem>>, vector<16xf32>,
      %parallel_loop3A_832 = arith.constant 3 : i32
      %parallel_loop3A_833 = arith.addi %mul3A_104, %parallel_loop3A_832 : i32
      %parallel_loop3A_834 = arith.index_cast %parallel_loop3A_111 : i32 to index
      %parallel_loop3A_835 = arith.index_cast %parallel_loop3A_833 : i32 to index
      %parallel_loop3A_836 = arith.constant 112 : index
      %parallel_loop3A_837 = tpu.vector_load %arg9[%parallel_loop3A_834, %parallel_loop3A_835, %parallel_loop3A_836] {strides = array<i32>} : memref<8x8x128xf32, #tpu.memory_space<vmem>>, vector<16xf32>,
      tpu.vector_store %arg9[%parallel_loop3A_834, %parallel_loop3A_835, %parallel_loop3A_836], %parallel_loop3A_831 {strides = array<i32>} : memref<8x8x128xf32, #tpu.memory_space<vmem>>, vector<16xf32>,
      %parallel_loop3A_838 = arith.constant 3 : i32
      %parallel_loop3A_839 = arith.index_cast %parallel_loop3A_111 : i32 to index
      %parallel_loop3A_840 = arith.index_cast %parallel_loop3A_838 : i32 to index
      %parallel_loop3A_841 = arith.constant 112 : index
      %parallel_loop3A_842 = tpu.vector_load %arg8[%parallel_loop3A_839, %parallel_loop3A_840, %parallel_loop3A_841] {strides = array<i32>} : memref<8x4x128xf32, #tpu.memory_space<vmem>>, vector<16xf32>,
      %parallel_loop3A_843 = arith.constant 3 : i32
      %parallel_loop3A_844 = arith.addi %mul3A_106, %parallel_loop3A_843 : i32
      %parallel_loop3A_845 = arith.index_cast %parallel_loop3A_111 : i32 to index
      %parallel_loop3A_846 = arith.index_cast %parallel_loop3A_844 : i32 to index
      %parallel_loop3A_847 = arith.constant 112 : index
      %parallel_loop3A_848 = tpu.vector_load %arg9[%parallel_loop3A_845, %parallel_loop3A_846, %parallel_loop3A_847] {strides = array<i32>} : memref<8x8x128xf32, #tpu.memory_space<vmem>>, vector<16xf32>,
      tpu.vector_store %arg9[%parallel_loop3A_845, %parallel_loop3A_846, %parallel_loop3A_847], %parallel_loop3A_842 {strides = array<i32>} : memref<8x8x128xf32, #tpu.memory_space<vmem>>, vector<16xf32>,
      scf.yield %parallel_loop3A_112 : i32
    } {sc.loop_unroll_factor = 1 : i64, sc.parallel_access}
    "tpu.region"() ({
      %run_scoped3A = tpu.sem_alloc : memref<!tpu.dma_semaphore, #tpu.memory_space<semaphore_mem>>
      %dma_start3A_111 = tpu.memref_slice %arg3[%mul3A_100, %multiple_of3A, %multiple_of3A_32] : memref<16x64x256xf32, #tpu.memory_space<hbm>> -> memref<8x8x128xf32, #tpu.memory_space<hbm>>
      %dma_start3A_112 = tpu.memref_slice %arg3[%mul3A_100, %multiple_of3A, %multiple_of3A_32] : memref<16x64x256xf32, #tpu.memory_space<hbm>> -> memref<8x8x128xf32, #tpu.memory_space<hbm>>
      tpu.enqueue_dma source(%arg9 : memref<8x8x128xf32, #tpu.memory_space<vmem>>) target(%dma_start3A_112 : memref<8x8x128xf32, #tpu.memory_space<hbm>>) target_semaphore(%run_scoped3A : memref<!tpu.dma_semaphore, #tpu.memory_space<semaphore_mem>>)
      %dma_wait3A_113 = tpu.memref_slice %arg3[%mul3A_100, %multiple_of3A, %multiple_of3A_32] : memref<16x64x256xf32, #tpu.memory_space<hbm>> -> memref<8x8x128xf32, #tpu.memory_space<hbm>>
      %dma_wait3A_114 = tpu.memref_slice %arg3[%mul3A_100, %multiple_of3A, %multiple_of3A_32] : memref<16x64x256xf32, #tpu.memory_space<hbm>> -> memref<8x8x128xf32, #tpu.memory_space<hbm>>
      tpu.wait_dma2 semaphore(%run_scoped3A : memref<!tpu.dma_semaphore, #tpu.memory_space<semaphore_mem>>) src(%arg9 : memref<8x8x128xf32, #tpu.memory_space<vmem>>) dst(%dma_wait3A_114 : memref<8x8x128xf32, #tpu.memory_space<hbm>>)
      tpu.yield
    }) : () -> ()
    return
  }
}

</mosaic_0001>

<sc_bundles>
// kernel: kernel.3.cloned.1.call-start
scs
__scs_entry_jumppad:
0x0: {  	(pc) =	sbr.rel $0x88, $3  }
0x1: {  	(tag) =	ssettag $0x0;
	lr =	simm.s32 $0x1  }
0x2: {  	[smem:$0x3FA0] =	sst lr;
	_ =	strace $0xD0000000  }
0x3: {  	_ = 	snop  }
0x4: {  	_ = 	snop  }
0x5: {  	_ = 	snop  }
0x6: {  	_ = 	snop  }
0x7: {  	_ = 	snop  }
__scs_overlays_trampoline_lowered:
0x8: {  	[smem:$0x3FAF] =	sst s0  }
0x9: {  	[smem:$0x3FB0] =	sst s1  }
0xa: {  	[smem:$0x3FB1] =	sst s2  }
0xb: {  	[smem:$0x3FB2] =	sst s3  }
0xc: {  	[smem:$0x3FB3] =	sst s4  }
0xd: {  	[smem:$0x3FB4] =	sst s5  }
0xe: {  	[smem:$0x3FB5] =	sst s6  }
0xf: {  	[smem:$0x3FB6] =	sst s7  }
0x10: {  	[smem:$0x3FB7] =	sst s8  }
0x11: {  	[smem:$0x3FB8] =	sst s9;
	s0 =	simm.s32 @!p0 $0x0  }
0x12: {  	s1 =	sld [smem:$0x3F9E];
	s0 =	simm.s32 @p0 $0x1  }
0x13: {  	[smem:$0x3FB9] =	sst s0;
	s0 =	simm.s32 @!p1 $0x0  }
0x14: {  	s2 =	sld [smem:$0x3F9D];
	s0 =	simm.s32 @p1 $0x1  }
0x15: {  	[smem:$0x3FBA] =	sst s0;
	s0 =	simm.s32 @!p2 $0x0  }
0x16: {  	s3 =	sld [smem:$0x3FDB];
	s0 =	simm.s32 @p2 $0x1  }
0x17: {  	s4 =	simm.s32 $0x1BF5;
	[smem:$0x3FBC] =	sst s0  }
0x18: {  	s0 =	sld [smem:$0x3F9F];
	_ =	swait.ge [sflag:s4], $0x0  }
0x19: {  	s7 =	sld [smem:$0x3FA0]  }
0x1a: {  	s8 =	sadd.s32 $0xFFFFE003, lr  }
0x1b: {  	s9 =	sadd.s32 $0xFFFFFEF7, lr;
	s5 =	simm.s32 $0xFFFFFFFF;
	p2 =	slt.u32 s8, $0xFFFFF086  }
0x1c: {  	p1 =	slt.u32 s9, $0xF7A;
	s5 =	simm.s32 @!p2 $0x0  }
0x1d: {  	s5 =	simm.s32 @p1 $0x1;
	p0 =	seq.s32 s7, s2  }
0x1e: {  	s7 =	smul.u32 @!p0 $0xF7A, s2;
	p2 =	seq.s32 @!p0 s5, $0x0  }
0x1f: {  	s9 =	smul.u32 $0xF7A, s1;
	s8 =	simm.s32 @!p0 $0x1BF5;
	p2 =	por !p2, p0  }
0x20: {  	[sflag:s8] =	ssyncset.s32 @!p0 $0xFFFFF086;
	s6 =	sadd.s32 @!p0 s3, s7;
	s7 =	simm.s32 @!p0 $0x108  }
0x21: {  	s3 =	sadd.s32 s3, s9;
	s6 =	sadd.s32 @!p0 $0x88, s6;
	s7 =	simm.s32 @p2 $0x1082  }
0x22: {  	[simem:s7], [sflag:s8] =	dma.local @!p0 [hbm:s6], $0xF7A  }
0x23: {  	s9 =	sor.u32 $0xD0000000, s2;
	s6 =	simm.s32 $0x108;
	_ =	swait.ge @!p0 [sflag:s8], $0x0  }
0x24: {  	s3 =	sadd.s32 $0x88, s3;
	s6 =	simm.s32 @!p1 $0x1082;
	[sflag:s4] =	ssyncset.s32 $0xFFFFF086  }
0x25: {  	[simem:s6], [sflag:s4] =	dma.local [hbm:s3], $0xF7A  }
0x26: {  	[smem:$0x3FA0] =	sst s1;
	(tag) =	ssettag s2;
	_ =	strace s9  }
0x27: {  	s1 =	sld [smem:$0x3FB0]  }
0x28: {  	s2 =	sld [smem:$0x3FB1]  }
0x29: {  	s4 =	sld [smem:$0x3FB3]  }
0x2a: {  	p0 =	seq.s32 s5, $0x0;
	s5 =	sld [smem:$0x3FB4]  }
0x2b: {  	s6 =	sld [smem:$0x3FB5]  }
0x2c: {  	s7 =	sld [smem:$0x3FB6]  }
0x2d: {  	s3 =	simm.s32 $0x108;
	s8 =	sld [smem:$0x3FB7]  }
0x2e: {  	s3 =	simm.s32 @!p0 $0x1082;
	s9 =	sld [smem:$0x3FB8]  }
0x2f: {  	lr =	sadd.s32 s0, s3;
	s0 =	sld [smem:$0x3FAF]  }
0x30: {  	s3 =	sld [smem:$0x3FB2]  }
0x31: {  	[smem:$0x3FBB] =	sst s10  }
0x32: {  	s10 =	sld [smem:$0x3FB9];
	_ =	sdelay $0x3  }
0x33: {  	p0 =	seq.s32 s10, $0x1;
	s10 =	sld [smem:$0x3FBB];
	_ =	sdelay $0x3  }
0x34: {  	[smem:$0x3FBB] =	sst s10  }
0x35: {  	s10 =	sld [smem:$0x3FBA];
	_ =	sdelay $0x3  }
0x36: {  	p1 =	seq.s32 s10, $0x1;
	s10 =	sld [smem:$0x3FBB];
	_ =	sdelay $0x3  }
0x37: {  	[smem:$0x3FBB] =	sst s10  }
0x38: {  	s10 =	sld [smem:$0x3FBC]  }
0x39: {  	_ = 	snop;
	(pc) =	sbr.ind lr, $3  }
0x3a: {  	_ = 	snop  }
0x3b: {  	_ = 	snop  }
0x3c: {  	p2 =	seq.s32 s10, $0x1;
	s10 =	sld [smem:$0x3FBB]  }
0x3d: {  	_ =	shalt  }
0x3e: {  	_ =	shalt  }
0x3f: {  	_ =	shalt  }
0x40: {  	_ =	shalt  }
0x41: {  	_ =	shalt  }
0x42: {  	_ =	shalt  }
0x43: {  	_ =	shalt  }
0x44: {  	_ =	shalt  }
0x45: {  	_ =	shalt  }
0x46: {  	_ =	shalt  }
0x47: {  	_ =	shalt  }
0x48: {  	_ =	shalt  }
0x49: {  	_ =	shalt  }
0x4a: {  	_ =	shalt  }
0x4b: {  	_ =	shalt  }
0x4c: {  	_ =	shalt  }
0x4d: {  	_ =	shalt  }
0x4e: {  	_ =	shalt  }
0x4f: {  	_ =	shalt  }
0x50: {  	_ =	shalt  }
0x51: {  	_ =	shalt  }
0x52: {  	_ =	shalt  }
0x53: {  	_ =	shalt  }
0x54: {  	_ =	shalt  }
0x55: {  	_ =	shalt  }
0x56: {  	_ =	shalt  }
0x57: {  	_ =	shalt  }
0x58: {  	_ =	shalt  }
0x59: {  	_ =	shalt  }
0x5a: {  	_ =	shalt  }
0x5b: {  	_ =	shalt  }
0x5c: {  	_ =	shalt  }
0x5d: {  	_ =	shalt  }
0x5e: {  	_ =	shalt  }
0x5f: {  	_ =	shalt  }
0x60: {  	_ =	shalt  }
0x61: {  	_ =	shalt  }
0x62: {  	_ =	shalt  }
0x63: {  	_ =	shalt  }
0x64: {  	_ =	shalt  }
0x65: {  	_ =	shalt  }
0x66: {  	_ =	shalt  }
0x67: {  	_ =	shalt  }
0x68: {  	_ =	shalt  }
0x69: {  	_ =	shalt  }
0x6a: {  	_ =	shalt  }
0x6b: {  	_ =	shalt  }
0x6c: {  	_ =	shalt  }
0x6d: {  	_ =	shalt  }
0x6e: {  	_ =	shalt  }
0x6f: {  	_ =	shalt  }
0x70: {  	_ =	shalt  }
0x71: {  	_ =	shalt  }
0x72: {  	_ =	shalt  }
0x73: {  	_ =	shalt  }
0x74: {  	_ =	shalt  }
0x75: {  	_ =	shalt  }
0x76: {  	_ =	shalt  }
0x77: {  	_ =	shalt  }
0x78: {  	_ =	shalt  }
0x79: {  	_ =	shalt  }
0x7a: {  	_ =	shalt  }
0x7b: {  	_ =	shalt  }
0x7c: {  	_ =	shalt  }
0x7d: {  	_ =	shalt  }
0x7e: {  	_ =	shalt  }
0x7f: {  	_ =	shalt  }
0x80: {  	_ =	shalt  }
0x81: {  	_ =	shalt  }
0x82: {  	_ =	shalt  }
0x83: {  	_ =	shalt  }
0x84: {  	_ =	shalt  }
0x85: {  	_ =	shalt  }
0x86: {  	_ =	shalt  }
0x87: {  	_ =	shalt  }
.Lfunc_end0:
.L_simem_size_0:
called_computation_lowered:
.L_overlay_start_0:
0x88: {  	s2 =	sld [smem:$0x3FD9]  }
0x89: {  	s3 =	sld [smem:$0x3FFE];
	_ =	sdelay $0x1  }
0x8a: {  	s1 =	srdreg.scid  }
0x8b: {  	s0 =	sand.u32 $0x1, s1  }
0x8c: {  	s18 =	sshll.u32 s0, $0xA;
	s2 =	sadd.s32 s3, s2  }
0x8d: {  	s2 =	sadd.s32 s2, s18  }
0x8e: {  	[smem:$0x3FC7] =	sst s2  }
0x8f: {  	_ = 	snop  }
0x90: {  	s2 =	sld [smem:$0x3FC9]  }
0x91: {  	s19 =	sld [smem:$0x3FD0];
	(tm) =	ssettm $0x1  }
0x92: {  	s4 =	sld [smem:$0x3FFB];
	_ =	sdelay $0x3  }
0x93: {  	_ =	strace s4  }
0x94: {  	s4 =	sld [smem:$0x3FFC];
	_ =	sdelay $0x3  }
0x95: {  	_ =	strace s4  }
0x96: {  	s4 =	sld [smem:$0x3FFD];
	_ =	sdelay $0x3  }
0x97: {  	_ =	strace s4  }
0x98: {  	_ =	strace $0x8FFFFFFF  }
0x99: {  	s20 =	sld [smem:$0x3FDB];
	_ =	sdelay $0x1  }
0x9a: {  	s5 =	simm.s32 $_scs_section_size  }
0x9b: {  	s6 =	simm.s32 $_size__tile_overlayer_lowered;
	s7 =	simm.s32 $_tile_overlayer_lowered  }
0x9c: {  	s23 =	simm.s32 $0x1BFF;
	s22 =	sshll.u32 s7, $0x1;
	s4 =	sadd.s32 s5, s20  }
0x9d: {  	s8 =	simm.s32 $0x0;
	s21 =	sshll.u32 s6, $0x1;
	s6 =	sadd.s32 s22, s4  }
0x9e: {  	[timem:s8], [sflag:s23] =	dma.local [hbm:s6], s21  }
0x9f: {  	_ =	swait.ge [sflag:s23], s21  }
0xa0: {  	s5 =	ssub.s32 $0x0, s21;
	[sflag:s23] =	ssyncset.done $0x0  }
0xa1: {  	[sflag:s23] =	ssyncadd.s32 s5;
	_ =	sdelay $0x1  }
0xa2: {  	s24 =	simm.s32 $0x1B8B  }
0xa3: {  	_ =	swait.ge [sflag:s24], $0x1  }
0xa4: {  	[sflag:s24] =	ssyncset.done $0x0  }
0xa5: {  	s25 =	simm.s32 $0x1B8E;
	[sflag:s24] =	ssyncadd.s32 $0xFFFFFFFF  }
0xa6: {  	s26 =	simm.s32 $execute0_lowered;
	[smem:$0x3FD2] =	sst s25  }
0xa7: {  	s5 =	sshll.u32 s26, $0x1;
	_ =	strace $0x80000046;
	[dreg:$0x1] =	wrdreg $0xFFFFFFFF  }
0xa8: {  	s28 =	simm.s32 $_size_execute0_lowered;
	s4 =	sadd.s32 s4, s5;
	[dreg:$0x0] =	wrdreg $0x0  }
0xa9: {  	s5 =	sshll.u32 s28, $0x1;
	[dreg:$0x2] =	wrdreg s4  }
0xaa: {  	[dreg:$0x3] =	wrdreg s5  }
0xab: {  	[dreg:$0x4] =	wrdreg $0xC0  }
0xac: {  	_ =	task [dreg:s8], $0x5FFFF  }
0xad: {  	[dreg:$0x1] =	wrdreg $0xFFFFFFFF  }
0xae: {  	[dreg:$0x0] =	wrdreg $0x60  }
0xaf: {  	[dreg:$0x2] =	wrdreg s2  }
0xb0: {  	[dreg:$0x3] =	wrdreg s19  }
0xb1: {  	[dreg:$0x4] =	wrdreg $0x190000  }
0xb2: {  	[dreg:$0x5] =	wrdreg $0x9  }
0xb3: {  	_ =	task.clear_ibuf [dreg:s8], $0x6FFFF;
	_ =	strace $0x90000046  }
0xb4: {  	s29 =	simm.s32 $0x9;
	_ =	strace $0x80000048  }
0xb5: {  	_ =	swait.ge [sflag:s29], $0x1  }
0xb6: {  	[sflag:s29] =	ssyncadd.s32 $0xFFFFFFFF  }
0xb7: {  	_ =	strace $0x90000048  }
0xb8: {  	_ =	sfence  }
0xb9: {  	s30 =	sld [smem:$0x0];
	_ =	sdelay $0x2  }
0xba: {  	s31 =	sshll.u32 s1, $0xD;
	s1 =	sshrl.u32 s1, $0x2  }
0xbb: {  	s3 =	sand.u32 $0x4000, s31;
	s1 =	sadd.s32 s1, s30  }
0xbc: {  	s0 =	sor.u32 s3, s0;
	s1 =	sshll.u32 s1, $0x11  }
0xbd: {  	s0 =	sor.u32 s1, s0  }
0xbe: {  	s0 =	sadd.s32 $0x8F2B, s0  }
0xbf: {  	[sflag:s0] =	ssyncadd.remote.s32 $0x1  }
0xc0: {  	_ =	sfence.sel $0xFFFF  }
0xc1: {  	[dreg:$0x0] =	wrdreg $0xFFFFFFFF;
	(pc) =	sbr.abs _section_cstart, $3  }
0xc2: {  	[dreg:$0x1] =	wrdreg $0xFFFFFFFF  }
0xc3: {  	_ =	task.clear_ibuf [dreg:s8], $0x2FFFF;
	_ =	strace $0x9FFFFFFF  }
0xc4: {  	(tm) =	ssettm $0x7FFFFFFF  }
0xc5: {  	_ =	shalt  }
tec
execute0_lowered:
.L_overlay_start_1:
0x0: {  	(tag) =	ssettag $0x1  }
0x1: {  	s2 =	rddreg [dreg:$0x0]  }
0x2: {  	s0 =	rddreg [dreg:$0x1]  }
0x3: {  	s1 =	rddreg [dreg:$0x2]  }
0x4: {  	s3 =	srdreg.scid;
	s8 =	stileid.u32  }
0x5: {  	s7 =	simm.s32 $0x0;
	s16 =	simm.s32 $0x400;
	s17 =	simm.s32 $0x4000  }
0x6: {  	s18 =	simm.s32 $0x1;
	s20 =	simm.s32 $0x14000;
	s3 =	sand.u32 $0x1, s3  }
0x7: {  	s5 =	sand.u32 $0x7, s8;
	[smem:$0x7FF] =	sst s7;
	s23 =	sshrl.u32 s8, $0x3  }
0x8: {  	s4 =	sshll.u32 s5, $0xB;
	s6 =	sshll.u32 s3, $0xA;
	s3 =	ssub.s32 $0x2, s3  }
0x9: {  	_ =	strace $0x80000047;
	s24 =	sxor.u32 $0x1, s23;
	s5 =	sshll.u32 s5, $0xD  }
0xa: {  	s25 =	sshll.u32 s23, $0xC;
	s8 =	sshll.u32 s23, $0x11;
	s12 =	sshll.u32 s23, $0x9  }
0xb: {  	s4 =	sor.u32 s6, s4;
	s21 =	sshrl.u32 s3, $0x1;
	s1 =	sadd.s32 s5, s1  }
0xc: {  	s26 =	sshll.u32 s24, $0xC;
	s13 =	sor.u32 $0x2000, s12;
	s30 =	sshll.u32 s24, $0x9  }
0xd: {  	s31 =	sor.u32 $0x1B1F0, s12;
	s9 =	sadd.s32 s25, s1;
	s8 =	sor.u32 s8, s4  }
0xe: {  	s10 =	sor.u32 $0x14000, s26;
	[dreg:$0x6] =	wrdreg s9;
	s28 =	sshrl.u32 s8, $0x3  }
0xf: {  	s22 =	sshrl.u32 s4, $0x3;
	[dreg:$0x7] =	wrdreg s10;
	s0 =	sadd.s32 s0, s28  }
0x10: {  	s1 =	sadd.s32 s26, s1;
	v4 =	vmov s31;
	[dreg:$0x9] =	wrdreg s0;
	s0 =	sor.u32 $0x1B100, s30  }
0x11: {  	s3 =	ssub.s32 s3, s21;
	s7 =	sadd.s32 s2, s22;
	[dreg:$0x8] =	wrdreg s1;
	v5 =	vmov s0  }
0x12: {  	s14 =	sor.u32 $0x2010, s12;
	s29 =	smax.u32 s3, $0x1;
	[dreg:$0x4] =	wrdreg s7  }
0x13: {  	vm0 =	vmmov $0xffff;
	v1 =	vlaneseq.u32;
	s21 =	simm.s32 $0x3;
	s7 =	sadd.s32 $0x10000, s7;
	[dreg:$0xa] =	wrdreg s29  }
0x14: {  	v2 =	vimm.s32 $0x0;
	v3 =	vimm.f32 $+Inf;
	v0 =	vmpcnt.ones.xlane vm0;
	s9 =	sor.u32 $0x14100, s25;
	s1 =	simm.s32 $0x0;
	[dreg:$0x5] =	wrdreg s7  }
.LBB2_1:
0x15: {  	[dreg:$0xb] =	wrdreg s1  }
0x16: {  	s0 =	simm.s32 $0x0;
	s28 =	rddreg [dreg:$0x4]  }
0x17: {  	[tilespmem:s0], [sflag:$0x1] =	stream.strided.gather [hbm4b:s28+s16], $0x8000, s17, s16, $0x38;
	[tilespmem:$0x1D000] =	vst v63  }
0x18: {  	_ =	swait.ge [sflag:s18], $0x8000  }
0x19: {  	(v2sf) =	vpush v0, $0x0;
	_ =	sdelay $0xb  }
0x1a: {  	s30 =	simm.s32 $0x8000;
	[sflag:s18] =	ssyncset.done $0x0  }
.Ltmp0:
0x1b: {  	s29 =	rddreg [dreg:$0x5];
	[sflag:s18] =	ssyncadd.s32 $0xFFFF8000;
	(pc) =	sbr.rel .LBB2_2-.Ltmp0, $4  }
0x1c: {  	[tilespmem:s30], [sflag:$0x2] =	stream.strided.gather [hbm4b:s29+s16], $0xC000, s17, s16, $0x38;
	[tilespmem:$0x1D000] =	vst v63  }
0x1d: {  	s3 =	simm.s32 $0x0;
	s1 =	spop (v2sf)  }
0x1e: {  	s6 =	simm.s32 $0x0;
	s19 =	simm.s32 $0x0;
	s31 =	sshll.u32 s1, $0x1  }
0x1f: {  	s7 =	simm.s32 $0x0;
	s0 =	simm.s32 $0x0;
	p0 =	slt.s32 s31, $0x1  }
.LBB2_3:
0x20: {  	v7 =	vimm.s32 $0x0;
	v6 =	vimm.s32 $0x0;
	s22 =	smov.u32 s1;
	s23 =	smov.u32 s1  }
.LBB2_7:
0x21: {  	s8 =	sshll.u32 s7, $0x1;
	s10 =	sshll.u32 s7, $0x8  }
0x22: {  	p1 =	sgt.s32 s22, $0x0;
	s11 =	simm.s32 $0x1;
	s15 =	simm.s32 $0x1  }
0x23: {  	s7 =	sadd.s32 $0x1, s7;
	s11 =	simm.s32 @!p1 $0x0;
	p1 =	sgt.s32 s23, $0x0  }
0x24: {  	s15 =	simm.s32 @!p1 $0x0;
	p1 =	sne.s32 s7, $0x10  }
.Ltmp1:
0x25: {  	_ = 	snop;
	(pc) =	sbr.rel @!p1 .LBB2_8-.Ltmp1, $4  }
0x26: {  	s29 =	sshll.u32 s5, $0x7  }
0x27: {  	s10 =	sand.u32 $0x3FFFFF00, s10;
	s8 =	sshll.u32 s11, s8;
	s30 =	sshll.u32 s15, s5  }
0x28: {  	s31 =	sand.u32 $0x3FFFFF80, s29;
	[tilespmem:s10+$0x18000] =	vst v7;
	s5 =	sor.u32 s8, s30  }
0x29: {  	s6 =	sadd.s32 $0x1, s6;
	s3 =	sadd.s32 $0x2, s3;
	[tilespmem:s31+$0x18000] =	vst v6;
	s0 =	sor.u32 s0, s5  }
.LBB2_2:
.Ltmp2:
0x2a: {  	(pc) =	sbr.rel @p0 .LBB2_3-.Ltmp2, $2  }
0x2b: {  	_ =	sdelay $0x2  }
0x2c: {  	s5 =	sshllo.u32 s7, $0x1  }
0x2d: {  	s8 =	sshrl.u32 s7, $0x2;
	s10 =	sshll.u32 s7, $0x5  }
0x2e: {  	s11 =	sshll.u32 s5, $0x4;
	s28 =	sshll.u32 s7, $0x7;
	s15 =	sand.u32 $0x3, s6;
	v6 =	vmov s8  }
0x2f: {  	s22 =	sand.u32 $0x7, s3;
	s25 =	sand.u32 $0x60, s10;
	s26 =	sand.u32 $0x70, s11;
	v6 =	vshll.u32 v6, $0x7  }
0x30: {  	s29 =	sand.u32 $0xFFFFFE00, s28;
	s30 =	sshll.u32 s15, $0x7;
	s31 =	sshll.u32 s22, $0x6;
	v7 =	vor.u32 s26, v6;
	v6 =	vor.u32 s25, v6  }
0x31: {  	s10 =	sor.u32 s30, s29;
	s8 =	sor.u32 s31, s29;
	v7 =	vbroadcast v7, $0x0;
	v6 =	vbroadcast v6, $0x0  }
0x32: {  	v8 =	vimm.s32 $0x0;
	v11 =	vimm.f32 $0.0e+00;
	s10 =	sshrl.u32 s10, $0x2;
	s11 =	sshrl.u32 s8, $0x2  }
0x33: {  	v10 =	vimm.s32 $0x0;
	s8 =	sadd.s32 s10, s13;
	s10 =	sadd.s32 s11, s14;
	s11 =	simm.s32 $0x0;
	v6 =	vor.u32 v1, v6;
	v7 =	vor.u32 v1, v7  }
.LBB2_5:
0x34: {  	p1 =	slt.u32 s11, $0x20  }
0x35: {  	p2 =	sne.s32 @!p1 s19, $0x0  }
0x36: {  	p3 =	por p2, p1  }
0x37: {  	s15 =	smov.u32 s19;
	s19 =	simm.s32 @!p3 $0x2  }
0x38: {  	_ =	swait.ge @!p3 [sflag:s19], $0xC000  }
0x39: {  	[sflag:s19] =	ssyncset.done @!p3 $0x0  }
0x3a: {  	[sflag:s19] =	ssyncadd.s32 @!p3 $0xFFFF4000  }
0x3b: {  	v12 =	vld [tilespmem:s8+$0xFFFFE000]  }
0x3c: {  	v13 =	vld [tilespmem:s8+$0xFFFFE400]  }
0x3d: {  	v14 =	vld [tilespmem:s8+$0xFFFFE800]  }
0x3e: {  	v16 =	vld [tilespmem:s8+$0xFFFFEC00]  }
0x3f: {  	v18 =	vld [tilespmem:s8+$0xFFFFF000]  }
0x40: {  	v34 =	vld [tilespmem:s8+$0xFFFFF400]  }
0x41: {  	v24 =	vld [tilespmem:s8+$0xFFFFF800]  }
0x42: {  	v48 =	vld [tilespmem:s8+$0xFFFFFC00]  }
0x43: {  	v50 =	vld [tilespmem:s8+$0x0]  }
0x44: {  	v30 =	vshll.u32 v10, $0x9;
	v41 =	vimm.s32 $0x0;
	v53 =	vld [tilespmem:s8+$0x400]  }
0x45: {  	v43 =	vimm.s32 $0x0;
	v45 =	vimm.s32 $0x0;
	v9 =	vmul.f32 $1.000000050e-03, v11  }
0x46: {  	v11 =	vadd.f32 $1.000000000e+00, v11;
	vm0 =	vgt.f32 v12, $0.0e+00;
	v12 =	vadd.s32 v6, v30  }
0x47: {  	vm1 =	vgt.f32 v13, $0.0e+00;
	vm2 =	vgt.f32 v14, $0.0e+00;
	vm3 =	vgt.f32 v16, $0.0e+00  }
0x48: {  	vm4 =	vgt.f32 v18, $0.0e+00;
	vm9 =	vgt.f32 v34, $0.0e+00;
	vm13 =	vgt.f32 v24, $0.0e+00  }
0x49: {  	vm14 =	vgt.f32 v48, $0.0e+00;
	vm6 =	vgt.f32 v50, $0.0e+00;
	vm7 =	vgt.f32 v53, $0.0e+00  }
0x4a: {  	v15 =	vsel vm0, $0x1, v2;
	v17 =	vsel vm1, $0x1, v2;
	v33 =	vsel vm2, $0x1, v2  }
0x4b: {  	v20 =	vsel vm3, $0x1, v2;
	v37 =	vsel vm4, $0x1, v2;
	v25 =	vsel vm9, $0x1, v2  }
0x4c: {  	v27 =	vsel vm13, $0x1, v2;
	v29 =	vsel vm14, $0x1, v2;
	v15 =	vadd.s32 v15, v10  }
0x4d: {  	v10 =	vmul.f32 $1.000000050e-03, v11;
	v11 =	vadd.f32 $1.000000000e+00, v11;
	v31 =	vshll.u32 v15, $0x9  }
0x4e: {  	v57 =	vsel vm6, $0x1, v2;
	v15 =	vadd.s32 v17, v15;
	v13 =	vadd.s32 v6, v31  }
0x4f: {  	v32 =	vshll.u32 v15, $0x9;
	v15 =	vadd.s32 v33, v15;
	v35 =	vadd.f32 $1.000000000e+00, v11  }
0x50: {  	v11 =	vmul.f32 $1.000000050e-03, v11;
	v33 =	vsel vm7, $0x1, v2;
	v19 =	vshll.u32 v15, $0x9  }
0x51: {  	v14 =	vadd.s32 v6, v32;
	v15 =	vadd.s32 v20, v15;
	v19 =	vadd.s32 v6, v19  }
0x52: {  	v36 =	vshll.u32 v15, $0x9;
	v15 =	vadd.s32 v37, v15;
	v17 =	vadd.f32 $1.000000000e+00, v35  }
0x53: {  	v32 =	vld [tilespmem:s8+$0xC00];
	[tilespmem:v12+s20+$0x0] =	vst.idx.msk vm0, v9;
	v12 =	vmul.f32 $1.000000050e-03, v35;
	v18 =	vadd.s32 v6, v36;
	v39 =	vshll.u32 v15, $0x9  }
0x54: {  	v37 =	vld [tilespmem:s8+$0x1800];
	v25 =	vadd.s32 v25, v15;
	v21 =	vadd.s32 v6, v39;
	v23 =	vadd.f32 $1.000000000e+00, v17  }
0x55: {  	v38 =	vld [tilespmem:s10+$0xFFFFE000];
	v51 =	vshll.u32 v25, $0x9;
	v52 =	vadd.s32 v27, v25;
	[tilespmem:v13+s20+$0x0] =	vst.idx.msk vm1, v10;
	v13 =	vmul.f32 $1.000000050e-03, v17  }
0x56: {  	v28 =	vadd.s32 v6, v51;
	v27 =	vshll.u32 v52, $0x9;
	v54 =	vadd.s32 v29, v52  }
0x57: {  	v34 =	vld [tilespmem:s8+$0x1000];
	[tilespmem:v14+s20+$0x0] =	vst.idx.msk vm2, v11;
	v14 =	vmul.f32 $1.000000050e-03, v23;
	v23 =	vadd.f32 $1.000000000e+00, v23;
	v24 =	vshll.u32 v54, $0x9  }
0x58: {  	v31 =	vld [tilespmem:s8+$0x800];
	v27 =	vadd.s32 v6, v27;
	vm8 =	vgt.f32 v32, $0.0e+00;
	v56 =	vadd.s32 v6, v24  }
0x59: {  	v39 =	vld [tilespmem:s8+$0x1C00];
	v24 =	vadd.s32 v57, v54;
	v36 =	vsel vm8, $0x1, v2;
	vm15 =	vgt.f32 v37, $0.0e+00  }
0x5a: {  	v40 =	vld [tilespmem:s10+$0xFFFFE400];
	vm10 =	vgt.f32 v38, $0.0e+00;
	v15 =	vmul.f32 $1.000000050e-03, v23;
	v23 =	vadd.f32 $1.000000000e+00, v23  }
0x5b: {  	v22 =	vld [tilespmem:s10+$0xFFFFE800];
	v59 =	vshll.u32 v24, $0x9;
	v33 =	vadd.s32 v33, v24;
	v48 =	vsel vm15, $0x1, v2  }
0x5c: {  	[tilespmem:v19+s20+$0x0] =	vst.idx.msk vm3, v12;
	v17 =	vsel vm10, $0xFFFFFFFF, v41;
	v42 =	vsel vm10, $0x1, v2;
	v29 =	vadd.s32 v6, v59  }
0x5d: {  	v62 =	vld [tilespmem:s8+$0x1400];
	[tilespmem:v21+s20+$0x0] =	vst.idx.msk vm9, v14;
	vm9 =	vgt.f32 v31, $0.0e+00;
	v60 =	vshll.u32 v33, $0x9;
	vm10 =	vgt.f32 v34, $0.0e+00  }
0x5e: {  	v19 =	vld [tilespmem:s10+$0xFFFFEC00];
	vm0 =	vgt.f32 v39, $0.0e+00;
	v30 =	vadd.f32 $1.000000000e+00, v23;
	v61 =	vsel vm9, $0x1, v2  }
0x5f: {  	[tilespmem:v18+s20+$0x0] =	vst.idx.msk vm4, v13;
	v31 =	vadd.s32 v6, v60;
	vm11 =	vgt.f32 v40, $0.0e+00;
	v33 =	vadd.s32 v61, v33  }
0x60: {  	v18 =	vld [tilespmem:s10+$0xFFFFF000];
	v16 =	vsel vm11, $0xFFFFFFFF, v43;
	v44 =	vsel vm11, $0x1, v2;
	vm12 =	vgt.f32 v22, $0.0e+00  }
0x61: {  	v55 =	vadd.f32 $1.000000000e+00, v30;
	v38 =	vshll.u32 v33, $0x9;
	v33 =	vadd.s32 v36, v33  }
0x62: {  	vm11 =	vgt.f32 v62, $0.0e+00;
	[tilespmem:$0x1FFE0] =	vst v16;
	v16 =	vadd.s32 v42, v8;
	v20 =	vsel vm12, $0xFFFFFFFF, v45  }
0x63: {  	v21 =	vld [tilespmem:s10+$0xFFFFF400];
	v46 =	vsel vm12, $0x1, v2;
	vm3 =	vgt.f32 v19, $0.0e+00;
	v63 =	vadd.s32 v6, v38  }
0x64: {  	v43 =	vshll.u32 v33, $0x9;
	v32 =	vsel vm11, $0x1, v2;
	v8 =	vshll.u32 v8, $0x9  }
0x65: {  	[tilespmem:$0x1FFD0] =	vst v17;
	v17 =	vadd.s32 v44, v16;
	v47 =	vsel vm3, $0x1, v2;
	vm4 =	vgt.f32 v18, $0.0e+00  }
0x66: {  	v18 =	vmul.f32 $1.000000050e-03, v23;
	v58 =	vadd.f32 $1.000000000e+00, v55;
	v23 =	vmul.f32 $1.000000050e-03, v55  }
0x67: {  	v34 =	vadd.s32 v6, v43;
	v44 =	vsel vm10, $0x1, v2;
	v19 =	vadd.s32 v46, v17  }
0x68: {  	[tilespmem:v28+s20+$0x0] =	vst.idx.msk vm13, v15;
	v49 =	vsel vm4, $0x1, v2;
	vm5 =	vgt.f32 v21, $0.0e+00;
	v35 =	vadd.f32 $1.000000000e+00, v58  }
0x69: {  	[tilespmem:$0x1FFF0] =	vst v20;
	v21 =	vmul.f32 $1.000000050e-03, v30;
	v33 =	vadd.s32 v44, v33;
	v20 =	vadd.s32 v47, v19  }
0x6a: {  	v40 =	vld [tilespmem:s10+$0xFFFFF800];
	v26 =	vsel vm5, $0x1, v2;
	v25 =	vmul.f32 $1.000000050e-03, v35;
	v35 =	vadd.f32 $1.000000000e+00, v35  }
0x6b: {  	v24 =	vmul.f32 $1.000000050e-03, v58;
	[tilespmem:v27+s20+$0x0] =	vst.idx.msk vm14, v18;
	v45 =	vshll.u32 v33, $0x9;
	v47 =	vadd.s32 v32, v33  }
0x6c: {  	v46 =	vld [tilespmem:s10+$0xFFFFFC00];
	[tilespmem:v56+s20+$0x0] =	vst.idx.msk vm6, v21;
	v27 =	vadd.s32 v6, v45;
	v28 =	vmul.f32 $1.000000050e-03, v35;
	v35 =	vadd.f32 $1.000000000e+00, v35  }
0x6d: {  	[tilespmem:v29+s20+$0x0] =	vst.idx.msk vm7, v23;
	v22 =	vadd.s32 v49, v20;
	v51 =	vshll.u32 v47, $0x9;
	v30 =	vadd.s32 v48, v47;
	v49 =	vld [tilespmem:s10+$0x0]  }
0x6e: {  	v52 =	vld [tilespmem:s10+$0x400];
	[tilespmem:v31+s20+$0x0] =	vst.idx.msk vm9, v24;
	v53 =	vadd.s32 v6, v51;
	v54 =	vshll.u32 v30, $0x9;
	v50 =	vadd.f32 $1.000000000e+00, v35  }
0x6f: {  	vm6 =	vgt.f32 v40, $0.0e+00;
	v55 =	vld [tilespmem:s10+$0x800];
	v56 =	vadd.s32 v6, v54;
	[tilespmem:v63+s20+$0x0] =	vst.idx.msk vm8, v25;
	v35 =	vmul.f32 $1.000000050e-03, v35  }
0x70: {  	v26 =	vadd.s32 v26, v22;
	v57 =	vsel vm6, $0x1, v2;
	v58 =	vld [tilespmem:s10+$0xC00];
	[tilespmem:v34+s20+$0x0] =	vst.idx.msk vm10, v28;
	v34 =	vadd.f32 $1.000000000e+00, v50  }
0x71: {  	v38 =	vadd.s32 v57, v26;
	vm7 =	vgt.f32 v46, $0.0e+00;
	v59 =	vld [tilespmem:s10+$0x1000];
	[tilespmem:v27+s20+$0x0] =	vst.idx.msk vm11, v35;
	v27 =	vmul.f32 $1.000000050e-03, v50  }
0x72: {  	v60 =	vsel vm7, $0x1, v2;
	vm8 =	vgt.f32 v49, $0.0e+00;
	v61 =	vld [tilespmem:s10+$0x1400];
	v41 =	vmul.f32 $1.000000050e-03, v34  }
0x73: {  	vm9 =	vgt.f32 v52, $0.0e+00;
	v29 =	vadd.s32 v60, v38;
	v42 =	vsel vm8, $0x1, v2;
	[tilespmem:v53+s20+$0x0] =	vst.idx.msk vm15, v27;
	v53 =	vld [tilespmem:$0x1FFD0]  }
0x74: {  	v32 =	vsel vm9, $0x1, v2;
	vm10 =	vgt.f32 v55, $0.0e+00;
	v62 =	vadd.s32 v42, v29;
	v63 =	vld [tilespmem:s10+$0x1800];
	[tilespmem:v56+s20+$0x0] =	vst.idx.msk vm0, v41  }
0x75: {  	v45 =	vsel vm10, $0x1, v2;
	v32 =	vadd.s32 v32, v62;
	vm11 =	vgt.f32 v58, $0.0e+00;
	v46 =	vld [tilespmem:s10+$0x1C00]  }
0x76: {  	v36 =	vadd.s32 v45, v32;
	v47 =	vsel vm11, $0x1, v2;
	vm13 =	vgt.f32 v59, $0.0e+00  }
0x77: {  	v43 =	vsel vm0, $0x1, v2;
	v48 =	vadd.s32 v47, v36;
	v49 =	vsel vm13, $0x1, v2  }
0x78: {  	v8 =	vadd.s32 v7, v8;
	vm14 =	vgt.f32 v61, $0.0e+00;
	v50 =	vadd.s32 v49, v48  }
0x79: {  	v51 =	vsel vm14, $0x1, v2;
	vm2 =	vnez.u8 v53;
	vm15 =	vgt.f32 v63, $0.0e+00  }
0x7a: {  	v42 =	vadd.s32 v51, v50;
	v39 =	vsel vm15, $0x1, v2;
	vm12 =	vgt.f32 v46, $0.0e+00  }
0x7b: {  	v30 =	vadd.s32 v43, v30;
	v54 =	vld [tilespmem:$0x1FFE0];
	v39 =	vadd.s32 v39, v42;
	v40 =	vsel vm12, $0x1, v2  }
0x7c: {  	vm1 =	vlt.s32 v30, $0x10;
	v40 =	vadd.s32 v40, v39  }
0x7d: {  	v52 =	vmpcnt.ones.xlane vm1;
	vm0 =	vlt.s32 v40, $0x10  }
0x7e: {  	v44 =	vmpcnt.ones.xlane vm0  }
0x7f: {  	(v2sf) =	vpush v52, $0x0  }
0x80: {  	v16 =	vshll.u32 v16, $0x9;
	[tilespmem:v8+s20+$0x0] =	vst.idx.msk vm2, v9;
	vm2 =	vnez.u8 v54;
	(v2sf) =	vpush v44, $0x0  }
0x81: {  	v16 =	vadd.s32 v7, v16;
	v55 =	vld [tilespmem:$0x1FFF0];
	_ =	sdelay $0x1  }
0x82: {  	v19 =	vshll.u32 v19, $0x9  }
0x83: {  	v19 =	vadd.s32 v7, v19  }
0x84: {  	v22 =	vshll.u32 v22, $0x9  }
0x85: {  	v17 =	vshll.u32 v17, $0x9;
	v8 =	vadd.s32 v7, v22;
	[tilespmem:v16+s20+$0x0] =	vst.idx.msk vm2, v10;
	vm2 =	vnez.u8 v55  }
0x86: {  	v17 =	vadd.s32 v7, v17;
	v20 =	vshll.u32 v20, $0x9  }
0x87: {  	v20 =	vadd.s32 v7, v20;
	v56 =	vshll.u32 v62, $0x9  }
0x88: {  	[tilespmem:v19+s20+$0x0] =	vst.idx.msk vm3, v12;
	v12 =	vadd.s32 v7, v56;
	v9 =	vshll.u32 v26, $0x9  }
0x89: {  	v57 =	vshll.u32 v32, $0x9;
	v9 =	vadd.s32 v7, v9  }
0x8a: {  	[tilespmem:v8+s20+$0x0] =	vst.idx.msk vm5, v14;
	v8 =	vadd.s32 v7, v57;
	v10 =	vshll.u32 v38, $0x9  }
0x8b: {  	v10 =	vadd.s32 v7, v10;
	[tilespmem:v17+s20+$0x0] =	vst.idx.msk vm2, v11;
	v11 =	vshll.u32 v29, $0x9  }
0x8c: {  	[tilespmem:v20+s20+$0x0] =	vst.idx.msk vm4, v13;
	v61 =	vshll.u32 v42, $0x9;
	v11 =	vadd.s32 v7, v11  }
0x8d: {  	v58 =	vshll.u32 v36, $0x9;
	[tilespmem:v12+s20+$0x0] =	vst.idx.msk vm9, v23;
	v62 =	vadd.s32 v7, v61;
	s22 =	spop (v2sf)  }
0x8e: {  	v63 =	vshll.u32 v39, $0x9;
	[tilespmem:v9+s20+$0x0] =	vst.idx.msk vm6, v15;
	v9 =	vadd.s32 v7, v58;
	s23 =	spop (v2sf)  }
0x8f: {  	p3 =	sgt.u32 s11, $0x3F;
	v59 =	vshll.u32 v48, $0x9;
	[tilespmem:v8+s20+$0x0] =	vst.idx.msk vm10, v24;
	v8 =	vadd.s32 v7, v63;
	s19 =	sadd.s32 s22, s23  }
0x90: {  	p2 =	por !p2, p1;
	v60 =	vshll.u32 v50, $0x9;
	[tilespmem:v10+s20+$0x0] =	vst.idx.msk vm7, v18;
	v10 =	vadd.s32 v7, v59;
	p4 =	sgt.s32 @!p3 s19, $0x0;
	s19 =	simm.s32 @!p1 $0x1  }
0x91: {  	[tilespmem:v11+s20+$0x0] =	vst.idx.msk vm8, v21;
	v11 =	vadd.s32 v7, v60;
	s19 =	simm.s32 @p2 $0x1;
	p2 =	por p3, !p4  }
.Ltmp3:
0x92: {  	[tilespmem:v62+s20+$0x0] =	vst.idx.msk vm15, v27;
	(pc) =	sbr.rel @!p2 .LBB2_5-.Ltmp3, $4  }
0x93: {  	[tilespmem:v9+s20+$0x0] =	vst.idx.msk vm11, v25  }
0x94: {  	[tilespmem:v8+s20+$0x0] =	vst.idx.msk vm12, v41  }
0x95: {  	s11 =	sadd.s32 $0x10, s11;
	[tilespmem:v10+s20+$0x0] =	vst.idx.msk vm13, v28  }
0x96: {  	s8 =	sadd.s32 $0x4000, s8;
	s10 =	sadd.s32 $0x4000, s10;
	v8 =	vnsel vm0, $0x10, v40;
	v10 =	vnsel vm1, $0x10, v30;
	s19 =	smov.u32 @p1 s15;
	[tilespmem:v11+s20+$0x0] =	vst.idx.msk vm14, v35;
	v11 =	vadd.f32 $1.000000000e+00, v34  }
.Ltmp4:
0x97: {  	(pc) =	sbr.rel .LBB2_7-.Ltmp4, $2  }
0x98: {  	_ =	sdelay $0x2  }
0x99: {  	s19 =	smov.u32 @p3 s19;
	v7 =	vpsel p3, v10, v10;
	v6 =	vpsel p3, v8, v8;
	s22 =	smov.u32 @p3 s22;
	s23 =	smov.u32 @p3 s23  }
.LBB2_8:
0x9a: {  	p1 =	seq.s32 s0, $0x0  }
.Ltmp5:
0x9b: {  	p0 =	sne.s32 s19, $0x0;
	(pc) =	sbr.rel @p1 .LBB2_18-.Ltmp5, $4  }
0x9c: {  	s1 =	simm.s32 @!p0 $0x2  }
0x9d: {  	_ =	swait.ge @!p0 [sflag:s1], $0xC000  }
0x9e: {  	[sflag:s1] =	ssyncset.done @!p0 $0x0  }
0x9f: {  	s3 =	simm.s32 $0x0;
	[sflag:s1] =	ssyncadd.s32 @!p0 $0xFFFF4000;
	s1 =	simm.s32 $0x0  }
.Ltmp6:
0xa0: {  	(pc) =	sbr.rel .LBB2_10-.Ltmp6, $2  }
0xa1: {  	_ =	sdelay $0x2  }
0xa2: {  	s3 =	simm.s32 $0x50  }
.LBB2_16:
0xa3: {  	p0 =	sgt.u32 s3, $0x7EF  }
0xa4: {  	p1 =	sne.s32 @!p0 s0, $0x0  }
0xa5: {  	p1 =	por p0, !p1  }
.Ltmp7:
0xa6: {  	_ = 	snop;
	(pc) =	sbr.rel @p1 .LBB2_17-.Ltmp7, $2  }
0xa7: {  	_ =	sdelay $0x2  }
0xa8: {  	s3 =	sadd.s32 $0x10, s3  }
.LBB2_10:
0xa9: {  	s5 =	sshll.u32 s3, $0xE  }
0xaa: {  	s5 =	sor.u32 s4, s5  }
0xab: {  	s5 =	sshrl.u32 s5, $0x3  }
.Ltmp8:
0xac: {  	s6 =	sadd.s32 s2, s5;
	s5 =	simm.s32 $0x0;
	(pc) =	sbr.rel .LBB2_11-.Ltmp8, $4  }
0xad: {  	[tilespmem:s5], [sflag:$0x3] =	stream.strided.gather [hbm4b:s6+s16], $0x4000, s17, s16, $0x38;
	[tilespmem:$0x1D000] =	vst v63  }
0xae: {  	s31 =	scvt.s32.f32 s3;
	_ =	swait.ge [sflag:s21], $0x4000  }
0xaf: {  	[sflag:s21] =	ssyncset.done $0x0  }
0xb0: {  	v6 =	vmov s31;
	s6 =	simm.s32 $0x0;
	[sflag:s21] =	ssyncadd.s32 $0xFFFFC000  }
.LBB2_15:
0xb1: {  	s6 =	sadd.s32 $0x1, s6  }
0xb2: {  	p0 =	sne.s32 s6, $0x20  }
.Ltmp9:
0xb3: {  	_ = 	snop;
	(pc) =	sbr.rel @!p0 .LBB2_16-.Ltmp9, $2  }
0xb4: {  	_ =	sdelay $0x2  }
0xb5: {  	s5 =	sadd.s32 $0x1, s5  }
.LBB2_11:
0xb6: {  	s7 =	sshll.u32 s18, s6  }
0xb7: {  	s8 =	sand.u32 s7, s0  }
0xb8: {  	p0 =	seq.s32 s8, $0x0  }
.Ltmp10:
0xb9: {  	_ = 	snop;
	(pc) =	sbr.rel @p0 .LBB2_15-.Ltmp10, $1  }
0xba: {  	_ =	sdelay $0x3  }
0xbb: {  	s8 =	sshll.u32 s6, $0x6;
	s10 =	sand.u32 $0x7, s5  }
0xbc: {  	s8 =	sand.u32 $0xFFFFFE00, s8;
	s10 =	sshll.u32 s10, $0x6  }
0xbd: {  	s8 =	sor.u32 s10, s8  }
0xbe: {  	s8 =	sshrl.u32 s8, $0x2  }
0xbf: {  	s8 =	sadd.s32 s8, s12  }
0xc0: {  	v8 =	vmov s8;
	_ =	sdelay $0x1  }
0xc1: {  	s29 =	sshll.u32 s6, $0x9  }
0xc2: {  	s8 =	sshrl.u32 s29, $0x2  }
0xc3: {  	s30 =	simm.s32 $0x0;
	v9 =	vld [tilespmem:s8+$0x18000]  }
0xc4: {  	v10 =	vld.idx.msk [tilespmem:v8+s30+$0x0 ss:$0x1], $0xffff;
	_ =	sdelay $0x3  }
0xc5: {  	s31 =	sshll.u32 s6, $0x4  }
0xc6: {  	v7 =	vor.u32 s31, v1;
	vm0 =	vgt.f32 v10, $0.0e+00;
	v10 =	vshll.u32 v9, $0x9  }
0xc7: {  	v11 =	vadd.s32 v7, v10  }
0xc8: {  	v10 =	vsel vm0, $0x1, v2  }
0xc9: {  	v9 =	vadd.s32 v10, v9  }
0xca: {  	v12 =	vmul.f32 $1.000000050e-03, v6  }
0xcb: {  	vm1 =	vlt.s32 v9, $0x10  }
0xcc: {  	s11 =	simm.s32 $0x400;
	s10 =	simm.s32 $0x2000;
	v10 =	vnsel vm1, $0x10, v9;
	v9 =	vmov v6;
	[tilespmem:v11+s20+$0x0] =	vst.idx.msk vm0, v12  }
.LBB2_13:
0xcd: {  	p0 =	sne.s32 s10, $0xF000;
	v11 =	vld.idx.msk [tilespmem:v8+s11+$0x0 ss:$0x1], $0xffff;
	_ =	sdelay $0x5  }
0xce: {  	vm0 =	vgt.f32 v11, $0.0e+00;
	v11 =	vshll.u32 v10, $0x9  }
0xcf: {  	v11 =	vadd.s32 v7, v11;
	v12 =	vsel vm0, $0x1, v2  }
.Ltmp11:
0xd0: {  	v9 =	vadd.f32 $1.000000000e+00, v9;
	v10 =	vadd.s32 v12, v10;
	(pc) =	sbr.rel @p0 .LBB2_13-.Ltmp11, $3  }
0xd1: {  	vm1 =	vlt.s32 v10, $0x10  }
0xd2: {  	v12 =	vmul.f32 $1.000000050e-03, v9;
	v10 =	vnsel vm1, $0x10, v10;
	_ =	sdelay $0x1  }
0xd3: {  	s11 =	sshra.s32 s10, $0x2;
	s10 =	sadd.s32 $0x1000, s10;
	[tilespmem:v11+s20+$0x0] =	vst.idx.msk vm0, v12  }
0xd4: {  	_ =	sdelay $0x3  }
0xd5: {  	v8 =	vld.idx.msk [tilespmem:v8+s11+$0x0 ss:$0x1], $0xffff;
	_ =	sdelay $0x4  }
0xd6: {  	vm0 =	vgt.f32 v8, $0.0e+00  }
0xd7: {  	v8 =	vsel vm0, $0x1, v2  }
0xd8: {  	v8 =	vadd.s32 v8, v10  }
0xd9: {  	vm1 =	vlt.s32 v8, $0x10  }
0xda: {  	v11 =	vmpcnt.ones.xlane vm1;
	_ =	sdelay $0x1  }
0xdb: {  	(v2sf) =	vpush v11, $0x0;
	_ =	sdelay $0xa  }
0xdc: {  	v63 =	vshll.u32 v10, $0x9  }
0xdd: {  	v7 =	vadd.s32 v7, v63  }
0xde: {  	v9 =	vadd.f32 $1.000000000e+00, v9  }
.Ltmp12:
0xdf: {  	_ = 	snop;
	(pc) =	sbr.rel .LBB2_15-.Ltmp12, $4  }
0xe0: {  	v9 =	vmul.f32 $1.000000050e-03, v9;
	s10 =	spop (v2sf)  }
0xe1: {  	s7 =	sxor.u32 $0xFFFFFFFF, s7;
	p0 =	seq.s32 s10, $0x0  }
0xe2: {  	v8 =	vnsel vm1, $0x10, v8;
	[tilespmem:v7+s20+$0x0] =	vst.idx.msk vm0, v9;
	s7 =	simm.s32 @!p0 $0xFFFFFFFF  }
0xe3: {  	[tilespmem:s8+$0x18000] =	vst v8;
	s0 =	sand.u32 s0, s7  }
.LBB2_17:
0xe4: {  	s0 =	smov.u32 @p0 s0  }
0xe5: {  	s3 =	smov.u32 s0  }
.LBB2_18:
.Ltmp13:
0xe6: {  	(pc) =	sbr.rel .LBB2_19-.Ltmp13, $2  }
0xe7: {  	_ =	sdelay $0x2  }
0xe8: {  	s0 =	simm.s32 $0x18000;
	s5 =	simm.s32 $0x0  }
.LBB2_21:
0xe9: {  	s5 =	sadd.s32 $0x1, s5  }
0xea: {  	p0 =	sne.s32 s5, $0x20  }
.Ltmp14:
0xeb: {  	_ = 	snop;
	(pc) =	sbr.rel @!p0 .LBB2_22-.Ltmp14, $2  }
0xec: {  	_ =	sdelay $0x2  }
0xed: {  	s0 =	sadd.s32 $0x80, s0;
	s1 =	sadd.s32 $0x10, s1  }
.LBB2_19:
0xee: {  	s6 =	sshrl.u32 s3, s5  }
0xef: {  	s6 =	sand.u32 $0x1, s6  }
0xf0: {  	p0 =	seq.s32 s6, $0x0  }
.Ltmp15:
0xf1: {  	_ = 	snop;
	(pc) =	sbr.rel @p0 .LBB2_21-.Ltmp15, $1  }
0xf2: {  	_ =	sdelay $0x3  }
0xf3: {  	v6 =	vld [tilespmem:s0+$0x0];
	_ =	sdelay $0x2  }
0xf4: {  	s6 =	sshll.u32 s5, $0x4  }
0xf5: {  	s7 =	sand.u32 $0x70, s1;
	s6 =	sand.u32 $0xFFFFFF80, s6  }
0xf6: {  	s6 =	sor.u32 s7, s6;
	vm0 =	vlt.s32 v6, $0x1  }
0xf7: {  	v8 =	vor.u32 $0x200, v1;
	v7 =	vor.u32 s6, v1;
	vm1 =	vlt.s32 v6, $0x2  }
0xf8: {  	v9 =	vor.u32 $0x400, v1;
	v8 =	vor.u32 s6, v8;
	vm2 =	vlt.s32 v6, $0x3  }
0xf9: {  	v10 =	vor.u32 $0x600, v1;
	v9 =	vor.u32 s6, v9;
	vm3 =	vlt.s32 v6, $0x4  }
0xfa: {  	v11 =	vor.u32 $0x800, v1;
	v10 =	vor.u32 s6, v10;
	vm4 =	vlt.s32 v6, $0x5  }
0xfb: {  	v12 =	vor.u32 $0xA00, v1;
	v11 =	vor.u32 s6, v11;
	vm5 =	vlt.s32 v6, $0x6  }
0xfc: {  	v47 =	vor.u32 $0xC00, v1;
	vm14 =	vlt.s32 v6, $0x7;
	[tilespmem:v7+s20+$0x0] =	vst.idx.msk vm0, v3;
	v7 =	vor.u32 s6, v12  }
0xfd: {  	v49 =	vor.u32 $0xE00, v1;
	v48 =	vor.u32 s6, v47;
	vm15 =	vlt.s32 v6, $0x8;
	[tilespmem:v8+s20+$0x0] =	vst.idx.msk vm1, v3  }
0xfe: {  	v51 =	vor.u32 $0x1000, v1;
	v50 =	vor.u32 s6, v49;
	vm8 =	vlt.s32 v6, $0x9;
	[tilespmem:v9+s20+$0x0] =	vst.idx.msk vm2, v3  }
0xff: {  	v53 =	vor.u32 $0x1200, v1;
	v52 =	vor.u32 s6, v51;
	vm9 =	vlt.s32 v6, $0xA;
	[tilespmem:v10+s20+$0x0] =	vst.idx.msk vm3, v3  }
0x100: {  	v55 =	vor.u32 $0x1400, v1;
	v54 =	vor.u32 s6, v53;
	vm10 =	vlt.s32 v6, $0xB;
	[tilespmem:v11+s20+$0x0] =	vst.idx.msk vm4, v3  }
0x101: {  	v56 =	vor.u32 $0x1600, v1;
	vm11 =	vlt.s32 v6, $0xC;
	[tilespmem:v7+s20+$0x0] =	vst.idx.msk vm5, v3;
	v7 =	vor.u32 s6, v55  }
0x102: {  	v58 =	vor.u32 $0x1800, v1;
	v57 =	vor.u32 s6, v56;
	vm12 =	vlt.s32 v6, $0xD;
	[tilespmem:v48+s20+$0x0] =	vst.idx.msk vm14, v3  }
0x103: {  	v60 =	vor.u32 $0x1A00, v1;
	v59 =	vor.u32 s6, v58;
	vm13 =	vlt.s32 v6, $0xE;
	[tilespmem:v50+s20+$0x0] =	vst.idx.msk vm15, v3  }
0x104: {  	v62 =	vor.u32 $0x1C00, v1;
	v61 =	vor.u32 s6, v60;
	vm14 =	vlt.s32 v6, $0xF;
	[tilespmem:v52+s20+$0x0] =	vst.idx.msk vm8, v3  }
0x105: {  	v63 =	vor.u32 s6, v62;
	vm15 =	vlt.s32 v6, $0x10;
	v6 =	vor.u32 $0x1E00, v1;
	[tilespmem:v54+s20+$0x0] =	vst.idx.msk vm9, v3  }
0x106: {  	v6 =	vor.u32 s6, v6;
	[tilespmem:v7+s20+$0x0] =	vst.idx.msk vm10, v3  }
.Ltmp16:
0x107: {  	[tilespmem:v57+s20+$0x0] =	vst.idx.msk vm11, v3;
	(pc) =	sbr.rel .LBB2_21-.Ltmp16, $4  }
0x108: {  	[tilespmem:v59+s20+$0x0] =	vst.idx.msk vm12, v3  }
0x109: {  	[tilespmem:v61+s20+$0x0] =	vst.idx.msk vm13, v3  }
0x10a: {  	[tilespmem:v63+s20+$0x0] =	vst.idx.msk vm14, v3  }
0x10b: {  	[tilespmem:v6+s20+$0x0] =	vst.idx.msk vm15, v3  }
.LBB2_22:
0x10c: {  	s0 =	rddreg [dreg:$0x6]  }
0x10d: {  	s1 =	rddreg [dreg:$0x7]  }
0x10e: {  	[spmem:s0] =	stream.linear.scatter [tilespmem:s1], [sflag:$0x3], $0x1000, $0x38;
	[tilespmem:$0x1D000] =	vst v63  }
0x10f: {  	_ =	swait.ge [sflag:s21], $0x1000  }
0x110: {  	[sflag:s21] =	ssyncset.done $0x0  }
0x111: {  	[sflag:s21] =	ssyncadd.s32 $0xFFFFF000  }
0x112: {  	[bflag:$0x0] =	sbarrier.arrive $0xFFFF  }
0x113: {  	s26 =	simm.s32 $0x1A000;
	s25 =	rddreg [dreg:$0x8]  }
0x114: {  	[tilespmem:s26], [sflag:$0x3] =	stream.linear.gather [spmem:s25], $0x1000, $0x38;
	[tilespmem:$0x1D000] =	vst v63  }
0x115: {  	_ =	swait.ge [sflag:s21], $0x1000  }
0x116: {  	[sflag:s21] =	ssyncset.done $0x0  }
0x117: {  	[sflag:s21] =	ssyncadd.s32 $0xFFFFF000  }
0x118: {  	v6 =	vld [tilespmem:s9+$0xFFFFFF00];
	_ =	sdelay $0x3  }
0x119: {  	s25 =	simm.s32 $0x0  }
0x11a: {  	s26 =	simm.s32 $0x1A100;
	[tilespmem:v4+s25+$0xFFFFFE10 ss:$0x1] =	vst.idx.msk $0xffff, v6  }
0x11b: {  	v6 =	vld [tilespmem:s26+$0xFFFFFF00];
	_ =	sdelay $0x4  }
0x11c: {  	[tilespmem:v5+s25+$0xFFFFFF00 ss:$0x1] =	vst.idx.msk $0xffff, v6  }
0x11d: {  	v6 =	vld [tilespmem:s9+$0xFFFFFF10];
	_ =	sdelay $0x4  }
0x11e: {  	[tilespmem:v4+s25+$0xFFFFFE20 ss:$0x1] =	vst.idx.msk $0xffff, v6  }
0x11f: {  	v6 =	vld [tilespmem:s26+$0xFFFFFF10];
	_ =	sdelay $0x4  }
0x120: {  	[tilespmem:v5+s25+$0xFFFFFF10 ss:$0x1] =	vst.idx.msk $0xffff, v6  }
0x121: {  	v6 =	vld [tilespmem:s9+$0xFFFFFF20];
	_ =	sdelay $0x4  }
0x122: {  	[tilespmem:v4+s25+$0xFFFFFE30 ss:$0x1] =	vst.idx.msk $0xffff, v6  }
0x123: {  	v6 =	vld [tilespmem:s26+$0xFFFFFF20];
	_ =	sdelay $0x4  }
0x124: {  	[tilespmem:v5+s25+$0xFFFFFF20 ss:$0x1] =	vst.idx.msk $0xffff, v6  }
0x125: {  	v6 =	vld [tilespmem:s9+$0xFFFFFF30];
	_ =	sdelay $0x4  }
0x126: {  	[tilespmem:v4+s25+$0xFFFFFE40 ss:$0x1] =	vst.idx.msk $0xffff, v6  }
0x127: {  	v6 =	vld [tilespmem:s26+$0xFFFFFF30];
	_ =	sdelay $0x4  }
0x128: {  	[tilespmem:v5+s25+$0xFFFFFF30 ss:$0x1] =	vst.idx.msk $0xffff, v6  }
0x129: {  	v6 =	vld [tilespmem:s9+$0xFFFFFF40];
	_ =	sdelay $0x4  }
0x12a: {  	[tilespmem:v4+s25+$0xFFFFFE50 ss:$0x1] =	vst.idx.msk $0xffff, v6  }
0x12b: {  	v6 =	vld [tilespmem:s26+$0xFFFFFF40];
	_ =	sdelay $0x4  }
0x12c: {  	[tilespmem:v5+s25+$0xFFFFFF40 ss:$0x1] =	vst.idx.msk $0xffff, v6  }
0x12d: {  	v6 =	vld [tilespmem:s9+$0xFFFFFF50];
	_ =	sdelay $0x2  }
0x12e: {  	s30 =	sadd.s32 $0x200, s9  }
0x12f: {  	v7 =	vld [tilespmem:s30+$0xFFFFFF00]  }
0x130: {  	[tilespmem:v4+s25+$0xFFFFFE60 ss:$0x1] =	vst.idx.msk $0xffff, v6  }
0x131: {  	v6 =	vld [tilespmem:s26+$0xFFFFFF50];
	_ =	sdelay $0x1  }
0x132: {  	s28 =	simm.s32 $0x400  }
0x133: {  	s29 =	simm.s32 $0x1A300;
	[tilespmem:v4+s28+$0xFFFFFE10 ss:$0x1] =	vst.idx.msk $0xffff, v7  }
0x134: {  	v7 =	vld [tilespmem:s29+$0xFFFFFF00]  }
0x135: {  	[tilespmem:v5+s25+$0xFFFFFF50 ss:$0x1] =	vst.idx.msk $0xffff, v6  }
0x136: {  	v6 =	vld [tilespmem:s9+$0xFFFFFF60];
	_ =	sdelay $0x2  }
0x137: {  	[tilespmem:v5+s28+$0xFFFFFF00 ss:$0x1] =	vst.idx.msk $0xffff, v7  }
0x138: {  	v7 =	vld [tilespmem:s30+$0xFFFFFF10]  }
0x139: {  	[tilespmem:v4+s25+$0xFFFFFE70 ss:$0x1] =	vst.idx.msk $0xffff, v6  }
0x13a: {  	v6 =	vld [tilespmem:s26+$0xFFFFFF60];
	_ =	sdelay $0x2  }
0x13b: {  	[tilespmem:v4+s28+$0xFFFFFE20 ss:$0x1] =	vst.idx.msk $0xffff, v7  }
0x13c: {  	v7 =	vld [tilespmem:s29+$0xFFFFFF10]  }
0x13d: {  	[tilespmem:v5+s25+$0xFFFFFF60 ss:$0x1] =	vst.idx.msk $0xffff, v6  }
0x13e: {  	v6 =	vld [tilespmem:s9+$0xFFFFFF70];
	_ =	sdelay $0x2  }
0x13f: {  	[tilespmem:v5+s28+$0xFFFFFF10 ss:$0x1] =	vst.idx.msk $0xffff, v7  }
0x140: {  	v7 =	vld [tilespmem:s30+$0xFFFFFF20]  }
0x141: {  	[tilespmem:v4+s25+$0xFFFFFE80 ss:$0x1] =	vst.idx.msk $0xffff, v6  }
0x142: {  	v6 =	vld [tilespmem:s26+$0xFFFFFF70];
	_ =	sdelay $0x2  }
0x143: {  	[tilespmem:v4+s28+$0xFFFFFE30 ss:$0x1] =	vst.idx.msk $0xffff, v7  }
0x144: {  	v7 =	vld [tilespmem:s29+$0xFFFFFF20]  }
0x145: {  	[tilespmem:v5+s25+$0xFFFFFF70 ss:$0x1] =	vst.idx.msk $0xffff, v6  }
0x146: {  	v6 =	vld [tilespmem:s9+$0xFFFFFF80];
	_ =	sdelay $0x2  }
0x147: {  	[tilespmem:v5+s28+$0xFFFFFF20 ss:$0x1] =	vst.idx.msk $0xffff, v7  }
0x148: {  	v7 =	vld [tilespmem:s30+$0xFFFFFF30]  }
0x149: {  	[tilespmem:v4+s25+$0xFFFFFE90 ss:$0x1] =	vst.idx.msk $0xffff, v6  }
0x14a: {  	v6 =	vld [tilespmem:s26+$0xFFFFFF80];
	_ =	sdelay $0x2  }
0x14b: {  	[tilespmem:v4+s28+$0xFFFFFE40 ss:$0x1] =	vst.idx.msk $0xffff, v7  }
0x14c: {  	v7 =	vld [tilespmem:s29+$0xFFFFFF30]  }
0x14d: {  	[tilespmem:v5+s25+$0xFFFFFF80 ss:$0x1] =	vst.idx.msk $0xffff, v6  }
0x14e: {  	v6 =	vld [tilespmem:s9+$0xFFFFFF90];
	_ =	sdelay $0x2  }
0x14f: {  	[tilespmem:v5+s28+$0xFFFFFF30 ss:$0x1] =	vst.idx.msk $0xffff, v7  }
0x150: {  	v7 =	vld [tilespmem:s30+$0xFFFFFF40]  }
0x151: {  	[tilespmem:v4+s25+$0xFFFFFEA0 ss:$0x1] =	vst.idx.msk $0xffff, v6  }
0x152: {  	v6 =	vld [tilespmem:s26+$0xFFFFFF90];
	_ =	sdelay $0x2  }
0x153: {  	[tilespmem:v4+s28+$0xFFFFFE50 ss:$0x1] =	vst.idx.msk $0xffff, v7  }
0x154: {  	v7 =	vld [tilespmem:s29+$0xFFFFFF40]  }
0x155: {  	[tilespmem:v5+s25+$0xFFFFFF90 ss:$0x1] =	vst.idx.msk $0xffff, v6  }
0x156: {  	v6 =	vld [tilespmem:s9+$0xFFFFFFA0];
	_ =	sdelay $0x2  }
0x157: {  	[tilespmem:v5+s28+$0xFFFFFF40 ss:$0x1] =	vst.idx.msk $0xffff, v7  }
0x158: {  	v7 =	vld [tilespmem:s30+$0xFFFFFF50]  }
0x159: {  	[tilespmem:v4+s25+$0xFFFFFEB0 ss:$0x1] =	vst.idx.msk $0xffff, v6  }
0x15a: {  	v6 =	vld [tilespmem:s26+$0xFFFFFFA0]  }
0x15b: {  	s1 =	sadd.s32 $0x200, s30  }
0x15c: {  	v8 =	vld [tilespmem:s1+$0xFFFFFF00]  }
0x15d: {  	[tilespmem:v4+s28+$0xFFFFFE60 ss:$0x1] =	vst.idx.msk $0xffff, v7  }
0x15e: {  	v7 =	vld [tilespmem:s29+$0xFFFFFF50]  }
0x15f: {  	[tilespmem:v5+s25+$0xFFFFFFA0 ss:$0x1] =	vst.idx.msk $0xffff, v6  }
0x160: {  	s31 =	simm.s32 $0x800;
	v6 =	vld [tilespmem:s9+$0xFFFFFFB0]  }
0x161: {  	s0 =	simm.s32 $0x1A500;
	[tilespmem:v4+s31+$0xFFFFFE10 ss:$0x1] =	vst.idx.msk $0xffff, v8  }
0x162: {  	v8 =	vld [tilespmem:s0+$0xFFFFFF00]  }
0x163: {  	[tilespmem:v5+s28+$0xFFFFFF50 ss:$0x1] =	vst.idx.msk $0xffff, v7  }
0x164: {  	v7 =	vld [tilespmem:s30+$0xFFFFFF60]  }
0x165: {  	[tilespmem:v4+s25+$0xFFFFFEC0 ss:$0x1] =	vst.idx.msk $0xffff, v6  }
0x166: {  	v6 =	vld [tilespmem:s26+$0xFFFFFFB0]  }
0x167: {  	[tilespmem:v5+s31+$0xFFFFFF00 ss:$0x1] =	vst.idx.msk $0xffff, v8  }
0x168: {  	v8 =	vld [tilespmem:s1+$0xFFFFFF10]  }
0x169: {  	[tilespmem:v4+s28+$0xFFFFFE70 ss:$0x1] =	vst.idx.msk $0xffff, v7  }
0x16a: {  	v7 =	vld [tilespmem:s29+$0xFFFFFF60]  }
0x16b: {  	[tilespmem:v5+s25+$0xFFFFFFB0 ss:$0x1] =	vst.idx.msk $0xffff, v6  }
0x16c: {  	v6 =	vld [tilespmem:s9+$0xFFFFFFC0]  }
0x16d: {  	[tilespmem:v4+s31+$0xFFFFFE20 ss:$0x1] =	vst.idx.msk $0xffff, v8  }
0x16e: {  	v8 =	vld [tilespmem:s0+$0xFFFFFF10]  }
0x16f: {  	[tilespmem:v5+s28+$0xFFFFFF60 ss:$0x1] =	vst.idx.msk $0xffff, v7  }
0x170: {  	v7 =	vld [tilespmem:s30+$0xFFFFFF70]  }
0x171: {  	[tilespmem:v4+s25+$0xFFFFFED0 ss:$0x1] =	vst.idx.msk $0xffff, v6  }
0x172: {  	v6 =	vld [tilespmem:s26+$0xFFFFFFC0]  }
0x173: {  	[tilespmem:v5+s31+$0xFFFFFF10 ss:$0x1] =	vst.idx.msk $0xffff, v8  }
0x174: {  	v8 =	vld [tilespmem:s1+$0xFFFFFF20]  }
0x175: {  	[tilespmem:v4+s28+$0xFFFFFE80 ss:$0x1] =	vst.idx.msk $0xffff, v7  }
0x176: {  	v7 =	vld [tilespmem:s29+$0xFFFFFF70]  }
0x177: {  	[tilespmem:v5+s25+$0xFFFFFFC0 ss:$0x1] =	vst.idx.msk $0xffff, v6  }
0x178: {  	v6 =	vld [tilespmem:s9+$0xFFFFFFD0]  }
0x179: {  	[tilespmem:v4+s31+$0xFFFFFE30 ss:$0x1] =	vst.idx.msk $0xffff, v8  }
0x17a: {  	v8 =	vld [tilespmem:s0+$0xFFFFFF20]  }
0x17b: {  	[tilespmem:v5+s28+$0xFFFFFF70 ss:$0x1] =	vst.idx.msk $0xffff, v7  }
0x17c: {  	v7 =	vld [tilespmem:s30+$0xFFFFFF80]  }
0x17d: {  	[tilespmem:v4+s25+$0xFFFFFEE0 ss:$0x1] =	vst.idx.msk $0xffff, v6  }
0x17e: {  	v6 =	vld [tilespmem:s26+$0xFFFFFFD0]  }
0x17f: {  	[tilespmem:v5+s31+$0xFFFFFF20 ss:$0x1] =	vst.idx.msk $0xffff, v8  }
0x180: {  	v8 =	vld [tilespmem:s1+$0xFFFFFF30]  }
0x181: {  	[tilespmem:v4+s28+$0xFFFFFE90 ss:$0x1] =	vst.idx.msk $0xffff, v7  }
0x182: {  	v7 =	vld [tilespmem:s29+$0xFFFFFF80]  }
0x183: {  	[tilespmem:v5+s25+$0xFFFFFFD0 ss:$0x1] =	vst.idx.msk $0xffff, v6  }
0x184: {  	v6 =	vld [tilespmem:s9+$0xFFFFFFE0]  }
0x185: {  	[tilespmem:v4+s31+$0xFFFFFE40 ss:$0x1] =	vst.idx.msk $0xffff, v8  }
0x186: {  	v8 =	vld [tilespmem:s0+$0xFFFFFF30]  }
0x187: {  	[tilespmem:v5+s28+$0xFFFFFF80 ss:$0x1] =	vst.idx.msk $0xffff, v7  }
0x188: {  	v7 =	vld [tilespmem:s30+$0xFFFFFF90]  }
0x189: {  	[tilespmem:v4+s25+$0xFFFFFEF0 ss:$0x1] =	vst.idx.msk $0xffff, v6  }
0x18a: {  	v6 =	vld [tilespmem:s26+$0xFFFFFFE0]  }
0x18b: {  	[tilespmem:v5+s31+$0xFFFFFF30 ss:$0x1] =	vst.idx.msk $0xffff, v8  }
0x18c: {  	v8 =	vld [tilespmem:s1+$0xFFFFFF40]  }
0x18d: {  	[tilespmem:v4+s28+$0xFFFFFEA0 ss:$0x1] =	vst.idx.msk $0xffff, v7  }
0x18e: {  	v7 =	vld [tilespmem:s29+$0xFFFFFF90]  }
0x18f: {  	[tilespmem:v5+s25+$0xFFFFFFE0 ss:$0x1] =	vst.idx.msk $0xffff, v6  }
0x190: {  	v6 =	vld [tilespmem:s9+$0xFFFFFFF0]  }
0x191: {  	[tilespmem:v4+s31+$0xFFFFFE50 ss:$0x1] =	vst.idx.msk $0xffff, v8  }
0x192: {  	v8 =	vld [tilespmem:s0+$0xFFFFFF40]  }
0x193: {  	[tilespmem:v5+s28+$0xFFFFFF90 ss:$0x1] =	vst.idx.msk $0xffff, v7  }
0x194: {  	v7 =	vld [tilespmem:s30+$0xFFFFFFA0]  }
0x195: {  	[tilespmem:v4+s25+$0xFFFFFF00 ss:$0x1] =	vst.idx.msk $0xffff, v6  }
0x196: {  	v6 =	vld [tilespmem:s26+$0xFFFFFFF0]  }
0x197: {  	[tilespmem:v5+s31+$0xFFFFFF40 ss:$0x1] =	vst.idx.msk $0xffff, v8  }
0x198: {  	v8 =	vld [tilespmem:s1+$0xFFFFFF50]  }
0x199: {  	[tilespmem:v4+s28+$0xFFFFFEB0 ss:$0x1] =	vst.idx.msk $0xffff, v7  }
0x19a: {  	s23 =	sadd.s32 $0x200, s1;
	v7 =	vld [tilespmem:s29+$0xFFFFFFA0]  }
0x19b: {  	[tilespmem:v5+s25+$0xFFFFFFF0 ss:$0x1] =	vst.idx.msk $0xffff, v6;
	v6 =	vld [tilespmem:s23+$0xFFFFFF00]  }
0x19c: {  	v9 =	vld [tilespmem:s9+$0x0]  }
0x19d: {  	[tilespmem:v4+s31+$0xFFFFFE60 ss:$0x1] =	vst.idx.msk $0xffff, v8  }
0x19e: {  	v8 =	vld [tilespmem:s0+$0xFFFFFF50]  }
0x19f: {  	s19 =	simm.s32 $0xC00;
	[tilespmem:v5+s28+$0xFFFFFFA0 ss:$0x1] =	vst.idx.msk $0xffff, v7  }
0x1a0: {  	s22 =	simm.s32 $0x1A700;
	v7 =	vld [tilespmem:s30+$0xFFFFFFB0];
	[tilespmem:v4+s19+$0xFFFFFE10 ss:$0x1] =	vst.idx.msk $0xffff, v6  }
0x1a1: {  	v6 =	vld [tilespmem:s22+$0xFFFFFF00];
	[tilespmem:v4+s25+$0xFFFFFF10 ss:$0x1] =	vst.idx.msk $0xffff, v9  }
0x1a2: {  	v9 =	vld [tilespmem:s26+$0x0]  }
0x1a3: {  	[tilespmem:v5+s31+$0xFFFFFF50 ss:$0x1] =	vst.idx.msk $0xffff, v8  }
0x1a4: {  	v8 =	vld [tilespmem:s1+$0xFFFFFF60]  }
0x1a5: {  	[tilespmem:v4+s28+$0xFFFFFEC0 ss:$0x1] =	vst.idx.msk $0xffff, v7  }
0x1a6: {  	v7 =	vld [tilespmem:s29+$0xFFFFFFB0];
	[tilespmem:v5+s19+$0xFFFFFF00 ss:$0x1] =	vst.idx.msk $0xffff, v6  }
0x1a7: {  	v6 =	vld [tilespmem:s23+$0xFFFFFF10];
	[tilespmem:v5+s25+$0x0 ss:$0x1] =	vst.idx.msk $0xffff, v9  }
0x1a8: {  	v9 =	vld [tilespmem:s9+$0x10]  }
0x1a9: {  	[tilespmem:v4+s31+$0xFFFFFE70 ss:$0x1] =	vst.idx.msk $0xffff, v8  }
0x1aa: {  	v8 =	vld [tilespmem:s0+$0xFFFFFF60]  }
0x1ab: {  	[tilespmem:v5+s28+$0xFFFFFFB0 ss:$0x1] =	vst.idx.msk $0xffff, v7  }
0x1ac: {  	v7 =	vld [tilespmem:s30+$0xFFFFFFC0];
	[tilespmem:v4+s19+$0xFFFFFE20 ss:$0x1] =	vst.idx.msk $0xffff, v6  }
0x1ad: {  	v6 =	vld [tilespmem:s22+$0xFFFFFF10];
	[tilespmem:v4+s25+$0xFFFFFF20 ss:$0x1] =	vst.idx.msk $0xffff, v9  }
0x1ae: {  	v9 =	vld [tilespmem:s26+$0x10]  }
0x1af: {  	[tilespmem:v5+s31+$0xFFFFFF60 ss:$0x1] =	vst.idx.msk $0xffff, v8  }
0x1b0: {  	v8 =	vld [tilespmem:s1+$0xFFFFFF70]  }
0x1b1: {  	[tilespmem:v4+s28+$0xFFFFFED0 ss:$0x1] =	vst.idx.msk $0xffff, v7  }
0x1b2: {  	v7 =	vld [tilespmem:s29+$0xFFFFFFC0];
	[tilespmem:v5+s19+$0xFFFFFF10 ss:$0x1] =	vst.idx.msk $0xffff, v6  }
0x1b3: {  	v6 =	vld [tilespmem:s23+$0xFFFFFF20];
	[tilespmem:v5+s25+$0x10 ss:$0x1] =	vst.idx.msk $0xffff, v9  }
0x1b4: {  	v9 =	vld [tilespmem:s9+$0x20]  }
0x1b5: {  	[tilespmem:v4+s31+$0xFFFFFE80 ss:$0x1] =	vst.idx.msk $0xffff, v8  }
0x1b6: {  	v8 =	vld [tilespmem:s0+$0xFFFFFF70]  }
0x1b7: {  	[tilespmem:v5+s28+$0xFFFFFFC0 ss:$0x1] =	vst.idx.msk $0xffff, v7  }
0x1b8: {  	v7 =	vld [tilespmem:s30+$0xFFFFFFD0];
	[tilespmem:v4+s19+$0xFFFFFE30 ss:$0x1] =	vst.idx.msk $0xffff, v6  }
0x1b9: {  	v6 =	vld [tilespmem:s22+$0xFFFFFF20];
	[tilespmem:v4+s25+$0xFFFFFF30 ss:$0x1] =	vst.idx.msk $0xffff, v9  }
0x1ba: {  	v9 =	vld [tilespmem:s26+$0x20]  }
0x1bb: {  	[tilespmem:v5+s31+$0xFFFFFF70 ss:$0x1] =	vst.idx.msk $0xffff, v8  }
0x1bc: {  	v8 =	vld [tilespmem:s1+$0xFFFFFF80]  }
0x1bd: {  	[tilespmem:v4+s28+$0xFFFFFEE0 ss:$0x1] =	vst.idx.msk $0xffff, v7  }
0x1be: {  	v7 =	vld [tilespmem:s29+$0xFFFFFFD0];
	[tilespmem:v5+s19+$0xFFFFFF20 ss:$0x1] =	vst.idx.msk $0xffff, v6  }
0x1bf: {  	v6 =	vld [tilespmem:s23+$0xFFFFFF30];
	[tilespmem:v5+s25+$0x20 ss:$0x1] =	vst.idx.msk $0xffff, v9  }
0x1c0: {  	v9 =	vld [tilespmem:s9+$0x30]  }
0x1c1: {  	[tilespmem:v4+s31+$0xFFFFFE90 ss:$0x1] =	vst.idx.msk $0xffff, v8  }
0x1c2: {  	v8 =	vld [tilespmem:s0+$0xFFFFFF80]  }
0x1c3: {  	[tilespmem:v5+s28+$0xFFFFFFD0 ss:$0x1] =	vst.idx.msk $0xffff, v7  }
0x1c4: {  	v7 =	vld [tilespmem:s30+$0xFFFFFFE0];
	[tilespmem:v4+s19+$0xFFFFFE40 ss:$0x1] =	vst.idx.msk $0xffff, v6  }
0x1c5: {  	v6 =	vld [tilespmem:s22+$0xFFFFFF30];
	[tilespmem:v4+s25+$0xFFFFFF40 ss:$0x1] =	vst.idx.msk $0xffff, v9  }
0x1c6: {  	v9 =	vld [tilespmem:s26+$0x30]  }
0x1c7: {  	[tilespmem:v5+s31+$0xFFFFFF80 ss:$0x1] =	vst.idx.msk $0xffff, v8  }
0x1c8: {  	v8 =	vld [tilespmem:s1+$0xFFFFFF90]  }
0x1c9: {  	[tilespmem:v4+s28+$0xFFFFFEF0 ss:$0x1] =	vst.idx.msk $0xffff, v7  }
0x1ca: {  	v7 =	vld [tilespmem:s29+$0xFFFFFFE0];
	[tilespmem:v5+s19+$0xFFFFFF30 ss:$0x1] =	vst.idx.msk $0xffff, v6  }
0x1cb: {  	v6 =	vld [tilespmem:s23+$0xFFFFFF40];
	[tilespmem:v5+s25+$0x30 ss:$0x1] =	vst.idx.msk $0xffff, v9  }
0x1cc: {  	v9 =	vld [tilespmem:s9+$0x40]  }
0x1cd: {  	[tilespmem:v4+s31+$0xFFFFFEA0 ss:$0x1] =	vst.idx.msk $0xffff, v8  }
0x1ce: {  	v8 =	vld [tilespmem:s0+$0xFFFFFF90]  }
0x1cf: {  	[tilespmem:v5+s28+$0xFFFFFFE0 ss:$0x1] =	vst.idx.msk $0xffff, v7  }
0x1d0: {  	v7 =	vld [tilespmem:s30+$0xFFFFFFF0];
	[tilespmem:v4+s19+$0xFFFFFE50 ss:$0x1] =	vst.idx.msk $0xffff, v6  }
0x1d1: {  	v6 =	vld [tilespmem:s22+$0xFFFFFF40];
	[tilespmem:v4+s25+$0xFFFFFF50 ss:$0x1] =	vst.idx.msk $0xffff, v9  }
0x1d2: {  	v9 =	vld [tilespmem:s26+$0x40]  }
0x1d3: {  	[tilespmem:v5+s31+$0xFFFFFF90 ss:$0x1] =	vst.idx.msk $0xffff, v8  }
0x1d4: {  	v8 =	vld [tilespmem:s1+$0xFFFFFFA0]  }
0x1d5: {  	[tilespmem:v4+s28+$0xFFFFFF00 ss:$0x1] =	vst.idx.msk $0xffff, v7  }
0x1d6: {  	v7 =	vld [tilespmem:s29+$0xFFFFFFF0];
	[tilespmem:v5+s19+$0xFFFFFF40 ss:$0x1] =	vst.idx.msk $0xffff, v6  }
0x1d7: {  	v6 =	vld [tilespmem:s23+$0xFFFFFF50];
	[tilespmem:v5+s25+$0x40 ss:$0x1] =	vst.idx.msk $0xffff, v9  }
0x1d8: {  	v9 =	vld [tilespmem:s9+$0x50]  }
0x1d9: {  	[tilespmem:v4+s31+$0xFFFFFEB0 ss:$0x1] =	vst.idx.msk $0xffff, v8  }
0x1da: {  	s6 =	sadd.s32 $0x200, s23;
	v8 =	vld [tilespmem:s0+$0xFFFFFFA0]  }
0x1db: {  	[tilespmem:v5+s28+$0xFFFFFFF0 ss:$0x1] =	vst.idx.msk $0xffff, v7;
	v7 =	vld [tilespmem:s6+$0xFFFFFF00]  }
0x1dc: {  	[tilespmem:v4+s19+$0xFFFFFE60 ss:$0x1] =	vst.idx.msk $0xffff, v6;
	v6 =	vld [tilespmem:s30+$0x0]  }
0x1dd: {  	v10 =	vld [tilespmem:s22+$0xFFFFFF50];
	[tilespmem:v4+s25+$0xFFFFFF60 ss:$0x1] =	vst.idx.msk $0xffff, v9  }
0x1de: {  	v9 =	vld [tilespmem:s26+$0x50]  }
0x1df: {  	s3 =	simm.s32 $0x1000;
	[tilespmem:v5+s31+$0xFFFFFFA0 ss:$0x1] =	vst.idx.msk $0xffff, v8  }
0x1e0: {  	s5 =	simm.s32 $0x1A900;
	v8 =	vld [tilespmem:s1+$0xFFFFFFB0];
	[tilespmem:v4+s3+$0xFFFFFE10 ss:$0x1] =	vst.idx.msk $0xffff, v7  }
0x1e1: {  	v7 =	vld [tilespmem:s5+$0xFFFFFF00];
	[tilespmem:v4+s28+$0xFFFFFF10 ss:$0x1] =	vst.idx.msk $0xffff, v6  }
0x1e2: {  	[tilespmem:v5+s19+$0xFFFFFF50 ss:$0x1] =	vst.idx.msk $0xffff, v10;
	v6 =	vld [tilespmem:s29+$0x0]  }
0x1e3: {  	v10 =	vld [tilespmem:s23+$0xFFFFFF60];
	[tilespmem:v5+s25+$0x50 ss:$0x1] =	vst.idx.msk $0xffff, v9  }
0x1e4: {  	v9 =	vld [tilespmem:s9+$0x60]  }
0x1e5: {  	[tilespmem:v4+s31+$0xFFFFFEC0 ss:$0x1] =	vst.idx.msk $0xffff, v8  }
0x1e6: {  	v8 =	vld [tilespmem:s0+$0xFFFFFFB0];
	[tilespmem:v5+s3+$0xFFFFFF00 ss:$0x1] =	vst.idx.msk $0xffff, v7  }
0x1e7: {  	v7 =	vld [tilespmem:s6+$0xFFFFFF10];
	[tilespmem:v5+s28+$0x0 ss:$0x1] =	vst.idx.msk $0xffff, v6  }
0x1e8: {  	[tilespmem:v4+s19+$0xFFFFFE70 ss:$0x1] =	vst.idx.msk $0xffff, v10;
	v6 =	vld [tilespmem:s30+$0x10]  }
0x1e9: {  	v10 =	vld [tilespmem:s22+$0xFFFFFF60];
	[tilespmem:v4+s25+$0xFFFFFF70 ss:$0x1] =	vst.idx.msk $0xffff, v9  }
0x1ea: {  	v9 =	vld [tilespmem:s26+$0x60]  }
0x1eb: {  	[tilespmem:v5+s31+$0xFFFFFFB0 ss:$0x1] =	vst.idx.msk $0xffff, v8  }
0x1ec: {  	v8 =	vld [tilespmem:s1+$0xFFFFFFC0];
	[tilespmem:v4+s3+$0xFFFFFE20 ss:$0x1] =	vst.idx.msk $0xffff, v7  }
0x1ed: {  	v7 =	vld [tilespmem:s5+$0xFFFFFF10];
	[tilespmem:v4+s28+$0xFFFFFF20 ss:$0x1] =	vst.idx.msk $0xffff, v6  }
0x1ee: {  	[tilespmem:v5+s19+$0xFFFFFF60 ss:$0x1] =	vst.idx.msk $0xffff, v10;
	v6 =	vld [tilespmem:s29+$0x10]  }
0x1ef: {  	v10 =	vld [tilespmem:s23+$0xFFFFFF70];
	[tilespmem:v5+s25+$0x60 ss:$0x1] =	vst.idx.msk $0xffff, v9  }
0x1f0: {  	v9 =	vld [tilespmem:s9+$0x70]  }
0x1f1: {  	[tilespmem:v4+s31+$0xFFFFFED0 ss:$0x1] =	vst.idx.msk $0xffff, v8  }
0x1f2: {  	v8 =	vld [tilespmem:s0+$0xFFFFFFC0];
	[tilespmem:v5+s3+$0xFFFFFF10 ss:$0x1] =	vst.idx.msk $0xffff, v7  }
0x1f3: {  	v7 =	vld [tilespmem:s6+$0xFFFFFF20];
	[tilespmem:v5+s28+$0x10 ss:$0x1] =	vst.idx.msk $0xffff, v6  }
0x1f4: {  	[tilespmem:v4+s19+$0xFFFFFE80 ss:$0x1] =	vst.idx.msk $0xffff, v10;
	v6 =	vld [tilespmem:s30+$0x20]  }
0x1f5: {  	v10 =	vld [tilespmem:s22+$0xFFFFFF70];
	[tilespmem:v4+s25+$0xFFFFFF80 ss:$0x1] =	vst.idx.msk $0xffff, v9  }
0x1f6: {  	v9 =	vld [tilespmem:s26+$0x70]  }
0x1f7: {  	[tilespmem:v5+s31+$0xFFFFFFC0 ss:$0x1] =	vst.idx.msk $0xffff, v8  }
0x1f8: {  	v8 =	vld [tilespmem:s1+$0xFFFFFFD0];
	[tilespmem:v4+s3+$0xFFFFFE30 ss:$0x1] =	vst.idx.msk $0xffff, v7  }
0x1f9: {  	v7 =	vld [tilespmem:s5+$0xFFFFFF20];
	[tilespmem:v4+s28+$0xFFFFFF30 ss:$0x1] =	vst.idx.msk $0xffff, v6  }
0x1fa: {  	[tilespmem:v5+s19+$0xFFFFFF70 ss:$0x1] =	vst.idx.msk $0xffff, v10;
	v6 =	vld [tilespmem:s29+$0x20]  }
0x1fb: {  	v10 =	vld [tilespmem:s23+$0xFFFFFF80];
	[tilespmem:v5+s25+$0x70 ss:$0x1] =	vst.idx.msk $0xffff, v9  }
0x1fc: {  	v9 =	vld [tilespmem:s9+$0x80]  }
0x1fd: {  	[tilespmem:v4+s31+$0xFFFFFEE0 ss:$0x1] =	vst.idx.msk $0xffff, v8  }
0x1fe: {  	v8 =	vld [tilespmem:s0+$0xFFFFFFD0];
	[tilespmem:v5+s3+$0xFFFFFF20 ss:$0x1] =	vst.idx.msk $0xffff, v7  }
0x1ff: {  	v7 =	vld [tilespmem:s6+$0xFFFFFF30];
	[tilespmem:v5+s28+$0x20 ss:$0x1] =	vst.idx.msk $0xffff, v6  }
0x200: {  	[tilespmem:v4+s19+$0xFFFFFE90 ss:$0x1] =	vst.idx.msk $0xffff, v10;
	v6 =	vld [tilespmem:s30+$0x30]  }
0x201: {  	v10 =	vld [tilespmem:s22+$0xFFFFFF80];
	[tilespmem:v4+s25+$0xFFFFFF90 ss:$0x1] =	vst.idx.msk $0xffff, v9  }
0x202: {  	v9 =	vld [tilespmem:s26+$0x80]  }
0x203: {  	[tilespmem:v5+s31+$0xFFFFFFD0 ss:$0x1] =	vst.idx.msk $0xffff, v8  }
0x204: {  	v8 =	vld [tilespmem:s1+$0xFFFFFFE0];
	[tilespmem:v4+s3+$0xFFFFFE40 ss:$0x1] =	vst.idx.msk $0xffff, v7  }
0x205: {  	v7 =	vld [tilespmem:s5+$0xFFFFFF30];
	[tilespmem:v4+s28+$0xFFFFFF40 ss:$0x1] =	vst.idx.msk $0xffff, v6  }
0x206: {  	[tilespmem:v5+s19+$0xFFFFFF80 ss:$0x1] =	vst.idx.msk $0xffff, v10;
	v6 =	vld [tilespmem:s29+$0x30]  }
0x207: {  	v10 =	vld [tilespmem:s23+$0xFFFFFF90];
	[tilespmem:v5+s25+$0x80 ss:$0x1] =	vst.idx.msk $0xffff, v9  }
0x208: {  	v9 =	vld [tilespmem:s9+$0x90]  }
0x209: {  	[tilespmem:v4+s31+$0xFFFFFEF0 ss:$0x1] =	vst.idx.msk $0xffff, v8  }
0x20a: {  	v8 =	vld [tilespmem:s0+$0xFFFFFFE0];
	[tilespmem:v5+s3+$0xFFFFFF30 ss:$0x1] =	vst.idx.msk $0xffff, v7  }
0x20b: {  	v7 =	vld [tilespmem:s6+$0xFFFFFF40];
	[tilespmem:v5+s28+$0x30 ss:$0x1] =	vst.idx.msk $0xffff, v6  }
0x20c: {  	[tilespmem:v4+s19+$0xFFFFFEA0 ss:$0x1] =	vst.idx.msk $0xffff, v10;
	v6 =	vld [tilespmem:s30+$0x40]  }
0x20d: {  	v10 =	vld [tilespmem:s22+$0xFFFFFF90];
	[tilespmem:v4+s25+$0xFFFFFFA0 ss:$0x1] =	vst.idx.msk $0xffff, v9  }
0x20e: {  	v9 =	vld [tilespmem:s26+$0x90]  }
0x20f: {  	[tilespmem:v5+s31+$0xFFFFFFE0 ss:$0x1] =	vst.idx.msk $0xffff, v8  }
0x210: {  	v8 =	vld [tilespmem:s1+$0xFFFFFFF0];
	[tilespmem:v4+s3+$0xFFFFFE50 ss:$0x1] =	vst.idx.msk $0xffff, v7  }
0x211: {  	v7 =	vld [tilespmem:s5+$0xFFFFFF40];
	[tilespmem:v4+s28+$0xFFFFFF50 ss:$0x1] =	vst.idx.msk $0xffff, v6  }
0x212: {  	[tilespmem:v5+s19+$0xFFFFFF90 ss:$0x1] =	vst.idx.msk $0xffff, v10;
	v6 =	vld [tilespmem:s29+$0x40]  }
0x213: {  	v10 =	vld [tilespmem:s23+$0xFFFFFFA0];
	[tilespmem:v5+s25+$0x90 ss:$0x1] =	vst.idx.msk $0xffff, v9  }
0x214: {  	v11 =	vld [tilespmem:s9+$0xA0]  }
0x215: {  	[tilespmem:v4+s31+$0xFFFFFF00 ss:$0x1] =	vst.idx.msk $0xffff, v8  }
0x216: {  	v8 =	vld [tilespmem:s0+$0xFFFFFFF0];
	[tilespmem:v5+s3+$0xFFFFFF40 ss:$0x1] =	vst.idx.msk $0xffff, v7  }
0x217: {  	v12 =	vld [tilespmem:s6+$0xFFFFFF50];
	[tilespmem:v5+s28+$0x40 ss:$0x1] =	vst.idx.msk $0xffff, v6  }
0x218: {  	[tilespmem:v4+s19+$0xFFFFFEB0 ss:$0x1] =	vst.idx.msk $0xffff, v10;
	v7 =	vld [tilespmem:s30+$0x50]  }
0x219: {  	v9 =	vld [tilespmem:s22+$0xFFFFFFA0];
	[tilespmem:v4+s25+$0xFFFFFFB0 ss:$0x1] =	vst.idx.msk $0xffff, v11  }
0x21a: {  	s7 =	sadd.s32 $0x200, s6;
	v6 =	vld [tilespmem:s26+$0xA0]  }
0x21b: {  	s11 =	simm.s32 $0x5000;
	[tilespmem:v5+s31+$0xFFFFFFF0 ss:$0x1] =	vst.idx.msk $0xffff, v8;
	v10 =	vld [tilespmem:s7+$0xFFFFFF00]  }
0x21c: {  	s10 =	simm.s32 $0x6000;
	s15 =	smov.u32 s9;
	s8 =	simm.s32 $0x1A900;
	v8 =	vld [tilespmem:s1+$0x0];
	[tilespmem:v4+s3+$0xFFFFFE60 ss:$0x1] =	vst.idx.msk $0xffff, v12  }
.LBB2_23:
0x21d: {  	p0 =	sne.s32 s10, $0x7000;
	v11 =	vld [tilespmem:s5+$0xFFFFFF50];
	[tilespmem:v4+s28+$0xFFFFFF60 ss:$0x1] =	vst.idx.msk $0xffff, v7  }
0x21e: {  	[tilespmem:v5+s19+$0xFFFFFFA0 ss:$0x1] =	vst.idx.msk $0xffff, v9;
	v7 =	vld [tilespmem:s29+$0x50]  }
0x21f: {  	s24 =	sshra.s32 s11, $0x2;
	s11 =	smov.u32 s10;
	v9 =	vld [tilespmem:s23+$0xFFFFFFB0];
	[tilespmem:v5+s25+$0xA0 ss:$0x1] =	vst.idx.msk $0xffff, v6  }
0x220: {  	s5 =	sadd.s32 $0x200, s5;
	[tilespmem:v4+s24+$0xFFFFFE10 ss:$0x1] =	vst.idx.msk $0xffff, v10;
	v6 =	vld [tilespmem:s15+$0xB0]  }
0x221: {  	v10 =	vld [tilespmem:s5+$0xFFFFFF00];
	[tilespmem:v4+s31+$0xFFFFFF10 ss:$0x1] =	vst.idx.msk $0xffff, v8  }
0x222: {  	[tilespmem:v5+s3+$0xFFFFFF50 ss:$0x1] =	vst.idx.msk $0xffff, v11;
	v8 =	vld [tilespmem:s0+$0x0]  }
0x223: {  	v11 =	vld [tilespmem:s6+$0xFFFFFF60];
	[tilespmem:v5+s28+$0x50 ss:$0x1] =	vst.idx.msk $0xffff, v7  }
0x224: {  	[tilespmem:v4+s19+$0xFFFFFEC0 ss:$0x1] =	vst.idx.msk $0xffff, v9;
	v7 =	vld [tilespmem:s30+$0x60]  }
0x225: {  	v9 =	vld [tilespmem:s22+$0xFFFFFFB0];
	[tilespmem:v4+s25+$0xFFFFFFC0 ss:$0x1] =	vst.idx.msk $0xffff, v6  }
0x226: {  	[tilespmem:v5+s24+$0xFFFFFF00 ss:$0x1] =	vst.idx.msk $0xffff, v10;
	v6 =	vld [tilespmem:s26+$0xB0]  }
0x227: {  	v10 =	vld [tilespmem:s7+$0xFFFFFF10];
	[tilespmem:v5+s31+$0x0 ss:$0x1] =	vst.idx.msk $0xffff, v8  }
0x228: {  	[tilespmem:v4+s3+$0xFFFFFE70 ss:$0x1] =	vst.idx.msk $0xffff, v11;
	v8 =	vld [tilespmem:s1+$0x10]  }
0x229: {  	v11 =	vld [tilespmem:s8+$0xFFFFFF60];
	[tilespmem:v4+s28+$0xFFFFFF70 ss:$0x1] =	vst.idx.msk $0xffff, v7  }
0x22a: {  	[tilespmem:v5+s19+$0xFFFFFFB0 ss:$0x1] =	vst.idx.msk $0xffff, v9;
	v7 =	vld [tilespmem:s29+$0x60]  }
0x22b: {  	v9 =	vld [tilespmem:s23+$0xFFFFFFC0];
	[tilespmem:v5+s25+$0xB0 ss:$0x1] =	vst.idx.msk $0xffff, v6  }
0x22c: {  	[tilespmem:v4+s24+$0xFFFFFE20 ss:$0x1] =	vst.idx.msk $0xffff, v10;
	v6 =	vld [tilespmem:s15+$0xC0]  }
0x22d: {  	v10 =	vld [tilespmem:s5+$0xFFFFFF10];
	[tilespmem:v4+s31+$0xFFFFFF20 ss:$0x1] =	vst.idx.msk $0xffff, v8  }
0x22e: {  	[tilespmem:v5+s3+$0xFFFFFF60 ss:$0x1] =	vst.idx.msk $0xffff, v11;
	v8 =	vld [tilespmem:s0+$0x10]  }
0x22f: {  	v11 =	vld [tilespmem:s6+$0xFFFFFF70];
	[tilespmem:v5+s28+$0x60 ss:$0x1] =	vst.idx.msk $0xffff, v7  }
0x230: {  	[tilespmem:v4+s19+$0xFFFFFED0 ss:$0x1] =	vst.idx.msk $0xffff, v9;
	v7 =	vld [tilespmem:s30+$0x70]  }
0x231: {  	v9 =	vld [tilespmem:s22+$0xFFFFFFC0];
	[tilespmem:v4+s25+$0xFFFFFFD0 ss:$0x1] =	vst.idx.msk $0xffff, v6  }
0x232: {  	[tilespmem:v5+s24+$0xFFFFFF10 ss:$0x1] =	vst.idx.msk $0xffff, v10;
	v6 =	vld [tilespmem:s26+$0xC0]  }
0x233: {  	v10 =	vld [tilespmem:s7+$0xFFFFFF20];
	[tilespmem:v5+s31+$0x10 ss:$0x1] =	vst.idx.msk $0xffff, v8  }
0x234: {  	[tilespmem:v4+s3+$0xFFFFFE80 ss:$0x1] =	vst.idx.msk $0xffff, v11;
	v8 =	vld [tilespmem:s1+$0x20]  }
0x235: {  	v11 =	vld [tilespmem:s8+$0xFFFFFF70];
	[tilespmem:v4+s28+$0xFFFFFF80 ss:$0x1] =	vst.idx.msk $0xffff, v7  }
0x236: {  	[tilespmem:v5+s19+$0xFFFFFFC0 ss:$0x1] =	vst.idx.msk $0xffff, v9;
	v7 =	vld [tilespmem:s29+$0x70]  }
0x237: {  	v9 =	vld [tilespmem:s23+$0xFFFFFFD0];
	[tilespmem:v5+s25+$0xC0 ss:$0x1] =	vst.idx.msk $0xffff, v6  }
0x238: {  	[tilespmem:v4+s24+$0xFFFFFE30 ss:$0x1] =	vst.idx.msk $0xffff, v10;
	v6 =	vld [tilespmem:s15+$0xD0]  }
0x239: {  	v10 =	vld [tilespmem:s5+$0xFFFFFF20];
	[tilespmem:v4+s31+$0xFFFFFF30 ss:$0x1] =	vst.idx.msk $0xffff, v8  }
0x23a: {  	[tilespmem:v5+s3+$0xFFFFFF70 ss:$0x1] =	vst.idx.msk $0xffff, v11;
	v8 =	vld [tilespmem:s0+$0x20]  }
0x23b: {  	v11 =	vld [tilespmem:s6+$0xFFFFFF80];
	[tilespmem:v5+s28+$0x70 ss:$0x1] =	vst.idx.msk $0xffff, v7  }
0x23c: {  	[tilespmem:v4+s19+$0xFFFFFEE0 ss:$0x1] =	vst.idx.msk $0xffff, v9;
	v7 =	vld [tilespmem:s30+$0x80]  }
0x23d: {  	v9 =	vld [tilespmem:s22+$0xFFFFFFD0];
	[tilespmem:v4+s25+$0xFFFFFFE0 ss:$0x1] =	vst.idx.msk $0xffff, v6  }
0x23e: {  	[tilespmem:v5+s24+$0xFFFFFF20 ss:$0x1] =	vst.idx.msk $0xffff, v10;
	v6 =	vld [tilespmem:s26+$0xD0]  }
0x23f: {  	v10 =	vld [tilespmem:s7+$0xFFFFFF30];
	[tilespmem:v5+s31+$0x20 ss:$0x1] =	vst.idx.msk $0xffff, v8  }
0x240: {  	[tilespmem:v4+s3+$0xFFFFFE90 ss:$0x1] =	vst.idx.msk $0xffff, v11;
	v8 =	vld [tilespmem:s1+$0x30]  }
0x241: {  	v11 =	vld [tilespmem:s8+$0xFFFFFF80];
	[tilespmem:v4+s28+$0xFFFFFF90 ss:$0x1] =	vst.idx.msk $0xffff, v7  }
0x242: {  	[tilespmem:v5+s19+$0xFFFFFFD0 ss:$0x1] =	vst.idx.msk $0xffff, v9;
	v7 =	vld [tilespmem:s29+$0x80]  }
0x243: {  	v9 =	vld [tilespmem:s23+$0xFFFFFFE0];
	[tilespmem:v5+s25+$0xD0 ss:$0x1] =	vst.idx.msk $0xffff, v6  }
0x244: {  	[tilespmem:v4+s24+$0xFFFFFE40 ss:$0x1] =	vst.idx.msk $0xffff, v10;
	v6 =	vld [tilespmem:s15+$0xE0]  }
0x245: {  	v10 =	vld [tilespmem:s5+$0xFFFFFF30];
	[tilespmem:v4+s31+$0xFFFFFF40 ss:$0x1] =	vst.idx.msk $0xffff, v8  }
0x246: {  	[tilespmem:v5+s3+$0xFFFFFF80 ss:$0x1] =	vst.idx.msk $0xffff, v11;
	v8 =	vld [tilespmem:s0+$0x30]  }
0x247: {  	v11 =	vld [tilespmem:s6+$0xFFFFFF90];
	[tilespmem:v5+s28+$0x80 ss:$0x1] =	vst.idx.msk $0xffff, v7  }
0x248: {  	[tilespmem:v4+s19+$0xFFFFFEF0 ss:$0x1] =	vst.idx.msk $0xffff, v9;
	v7 =	vld [tilespmem:s30+$0x90]  }
0x249: {  	v9 =	vld [tilespmem:s22+$0xFFFFFFE0];
	[tilespmem:v4+s25+$0xFFFFFFF0 ss:$0x1] =	vst.idx.msk $0xffff, v6  }
0x24a: {  	[tilespmem:v5+s24+$0xFFFFFF30 ss:$0x1] =	vst.idx.msk $0xffff, v10;
	v6 =	vld [tilespmem:s26+$0xE0]  }
0x24b: {  	v10 =	vld [tilespmem:s7+$0xFFFFFF40];
	[tilespmem:v5+s31+$0x30 ss:$0x1] =	vst.idx.msk $0xffff, v8  }
0x24c: {  	[tilespmem:v4+s3+$0xFFFFFEA0 ss:$0x1] =	vst.idx.msk $0xffff, v11;
	v8 =	vld [tilespmem:s1+$0x40]  }
0x24d: {  	v11 =	vld [tilespmem:s8+$0xFFFFFF90];
	[tilespmem:v4+s28+$0xFFFFFFA0 ss:$0x1] =	vst.idx.msk $0xffff, v7  }
0x24e: {  	[tilespmem:v5+s19+$0xFFFFFFE0 ss:$0x1] =	vst.idx.msk $0xffff, v9;
	v7 =	vld [tilespmem:s29+$0x90]  }
0x24f: {  	v9 =	vld [tilespmem:s23+$0xFFFFFFF0];
	[tilespmem:v5+s25+$0xE0 ss:$0x1] =	vst.idx.msk $0xffff, v6  }
0x250: {  	[tilespmem:v4+s24+$0xFFFFFE50 ss:$0x1] =	vst.idx.msk $0xffff, v10;
	v6 =	vld [tilespmem:s15+$0xF0];
	s15 =	smov.u32 s30;
	s30 =	smov.u32 s1;
	s1 =	smov.u32 s23  }
0x251: {  	s23 =	smov.u32 s6;
	s6 =	smov.u32 s7;
	v10 =	vld [tilespmem:s5+$0xFFFFFF40];
	[tilespmem:v4+s31+$0xFFFFFF50 ss:$0x1] =	vst.idx.msk $0xffff, v8  }
0x252: {  	[tilespmem:v5+s3+$0xFFFFFF90 ss:$0x1] =	vst.idx.msk $0xffff, v11;
	v8 =	vld [tilespmem:s0+$0x40]  }
0x253: {  	v11 =	vld [tilespmem:s23+$0xFFFFFFA0];
	[tilespmem:v5+s28+$0x90 ss:$0x1] =	vst.idx.msk $0xffff, v7  }
0x254: {  	[tilespmem:v4+s19+$0xFFFFFF00 ss:$0x1] =	vst.idx.msk $0xffff, v9;
	v12 =	vld [tilespmem:s15+$0xA0]  }
0x255: {  	v13 =	vld [tilespmem:s22+$0xFFFFFFF0];
	[tilespmem:v4+s25+$0x0 ss:$0x1] =	vst.idx.msk $0xffff, v6  }
0x256: {  	[tilespmem:v5+s24+$0xFFFFFF40 ss:$0x1] =	vst.idx.msk $0xffff, v10;
	v14 =	vld [tilespmem:s26+$0xF0];
	s26 =	smov.u32 s29;
	s29 =	smov.u32 s0;
	s0 =	smov.u32 s22  }
0x257: {  	s22 =	smov.u32 s8;
	s8 =	smov.u32 s5;
	v15 =	vld [tilespmem:s7+$0xFFFFFF50];
	[tilespmem:v5+s31+$0x40 ss:$0x1] =	vst.idx.msk $0xffff, v8  }
.Ltmp17:
0x258: {  	[tilespmem:v4+s3+$0xFFFFFEB0 ss:$0x1] =	vst.idx.msk $0xffff, v11;
	v7 =	vld [tilespmem:s30+$0x50];
	(pc) =	sbr.rel @p0 .LBB2_23-.Ltmp17, $4  }
0x259: {  	v9 =	vld [tilespmem:s22+$0xFFFFFFA0];
	[tilespmem:v4+s28+$0xFFFFFFB0 ss:$0x1] =	vst.idx.msk $0xffff, v12  }
0x25a: {  	s7 =	sadd.s32 $0x200, s7;
	[tilespmem:v5+s19+$0xFFFFFFF0 ss:$0x1] =	vst.idx.msk $0xffff, v13;
	v6 =	vld [tilespmem:s26+$0xA0]  }
0x25b: {  	v10 =	vld [tilespmem:s7+$0xFFFFFF00];
	[tilespmem:v5+s25+$0xF0 ss:$0x1] =	vst.idx.msk $0xffff, v14;
	s25 =	smov.u32 s28;
	s28 =	smov.u32 s31;
	s31 =	smov.u32 s19  }
0x25c: {  	s10 =	sadd.s32 $0x1000, s10;
	s19 =	smov.u32 s3;
	s3 =	smov.u32 s24;
	[tilespmem:v4+s24+$0xFFFFFE60 ss:$0x1] =	vst.idx.msk $0xffff, v15;
	v8 =	vld [tilespmem:s1+$0x0]  }
0x25d: {  	_ =	sdelay $0x2  }
0x25e: {  	s10 =	sshra.s32 s11, $0x2  }
0x25f: {  	s24 =	sadd.s32 $0x200, s5;
	[tilespmem:v4+s10+$0xFFFFFE10 ss:$0x1] =	vst.idx.msk $0xffff, v10  }
0x260: {  	v10 =	vld [tilespmem:s24+$0xFFFFFF00];
	_ =	sdelay $0x4  }
0x261: {  	[tilespmem:v5+s10+$0xFFFFFF00 ss:$0x1] =	vst.idx.msk $0xffff, v10  }
0x262: {  	v10 =	vld [tilespmem:s7+$0xFFFFFF10];
	_ =	sdelay $0x4  }
0x263: {  	[tilespmem:v4+s10+$0xFFFFFE20 ss:$0x1] =	vst.idx.msk $0xffff, v10  }
0x264: {  	v10 =	vld [tilespmem:s24+$0xFFFFFF10];
	_ =	sdelay $0x4  }
0x265: {  	[tilespmem:v5+s10+$0xFFFFFF10 ss:$0x1] =	vst.idx.msk $0xffff, v10  }
0x266: {  	v10 =	vld [tilespmem:s7+$0xFFFFFF20];
	_ =	sdelay $0x4  }
0x267: {  	[tilespmem:v4+s10+$0xFFFFFE30 ss:$0x1] =	vst.idx.msk $0xffff, v10  }
0x268: {  	v10 =	vld [tilespmem:s24+$0xFFFFFF20];
	_ =	sdelay $0x4  }
0x269: {  	[tilespmem:v5+s10+$0xFFFFFF20 ss:$0x1] =	vst.idx.msk $0xffff, v10  }
0x26a: {  	v10 =	vld [tilespmem:s7+$0xFFFFFF30];
	_ =	sdelay $0x4  }
0x26b: {  	[tilespmem:v4+s10+$0xFFFFFE40 ss:$0x1] =	vst.idx.msk $0xffff, v10  }
0x26c: {  	v10 =	vld [tilespmem:s24+$0xFFFFFF30];
	_ =	sdelay $0x4  }
0x26d: {  	[tilespmem:v5+s10+$0xFFFFFF30 ss:$0x1] =	vst.idx.msk $0xffff, v10  }
0x26e: {  	v10 =	vld [tilespmem:s7+$0xFFFFFF40];
	_ =	sdelay $0x4  }
0x26f: {  	[tilespmem:v4+s10+$0xFFFFFE50 ss:$0x1] =	vst.idx.msk $0xffff, v10  }
0x270: {  	v10 =	vld [tilespmem:s24+$0xFFFFFF40];
	_ =	sdelay $0x4  }
0x271: {  	[tilespmem:v5+s10+$0xFFFFFF40 ss:$0x1] =	vst.idx.msk $0xffff, v10  }
0x272: {  	v10 =	vld [tilespmem:s7+$0xFFFFFF50];
	_ =	sdelay $0x3  }
0x273: {  	v11 =	vld [tilespmem:s5+$0xFFFFFF50]  }
0x274: {  	[tilespmem:v4+s10+$0xFFFFFE60 ss:$0x1] =	vst.idx.msk $0xffff, v10  }
0x275: {  	v10 =	vld [tilespmem:s24+$0xFFFFFF50];
	_ =	sdelay $0x2  }
0x276: {  	[tilespmem:v5+s3+$0xFFFFFF50 ss:$0x1] =	vst.idx.msk $0xffff, v11  }
0x277: {  	v11 =	vld [tilespmem:s6+$0xFFFFFF60]  }
0x278: {  	[tilespmem:v5+s10+$0xFFFFFF50 ss:$0x1] =	vst.idx.msk $0xffff, v10  }
0x279: {  	v10 =	vld [tilespmem:s7+$0xFFFFFF60];
	_ =	sdelay $0x2  }
0x27a: {  	[tilespmem:v4+s3+$0xFFFFFE70 ss:$0x1] =	vst.idx.msk $0xffff, v11  }
0x27b: {  	v11 =	vld [tilespmem:s8+$0xFFFFFF60]  }
0x27c: {  	[tilespmem:v4+s10+$0xFFFFFE70 ss:$0x1] =	vst.idx.msk $0xffff, v10  }
0x27d: {  	v10 =	vld [tilespmem:s24+$0xFFFFFF60];
	_ =	sdelay $0x2  }
0x27e: {  	[tilespmem:v5+s3+$0xFFFFFF60 ss:$0x1] =	vst.idx.msk $0xffff, v11  }
0x27f: {  	v11 =	vld [tilespmem:s6+$0xFFFFFF70]  }
0x280: {  	[tilespmem:v5+s10+$0xFFFFFF60 ss:$0x1] =	vst.idx.msk $0xffff, v10  }
0x281: {  	v10 =	vld [tilespmem:s7+$0xFFFFFF70];
	_ =	sdelay $0x2  }
0x282: {  	[tilespmem:v4+s3+$0xFFFFFE80 ss:$0x1] =	vst.idx.msk $0xffff, v11  }
0x283: {  	v11 =	vld [tilespmem:s8+$0xFFFFFF70]  }
0x284: {  	[tilespmem:v4+s10+$0xFFFFFE80 ss:$0x1] =	vst.idx.msk $0xffff, v10  }
0x285: {  	v10 =	vld [tilespmem:s24+$0xFFFFFF70];
	_ =	sdelay $0x2  }
0x286: {  	[tilespmem:v5+s3+$0xFFFFFF70 ss:$0x1] =	vst.idx.msk $0xffff, v11  }
0x287: {  	v11 =	vld [tilespmem:s6+$0xFFFFFF80]  }
0x288: {  	[tilespmem:v5+s10+$0xFFFFFF70 ss:$0x1] =	vst.idx.msk $0xffff, v10  }
0x289: {  	v10 =	vld [tilespmem:s7+$0xFFFFFF80];
	_ =	sdelay $0x2  }
0x28a: {  	[tilespmem:v4+s3+$0xFFFFFE90 ss:$0x1] =	vst.idx.msk $0xffff, v11  }
0x28b: {  	v11 =	vld [tilespmem:s8+$0xFFFFFF80]  }
0x28c: {  	[tilespmem:v4+s10+$0xFFFFFE90 ss:$0x1] =	vst.idx.msk $0xffff, v10  }
0x28d: {  	v10 =	vld [tilespmem:s24+$0xFFFFFF80];
	_ =	sdelay $0x2  }
0x28e: {  	[tilespmem:v5+s3+$0xFFFFFF80 ss:$0x1] =	vst.idx.msk $0xffff, v11  }
0x28f: {  	v11 =	vld [tilespmem:s6+$0xFFFFFF90]  }
0x290: {  	[tilespmem:v5+s10+$0xFFFFFF80 ss:$0x1] =	vst.idx.msk $0xffff, v10  }
0x291: {  	v10 =	vld [tilespmem:s7+$0xFFFFFF90];
	_ =	sdelay $0x2  }
0x292: {  	[tilespmem:v4+s3+$0xFFFFFEA0 ss:$0x1] =	vst.idx.msk $0xffff, v11  }
0x293: {  	v11 =	vld [tilespmem:s8+$0xFFFFFF90]  }
0x294: {  	[tilespmem:v4+s10+$0xFFFFFEA0 ss:$0x1] =	vst.idx.msk $0xffff, v10  }
0x295: {  	v10 =	vld [tilespmem:s24+$0xFFFFFF90];
	_ =	sdelay $0x2  }
0x296: {  	[tilespmem:v5+s3+$0xFFFFFF90 ss:$0x1] =	vst.idx.msk $0xffff, v11  }
0x297: {  	v11 =	vld [tilespmem:s6+$0xFFFFFFA0]  }
0x298: {  	[tilespmem:v5+s10+$0xFFFFFF90 ss:$0x1] =	vst.idx.msk $0xffff, v10  }
0x299: {  	v10 =	vld [tilespmem:s7+$0xFFFFFFA0];
	_ =	sdelay $0x2  }
0x29a: {  	[tilespmem:v4+s3+$0xFFFFFEB0 ss:$0x1] =	vst.idx.msk $0xffff, v11  }
0x29b: {  	v11 =	vld [tilespmem:s8+$0xFFFFFFA0]  }
0x29c: {  	[tilespmem:v4+s10+$0xFFFFFEB0 ss:$0x1] =	vst.idx.msk $0xffff, v10  }
0x29d: {  	v10 =	vld [tilespmem:s24+$0xFFFFFFA0];
	_ =	sdelay $0x1  }
0x29e: {  	[tilespmem:v5+s19+$0xFFFFFFA0 ss:$0x1] =	vst.idx.msk $0xffff, v9  }
0x29f: {  	v9 =	vld [tilespmem:s23+$0xFFFFFFB0];
	[tilespmem:v5+s3+$0xFFFFFFA0 ss:$0x1] =	vst.idx.msk $0xffff, v11  }
0x2a0: {  	v11 =	vld [tilespmem:s6+$0xFFFFFFB0]  }
0x2a1: {  	[tilespmem:v5+s10+$0xFFFFFFA0 ss:$0x1] =	vst.idx.msk $0xffff, v10  }
0x2a2: {  	v10 =	vld [tilespmem:s7+$0xFFFFFFB0];
	_ =	sdelay $0x1  }
0x2a3: {  	[tilespmem:v4+s19+$0xFFFFFEC0 ss:$0x1] =	vst.idx.msk $0xffff, v9  }
0x2a4: {  	v9 =	vld [tilespmem:s22+$0xFFFFFFB0];
	[tilespmem:v4+s3+$0xFFFFFEC0 ss:$0x1] =	vst.idx.msk $0xffff, v11  }
0x2a5: {  	v11 =	vld [tilespmem:s8+$0xFFFFFFB0]  }
0x2a6: {  	[tilespmem:v4+s10+$0xFFFFFEC0 ss:$0x1] =	vst.idx.msk $0xffff, v10  }
0x2a7: {  	v10 =	vld [tilespmem:s24+$0xFFFFFFB0];
	_ =	sdelay $0x1  }
0x2a8: {  	[tilespmem:v5+s19+$0xFFFFFFB0 ss:$0x1] =	vst.idx.msk $0xffff, v9  }
0x2a9: {  	v9 =	vld [tilespmem:s23+$0xFFFFFFC0];
	[tilespmem:v5+s3+$0xFFFFFFB0 ss:$0x1] =	vst.idx.msk $0xffff, v11  }
0x2aa: {  	v11 =	vld [tilespmem:s6+$0xFFFFFFC0]  }
0x2ab: {  	[tilespmem:v5+s10+$0xFFFFFFB0 ss:$0x1] =	vst.idx.msk $0xffff, v10  }
0x2ac: {  	v10 =	vld [tilespmem:s7+$0xFFFFFFC0];
	_ =	sdelay $0x1  }
0x2ad: {  	[tilespmem:v4+s19+$0xFFFFFED0 ss:$0x1] =	vst.idx.msk $0xffff, v9  }
0x2ae: {  	v9 =	vld [tilespmem:s22+$0xFFFFFFC0];
	[tilespmem:v4+s3+$0xFFFFFED0 ss:$0x1] =	vst.idx.msk $0xffff, v11  }
0x2af: {  	v11 =	vld [tilespmem:s8+$0xFFFFFFC0]  }
0x2b0: {  	[tilespmem:v4+s10+$0xFFFFFED0 ss:$0x1] =	vst.idx.msk $0xffff, v10  }
0x2b1: {  	v10 =	vld [tilespmem:s24+$0xFFFFFFC0];
	_ =	sdelay $0x1  }
0x2b2: {  	[tilespmem:v5+s19+$0xFFFFFFC0 ss:$0x1] =	vst.idx.msk $0xffff, v9  }
0x2b3: {  	v9 =	vld [tilespmem:s23+$0xFFFFFFD0];
	[tilespmem:v5+s3+$0xFFFFFFC0 ss:$0x1] =	vst.idx.msk $0xffff, v11  }
0x2b4: {  	v11 =	vld [tilespmem:s6+$0xFFFFFFD0]  }
0x2b5: {  	[tilespmem:v5+s10+$0xFFFFFFC0 ss:$0x1] =	vst.idx.msk $0xffff, v10  }
0x2b6: {  	v10 =	vld [tilespmem:s7+$0xFFFFFFD0];
	_ =	sdelay $0x1  }
0x2b7: {  	[tilespmem:v4+s19+$0xFFFFFEE0 ss:$0x1] =	vst.idx.msk $0xffff, v9  }
0x2b8: {  	v9 =	vld [tilespmem:s22+$0xFFFFFFD0];
	[tilespmem:v4+s3+$0xFFFFFEE0 ss:$0x1] =	vst.idx.msk $0xffff, v11  }
0x2b9: {  	v11 =	vld [tilespmem:s8+$0xFFFFFFD0]  }
0x2ba: {  	[tilespmem:v4+s10+$0xFFFFFEE0 ss:$0x1] =	vst.idx.msk $0xffff, v10  }
0x2bb: {  	v10 =	vld [tilespmem:s24+$0xFFFFFFD0];
	_ =	sdelay $0x1  }
0x2bc: {  	[tilespmem:v5+s19+$0xFFFFFFD0 ss:$0x1] =	vst.idx.msk $0xffff, v9  }
0x2bd: {  	v9 =	vld [tilespmem:s23+$0xFFFFFFE0];
	[tilespmem:v5+s3+$0xFFFFFFD0 ss:$0x1] =	vst.idx.msk $0xffff, v11  }
0x2be: {  	v11 =	vld [tilespmem:s6+$0xFFFFFFE0]  }
0x2bf: {  	[tilespmem:v5+s10+$0xFFFFFFD0 ss:$0x1] =	vst.idx.msk $0xffff, v10  }
0x2c0: {  	v10 =	vld [tilespmem:s7+$0xFFFFFFE0];
	_ =	sdelay $0x1  }
0x2c1: {  	[tilespmem:v4+s19+$0xFFFFFEF0 ss:$0x1] =	vst.idx.msk $0xffff, v9  }
0x2c2: {  	v9 =	vld [tilespmem:s22+$0xFFFFFFE0];
	[tilespmem:v4+s3+$0xFFFFFEF0 ss:$0x1] =	vst.idx.msk $0xffff, v11  }
0x2c3: {  	v11 =	vld [tilespmem:s8+$0xFFFFFFE0]  }
0x2c4: {  	[tilespmem:v4+s10+$0xFFFFFEF0 ss:$0x1] =	vst.idx.msk $0xffff, v10  }
0x2c5: {  	v10 =	vld [tilespmem:s24+$0xFFFFFFE0];
	_ =	sdelay $0x1  }
0x2c6: {  	[tilespmem:v5+s19+$0xFFFFFFE0 ss:$0x1] =	vst.idx.msk $0xffff, v9  }
0x2c7: {  	v9 =	vld [tilespmem:s23+$0xFFFFFFF0];
	[tilespmem:v5+s3+$0xFFFFFFE0 ss:$0x1] =	vst.idx.msk $0xffff, v11  }
0x2c8: {  	v11 =	vld [tilespmem:s6+$0xFFFFFFF0]  }
0x2c9: {  	[tilespmem:v5+s10+$0xFFFFFFE0 ss:$0x1] =	vst.idx.msk $0xffff, v10  }
0x2ca: {  	v10 =	vld [tilespmem:s7+$0xFFFFFFF0];
	_ =	sdelay $0x1  }
0x2cb: {  	[tilespmem:v4+s19+$0xFFFFFF00 ss:$0x1] =	vst.idx.msk $0xffff, v9  }
0x2cc: {  	v9 =	vld [tilespmem:s22+$0xFFFFFFF0];
	[tilespmem:v4+s3+$0xFFFFFF00 ss:$0x1] =	vst.idx.msk $0xffff, v11  }
0x2cd: {  	v11 =	vld [tilespmem:s8+$0xFFFFFFF0]  }
0x2ce: {  	[tilespmem:v4+s10+$0xFFFFFF00 ss:$0x1] =	vst.idx.msk $0xffff, v10  }
0x2cf: {  	v10 =	vld [tilespmem:s24+$0xFFFFFFF0];
	_ =	sdelay $0x1  }
0x2d0: {  	[tilespmem:v5+s19+$0xFFFFFFF0 ss:$0x1] =	vst.idx.msk $0xffff, v9  }
0x2d1: {  	v9 =	vld [tilespmem:s23+$0x0];
	[tilespmem:v5+s3+$0xFFFFFFF0 ss:$0x1] =	vst.idx.msk $0xffff, v11  }
0x2d2: {  	v11 =	vld [tilespmem:s6+$0x0]  }
0x2d3: {  	[tilespmem:v5+s10+$0xFFFFFFF0 ss:$0x1] =	vst.idx.msk $0xffff, v10  }
0x2d4: {  	v10 =	vld [tilespmem:s7+$0x0]  }
0x2d5: {  	[tilespmem:v4+s31+$0xFFFFFF10 ss:$0x1] =	vst.idx.msk $0xffff, v8  }
0x2d6: {  	v8 =	vld [tilespmem:s0+$0x0];
	[tilespmem:v4+s19+$0xFFFFFF10 ss:$0x1] =	vst.idx.msk $0xffff, v9  }
0x2d7: {  	v9 =	vld [tilespmem:s22+$0x0];
	[tilespmem:v4+s3+$0xFFFFFF10 ss:$0x1] =	vst.idx.msk $0xffff, v11  }
0x2d8: {  	v11 =	vld [tilespmem:s8+$0x0]  }
0x2d9: {  	[tilespmem:v4+s10+$0xFFFFFF10 ss:$0x1] =	vst.idx.msk $0xffff, v10  }
0x2da: {  	v10 =	vld [tilespmem:s24+$0x0]  }
0x2db: {  	[tilespmem:v5+s31+$0x0 ss:$0x1] =	vst.idx.msk $0xffff, v8  }
0x2dc: {  	v8 =	vld [tilespmem:s1+$0x10];
	[tilespmem:v5+s19+$0x0 ss:$0x1] =	vst.idx.msk $0xffff, v9  }
0x2dd: {  	v9 =	vld [tilespmem:s23+$0x10];
	[tilespmem:v5+s3+$0x0 ss:$0x1] =	vst.idx.msk $0xffff, v11  }
0x2de: {  	v11 =	vld [tilespmem:s6+$0x10]  }
0x2df: {  	[tilespmem:v5+s10+$0x0 ss:$0x1] =	vst.idx.msk $0xffff, v10  }
0x2e0: {  	v10 =	vld [tilespmem:s7+$0x10]  }
0x2e1: {  	[tilespmem:v4+s31+$0xFFFFFF20 ss:$0x1] =	vst.idx.msk $0xffff, v8  }
0x2e2: {  	v8 =	vld [tilespmem:s0+$0x10];
	[tilespmem:v4+s19+$0xFFFFFF20 ss:$0x1] =	vst.idx.msk $0xffff, v9  }
0x2e3: {  	v9 =	vld [tilespmem:s22+$0x10];
	[tilespmem:v4+s3+$0xFFFFFF20 ss:$0x1] =	vst.idx.msk $0xffff, v11  }
0x2e4: {  	v11 =	vld [tilespmem:s8+$0x10]  }
0x2e5: {  	[tilespmem:v4+s10+$0xFFFFFF20 ss:$0x1] =	vst.idx.msk $0xffff, v10  }
0x2e6: {  	v10 =	vld [tilespmem:s24+$0x10]  }
0x2e7: {  	[tilespmem:v5+s31+$0x10 ss:$0x1] =	vst.idx.msk $0xffff, v8  }
0x2e8: {  	v8 =	vld [tilespmem:s1+$0x20];
	[tilespmem:v5+s19+$0x10 ss:$0x1] =	vst.idx.msk $0xffff, v9  }
0x2e9: {  	v9 =	vld [tilespmem:s23+$0x20];
	[tilespmem:v5+s3+$0x10 ss:$0x1] =	vst.idx.msk $0xffff, v11  }
0x2ea: {  	v11 =	vld [tilespmem:s6+$0x20]  }
0x2eb: {  	[tilespmem:v5+s10+$0x10 ss:$0x1] =	vst.idx.msk $0xffff, v10  }
0x2ec: {  	v10 =	vld [tilespmem:s7+$0x20]  }
0x2ed: {  	[tilespmem:v4+s31+$0xFFFFFF30 ss:$0x1] =	vst.idx.msk $0xffff, v8  }
0x2ee: {  	v8 =	vld [tilespmem:s0+$0x20];
	[tilespmem:v4+s19+$0xFFFFFF30 ss:$0x1] =	vst.idx.msk $0xffff, v9  }
0x2ef: {  	v9 =	vld [tilespmem:s22+$0x20];
	[tilespmem:v4+s3+$0xFFFFFF30 ss:$0x1] =	vst.idx.msk $0xffff, v11  }
0x2f0: {  	v11 =	vld [tilespmem:s8+$0x20]  }
0x2f1: {  	[tilespmem:v4+s10+$0xFFFFFF30 ss:$0x1] =	vst.idx.msk $0xffff, v10  }
0x2f2: {  	v10 =	vld [tilespmem:s24+$0x20]  }
0x2f3: {  	[tilespmem:v5+s31+$0x20 ss:$0x1] =	vst.idx.msk $0xffff, v8  }
0x2f4: {  	v8 =	vld [tilespmem:s1+$0x30];
	[tilespmem:v5+s19+$0x20 ss:$0x1] =	vst.idx.msk $0xffff, v9  }
0x2f5: {  	v9 =	vld [tilespmem:s23+$0x30];
	[tilespmem:v5+s3+$0x20 ss:$0x1] =	vst.idx.msk $0xffff, v11  }
0x2f6: {  	v11 =	vld [tilespmem:s6+$0x30]  }
0x2f7: {  	[tilespmem:v5+s10+$0x20 ss:$0x1] =	vst.idx.msk $0xffff, v10  }
0x2f8: {  	v10 =	vld [tilespmem:s7+$0x30]  }
0x2f9: {  	[tilespmem:v4+s31+$0xFFFFFF40 ss:$0x1] =	vst.idx.msk $0xffff, v8  }
0x2fa: {  	v8 =	vld [tilespmem:s0+$0x30];
	[tilespmem:v4+s19+$0xFFFFFF40 ss:$0x1] =	vst.idx.msk $0xffff, v9  }
0x2fb: {  	v9 =	vld [tilespmem:s22+$0x30];
	[tilespmem:v4+s3+$0xFFFFFF40 ss:$0x1] =	vst.idx.msk $0xffff, v11  }
0x2fc: {  	v11 =	vld [tilespmem:s8+$0x30]  }
0x2fd: {  	[tilespmem:v4+s10+$0xFFFFFF40 ss:$0x1] =	vst.idx.msk $0xffff, v10  }
0x2fe: {  	v10 =	vld [tilespmem:s24+$0x30]  }
0x2ff: {  	[tilespmem:v5+s31+$0x30 ss:$0x1] =	vst.idx.msk $0xffff, v8  }
0x300: {  	v8 =	vld [tilespmem:s1+$0x40];
	[tilespmem:v5+s19+$0x30 ss:$0x1] =	vst.idx.msk $0xffff, v9  }
0x301: {  	v9 =	vld [tilespmem:s23+$0x40];
	[tilespmem:v5+s3+$0x30 ss:$0x1] =	vst.idx.msk $0xffff, v11  }
0x302: {  	v11 =	vld [tilespmem:s6+$0x40]  }
0x303: {  	[tilespmem:v5+s10+$0x30 ss:$0x1] =	vst.idx.msk $0xffff, v10  }
0x304: {  	v10 =	vld [tilespmem:s7+$0x40]  }
0x305: {  	[tilespmem:v4+s31+$0xFFFFFF50 ss:$0x1] =	vst.idx.msk $0xffff, v8  }
0x306: {  	v8 =	vld [tilespmem:s0+$0x40];
	[tilespmem:v4+s19+$0xFFFFFF50 ss:$0x1] =	vst.idx.msk $0xffff, v9  }
0x307: {  	v9 =	vld [tilespmem:s22+$0x40];
	[tilespmem:v4+s3+$0xFFFFFF50 ss:$0x1] =	vst.idx.msk $0xffff, v11  }
0x308: {  	v11 =	vld [tilespmem:s8+$0x40]  }
0x309: {  	[tilespmem:v4+s10+$0xFFFFFF50 ss:$0x1] =	vst.idx.msk $0xffff, v10  }
0x30a: {  	v10 =	vld [tilespmem:s24+$0x40]  }
0x30b: {  	[tilespmem:v5+s31+$0x40 ss:$0x1] =	vst.idx.msk $0xffff, v8  }
0x30c: {  	v8 =	vld [tilespmem:s1+$0x50];
	[tilespmem:v5+s19+$0x40 ss:$0x1] =	vst.idx.msk $0xffff, v9  }
0x30d: {  	v9 =	vld [tilespmem:s23+$0x50];
	[tilespmem:v5+s3+$0x40 ss:$0x1] =	vst.idx.msk $0xffff, v11  }
0x30e: {  	v11 =	vld [tilespmem:s6+$0x50]  }
0x30f: {  	[tilespmem:v5+s10+$0x40 ss:$0x1] =	vst.idx.msk $0xffff, v10  }
0x310: {  	[tilespmem:v4+s28+$0xFFFFFF60 ss:$0x1] =	vst.idx.msk $0xffff, v7;
	v10 =	vld [tilespmem:s7+$0x50]  }
0x311: {  	v7 =	vld [tilespmem:s29+$0x50];
	[tilespmem:v4+s31+$0xFFFFFF60 ss:$0x1] =	vst.idx.msk $0xffff, v8  }
0x312: {  	v8 =	vld [tilespmem:s0+$0x50];
	[tilespmem:v4+s19+$0xFFFFFF60 ss:$0x1] =	vst.idx.msk $0xffff, v9  }
0x313: {  	v9 =	vld [tilespmem:s22+$0x50];
	[tilespmem:v4+s3+$0xFFFFFF60 ss:$0x1] =	vst.idx.msk $0xffff, v11  }
0x314: {  	v11 =	vld [tilespmem:s8+$0x50]  }
0x315: {  	[tilespmem:v4+s10+$0xFFFFFF60 ss:$0x1] =	vst.idx.msk $0xffff, v10  }
0x316: {  	[tilespmem:v5+s28+$0x50 ss:$0x1] =	vst.idx.msk $0xffff, v7;
	v10 =	vld [tilespmem:s24+$0x50]  }
0x317: {  	v7 =	vld [tilespmem:s30+$0x60];
	[tilespmem:v5+s31+$0x50 ss:$0x1] =	vst.idx.msk $0xffff, v8  }
0x318: {  	v8 =	vld [tilespmem:s1+$0x60];
	[tilespmem:v5+s19+$0x50 ss:$0x1] =	vst.idx.msk $0xffff, v9  }
0x319: {  	v9 =	vld [tilespmem:s23+$0x60];
	[tilespmem:v5+s3+$0x50 ss:$0x1] =	vst.idx.msk $0xffff, v11  }
0x31a: {  	v11 =	vld [tilespmem:s6+$0x60]  }
0x31b: {  	[tilespmem:v5+s10+$0x50 ss:$0x1] =	vst.idx.msk $0xffff, v10  }
0x31c: {  	[tilespmem:v4+s28+$0xFFFFFF70 ss:$0x1] =	vst.idx.msk $0xffff, v7;
	v10 =	vld [tilespmem:s7+$0x60]  }
0x31d: {  	v7 =	vld [tilespmem:s29+$0x60];
	[tilespmem:v4+s31+$0xFFFFFF70 ss:$0x1] =	vst.idx.msk $0xffff, v8  }
0x31e: {  	v8 =	vld [tilespmem:s0+$0x60];
	[tilespmem:v4+s19+$0xFFFFFF70 ss:$0x1] =	vst.idx.msk $0xffff, v9  }
0x31f: {  	v9 =	vld [tilespmem:s22+$0x60];
	[tilespmem:v4+s3+$0xFFFFFF70 ss:$0x1] =	vst.idx.msk $0xffff, v11  }
0x320: {  	v11 =	vld [tilespmem:s8+$0x60]  }
0x321: {  	[tilespmem:v4+s10+$0xFFFFFF70 ss:$0x1] =	vst.idx.msk $0xffff, v10  }
0x322: {  	[tilespmem:v5+s28+$0x60 ss:$0x1] =	vst.idx.msk $0xffff, v7;
	v10 =	vld [tilespmem:s24+$0x60]  }
0x323: {  	v7 =	vld [tilespmem:s30+$0x70];
	[tilespmem:v5+s31+$0x60 ss:$0x1] =	vst.idx.msk $0xffff, v8  }
0x324: {  	v8 =	vld [tilespmem:s1+$0x70];
	[tilespmem:v5+s19+$0x60 ss:$0x1] =	vst.idx.msk $0xffff, v9  }
0x325: {  	v9 =	vld [tilespmem:s23+$0x70];
	[tilespmem:v5+s3+$0x60 ss:$0x1] =	vst.idx.msk $0xffff, v11  }
0x326: {  	v11 =	vld [tilespmem:s6+$0x70]  }
0x327: {  	[tilespmem:v5+s10+$0x60 ss:$0x1] =	vst.idx.msk $0xffff, v10  }
0x328: {  	[tilespmem:v4+s28+$0xFFFFFF80 ss:$0x1] =	vst.idx.msk $0xffff, v7;
	v10 =	vld [tilespmem:s7+$0x70]  }
0x329: {  	v7 =	vld [tilespmem:s29+$0x70];
	[tilespmem:v4+s31+$0xFFFFFF80 ss:$0x1] =	vst.idx.msk $0xffff, v8  }
0x32a: {  	v8 =	vld [tilespmem:s0+$0x70];
	[tilespmem:v4+s19+$0xFFFFFF80 ss:$0x1] =	vst.idx.msk $0xffff, v9  }
0x32b: {  	v9 =	vld [tilespmem:s22+$0x70];
	[tilespmem:v4+s3+$0xFFFFFF80 ss:$0x1] =	vst.idx.msk $0xffff, v11  }
0x32c: {  	v11 =	vld [tilespmem:s8+$0x70]  }
0x32d: {  	[tilespmem:v4+s10+$0xFFFFFF80 ss:$0x1] =	vst.idx.msk $0xffff, v10  }
0x32e: {  	[tilespmem:v5+s28+$0x70 ss:$0x1] =	vst.idx.msk $0xffff, v7;
	v10 =	vld [tilespmem:s24+$0x70]  }
0x32f: {  	v7 =	vld [tilespmem:s30+$0x80];
	[tilespmem:v5+s31+$0x70 ss:$0x1] =	vst.idx.msk $0xffff, v8  }
0x330: {  	v8 =	vld [tilespmem:s1+$0x80];
	[tilespmem:v5+s19+$0x70 ss:$0x1] =	vst.idx.msk $0xffff, v9  }
0x331: {  	v9 =	vld [tilespmem:s23+$0x80];
	[tilespmem:v5+s3+$0x70 ss:$0x1] =	vst.idx.msk $0xffff, v11  }
0x332: {  	v11 =	vld [tilespmem:s6+$0x80]  }
0x333: {  	[tilespmem:v5+s10+$0x70 ss:$0x1] =	vst.idx.msk $0xffff, v10  }
0x334: {  	[tilespmem:v4+s28+$0xFFFFFF90 ss:$0x1] =	vst.idx.msk $0xffff, v7;
	v10 =	vld [tilespmem:s7+$0x80]  }
0x335: {  	v7 =	vld [tilespmem:s29+$0x80];
	[tilespmem:v4+s31+$0xFFFFFF90 ss:$0x1] =	vst.idx.msk $0xffff, v8  }
0x336: {  	v8 =	vld [tilespmem:s0+$0x80];
	[tilespmem:v4+s19+$0xFFFFFF90 ss:$0x1] =	vst.idx.msk $0xffff, v9  }
0x337: {  	v9 =	vld [tilespmem:s22+$0x80];
	[tilespmem:v4+s3+$0xFFFFFF90 ss:$0x1] =	vst.idx.msk $0xffff, v11  }
0x338: {  	v11 =	vld [tilespmem:s8+$0x80]  }
0x339: {  	[tilespmem:v4+s10+$0xFFFFFF90 ss:$0x1] =	vst.idx.msk $0xffff, v10  }
0x33a: {  	[tilespmem:v5+s28+$0x80 ss:$0x1] =	vst.idx.msk $0xffff, v7;
	v10 =	vld [tilespmem:s24+$0x80]  }
0x33b: {  	v7 =	vld [tilespmem:s30+$0x90];
	[tilespmem:v5+s31+$0x80 ss:$0x1] =	vst.idx.msk $0xffff, v8  }
0x33c: {  	v8 =	vld [tilespmem:s1+$0x90];
	[tilespmem:v5+s19+$0x80 ss:$0x1] =	vst.idx.msk $0xffff, v9  }
0x33d: {  	v9 =	vld [tilespmem:s23+$0x90];
	[tilespmem:v5+s3+$0x80 ss:$0x1] =	vst.idx.msk $0xffff, v11  }
0x33e: {  	v11 =	vld [tilespmem:s6+$0x90]  }
0x33f: {  	[tilespmem:v5+s10+$0x80 ss:$0x1] =	vst.idx.msk $0xffff, v10  }
0x340: {  	[tilespmem:v4+s28+$0xFFFFFFA0 ss:$0x1] =	vst.idx.msk $0xffff, v7;
	v10 =	vld [tilespmem:s7+$0x90]  }
0x341: {  	v7 =	vld [tilespmem:s29+$0x90];
	[tilespmem:v4+s31+$0xFFFFFFA0 ss:$0x1] =	vst.idx.msk $0xffff, v8  }
0x342: {  	v8 =	vld [tilespmem:s0+$0x90];
	[tilespmem:v4+s19+$0xFFFFFFA0 ss:$0x1] =	vst.idx.msk $0xffff, v9  }
0x343: {  	v9 =	vld [tilespmem:s22+$0x90];
	[tilespmem:v4+s3+$0xFFFFFFA0 ss:$0x1] =	vst.idx.msk $0xffff, v11  }
0x344: {  	v11 =	vld [tilespmem:s8+$0x90]  }
0x345: {  	[tilespmem:v4+s10+$0xFFFFFFA0 ss:$0x1] =	vst.idx.msk $0xffff, v10  }
0x346: {  	[tilespmem:v5+s28+$0x90 ss:$0x1] =	vst.idx.msk $0xffff, v7;
	v10 =	vld [tilespmem:s24+$0x90]  }
0x347: {  	v7 =	vld [tilespmem:s30+$0xA0];
	[tilespmem:v5+s31+$0x90 ss:$0x1] =	vst.idx.msk $0xffff, v8  }
0x348: {  	v8 =	vld [tilespmem:s1+$0xA0];
	[tilespmem:v5+s19+$0x90 ss:$0x1] =	vst.idx.msk $0xffff, v9  }
0x349: {  	v9 =	vld [tilespmem:s23+$0xA0];
	[tilespmem:v5+s3+$0x90 ss:$0x1] =	vst.idx.msk $0xffff, v11  }
0x34a: {  	v11 =	vld [tilespmem:s6+$0xA0]  }
0x34b: {  	[tilespmem:v5+s10+$0x90 ss:$0x1] =	vst.idx.msk $0xffff, v10  }
0x34c: {  	[tilespmem:v4+s28+$0xFFFFFFB0 ss:$0x1] =	vst.idx.msk $0xffff, v7;
	v10 =	vld [tilespmem:s7+$0xA0]  }
0x34d: {  	v7 =	vld [tilespmem:s29+$0xA0];
	[tilespmem:v4+s31+$0xFFFFFFB0 ss:$0x1] =	vst.idx.msk $0xffff, v8  }
0x34e: {  	v8 =	vld [tilespmem:s0+$0xA0];
	[tilespmem:v4+s19+$0xFFFFFFB0 ss:$0x1] =	vst.idx.msk $0xffff, v9  }
0x34f: {  	v9 =	vld [tilespmem:s22+$0xA0];
	[tilespmem:v4+s3+$0xFFFFFFB0 ss:$0x1] =	vst.idx.msk $0xffff, v11  }
0x350: {  	[tilespmem:v5+s25+$0xA0 ss:$0x1] =	vst.idx.msk $0xffff, v6;
	v11 =	vld [tilespmem:s8+$0xA0]  }
0x351: {  	[tilespmem:v4+s10+$0xFFFFFFB0 ss:$0x1] =	vst.idx.msk $0xffff, v10  }
0x352: {  	[tilespmem:v5+s28+$0xA0 ss:$0x1] =	vst.idx.msk $0xffff, v7;
	v6 =	vld [tilespmem:s24+$0xA0]  }
0x353: {  	v7 =	vld [tilespmem:s30+$0xB0];
	[tilespmem:v5+s31+$0xA0 ss:$0x1] =	vst.idx.msk $0xffff, v8  }
0x354: {  	v8 =	vld [tilespmem:s1+$0xB0];
	[tilespmem:v5+s19+$0xA0 ss:$0x1] =	vst.idx.msk $0xffff, v9  }
0x355: {  	v9 =	vld [tilespmem:s23+$0xB0];
	[tilespmem:v5+s3+$0xA0 ss:$0x1] =	vst.idx.msk $0xffff, v11  }
0x356: {  	v11 =	vld [tilespmem:s6+$0xB0]  }
0x357: {  	v63 =	vld [tilespmem:s15+$0xB0];
	[tilespmem:v5+s10+$0xA0 ss:$0x1] =	vst.idx.msk $0xffff, v6  }
0x358: {  	[tilespmem:v4+s28+$0xFFFFFFC0 ss:$0x1] =	vst.idx.msk $0xffff, v7;
	v6 =	vld [tilespmem:s7+$0xB0]  }
0x359: {  	v7 =	vld [tilespmem:s29+$0xB0];
	[tilespmem:v4+s31+$0xFFFFFFC0 ss:$0x1] =	vst.idx.msk $0xffff, v8  }
0x35a: {  	v8 =	vld [tilespmem:s0+$0xB0];
	[tilespmem:v4+s19+$0xFFFFFFC0 ss:$0x1] =	vst.idx.msk $0xffff, v9  }
0x35b: {  	v9 =	vld [tilespmem:s22+$0xB0];
	[tilespmem:v4+s3+$0xFFFFFFC0 ss:$0x1] =	vst.idx.msk $0xffff, v11  }
0x35c: {  	[tilespmem:v4+s25+$0xFFFFFFC0 ss:$0x1] =	vst.idx.msk $0xffff, v63;
	v11 =	vld [tilespmem:s8+$0xB0]  }
0x35d: {  	v10 =	vld [tilespmem:s26+$0xB0];
	[tilespmem:v4+s10+$0xFFFFFFC0 ss:$0x1] =	vst.idx.msk $0xffff, v6  }
0x35e: {  	[tilespmem:v5+s28+$0xB0 ss:$0x1] =	vst.idx.msk $0xffff, v7;
	v6 =	vld [tilespmem:s24+$0xB0]  }
0x35f: {  	v7 =	vld [tilespmem:s30+$0xC0];
	[tilespmem:v5+s31+$0xB0 ss:$0x1] =	vst.idx.msk $0xffff, v8  }
0x360: {  	v8 =	vld [tilespmem:s1+$0xC0];
	[tilespmem:v5+s19+$0xB0 ss:$0x1] =	vst.idx.msk $0xffff, v9  }
0x361: {  	v9 =	vld [tilespmem:s23+$0xC0];
	[tilespmem:v5+s3+$0xB0 ss:$0x1] =	vst.idx.msk $0xffff, v11  }
0x362: {  	v11 =	vld [tilespmem:s6+$0xC0];
	[tilespmem:v5+s25+$0xB0 ss:$0x1] =	vst.idx.msk $0xffff, v10  }
0x363: {  	v10 =	vld [tilespmem:s15+$0xC0];
	[tilespmem:v5+s10+$0xB0 ss:$0x1] =	vst.idx.msk $0xffff, v6  }
0x364: {  	[tilespmem:v4+s28+$0xFFFFFFD0 ss:$0x1] =	vst.idx.msk $0xffff, v7;
	v6 =	vld [tilespmem:s7+$0xC0]  }
0x365: {  	v7 =	vld [tilespmem:s29+$0xC0];
	[tilespmem:v4+s31+$0xFFFFFFD0 ss:$0x1] =	vst.idx.msk $0xffff, v8  }
0x366: {  	v8 =	vld [tilespmem:s0+$0xC0];
	[tilespmem:v4+s19+$0xFFFFFFD0 ss:$0x1] =	vst.idx.msk $0xffff, v9  }
0x367: {  	v9 =	vld [tilespmem:s22+$0xC0];
	[tilespmem:v4+s3+$0xFFFFFFD0 ss:$0x1] =	vst.idx.msk $0xffff, v11  }
0x368: {  	v11 =	vld [tilespmem:s8+$0xC0];
	[tilespmem:v4+s25+$0xFFFFFFD0 ss:$0x1] =	vst.idx.msk $0xffff, v10  }
0x369: {  	v10 =	vld [tilespmem:s26+$0xC0];
	[tilespmem:v4+s10+$0xFFFFFFD0 ss:$0x1] =	vst.idx.msk $0xffff, v6  }
0x36a: {  	[tilespmem:v5+s28+$0xC0 ss:$0x1] =	vst.idx.msk $0xffff, v7;
	v6 =	vld [tilespmem:s24+$0xC0]  }
0x36b: {  	v7 =	vld [tilespmem:s30+$0xD0];
	[tilespmem:v5+s31+$0xC0 ss:$0x1] =	vst.idx.msk $0xffff, v8  }
0x36c: {  	v8 =	vld [tilespmem:s1+$0xD0];
	[tilespmem:v5+s19+$0xC0 ss:$0x1] =	vst.idx.msk $0xffff, v9  }
0x36d: {  	v9 =	vld [tilespmem:s23+$0xD0];
	[tilespmem:v5+s3+$0xC0 ss:$0x1] =	vst.idx.msk $0xffff, v11  }
0x36e: {  	v11 =	vld [tilespmem:s6+$0xD0];
	[tilespmem:v5+s25+$0xC0 ss:$0x1] =	vst.idx.msk $0xffff, v10  }
0x36f: {  	v10 =	vld [tilespmem:s15+$0xD0];
	[tilespmem:v5+s10+$0xC0 ss:$0x1] =	vst.idx.msk $0xffff, v6  }
0x370: {  	[tilespmem:v4+s28+$0xFFFFFFE0 ss:$0x1] =	vst.idx.msk $0xffff, v7;
	v6 =	vld [tilespmem:s7+$0xD0]  }
0x371: {  	v7 =	vld [tilespmem:s29+$0xD0];
	[tilespmem:v4+s31+$0xFFFFFFE0 ss:$0x1] =	vst.idx.msk $0xffff, v8  }
0x372: {  	v8 =	vld [tilespmem:s0+$0xD0];
	[tilespmem:v4+s19+$0xFFFFFFE0 ss:$0x1] =	vst.idx.msk $0xffff, v9  }
0x373: {  	v9 =	vld [tilespmem:s22+$0xD0];
	[tilespmem:v4+s3+$0xFFFFFFE0 ss:$0x1] =	vst.idx.msk $0xffff, v11  }
0x374: {  	v11 =	vld [tilespmem:s8+$0xD0];
	[tilespmem:v4+s25+$0xFFFFFFE0 ss:$0x1] =	vst.idx.msk $0xffff, v10  }
0x375: {  	v10 =	vld [tilespmem:s26+$0xD0];
	[tilespmem:v4+s10+$0xFFFFFFE0 ss:$0x1] =	vst.idx.msk $0xffff, v6  }
0x376: {  	[tilespmem:v5+s28+$0xD0 ss:$0x1] =	vst.idx.msk $0xffff, v7;
	v6 =	vld [tilespmem:s24+$0xD0]  }
0x377: {  	v7 =	vld [tilespmem:s30+$0xE0];
	[tilespmem:v5+s31+$0xD0 ss:$0x1] =	vst.idx.msk $0xffff, v8  }
0x378: {  	v8 =	vld [tilespmem:s1+$0xE0];
	[tilespmem:v5+s19+$0xD0 ss:$0x1] =	vst.idx.msk $0xffff, v9  }
0x379: {  	v9 =	vld [tilespmem:s23+$0xE0];
	[tilespmem:v5+s3+$0xD0 ss:$0x1] =	vst.idx.msk $0xffff, v11  }
0x37a: {  	v11 =	vld [tilespmem:s6+$0xE0];
	[tilespmem:v5+s25+$0xD0 ss:$0x1] =	vst.idx.msk $0xffff, v10  }
0x37b: {  	v10 =	vld [tilespmem:s15+$0xE0];
	[tilespmem:v5+s10+$0xD0 ss:$0x1] =	vst.idx.msk $0xffff, v6  }
0x37c: {  	[tilespmem:v4+s28+$0xFFFFFFF0 ss:$0x1] =	vst.idx.msk $0xffff, v7;
	v6 =	vld [tilespmem:s7+$0xE0]  }
0x37d: {  	v7 =	vld [tilespmem:s29+$0xE0];
	[tilespmem:v4+s31+$0xFFFFFFF0 ss:$0x1] =	vst.idx.msk $0xffff, v8  }
0x37e: {  	v8 =	vld [tilespmem:s0+$0xE0];
	[tilespmem:v4+s19+$0xFFFFFFF0 ss:$0x1] =	vst.idx.msk $0xffff, v9  }
0x37f: {  	v9 =	vld [tilespmem:s22+$0xE0];
	[tilespmem:v4+s3+$0xFFFFFFF0 ss:$0x1] =	vst.idx.msk $0xffff, v11  }
0x380: {  	v11 =	vld [tilespmem:s8+$0xE0];
	[tilespmem:v4+s25+$0xFFFFFFF0 ss:$0x1] =	vst.idx.msk $0xffff, v10  }
0x381: {  	v10 =	vld [tilespmem:s26+$0xE0];
	[tilespmem:v4+s10+$0xFFFFFFF0 ss:$0x1] =	vst.idx.msk $0xffff, v6  }
0x382: {  	[tilespmem:v5+s28+$0xE0 ss:$0x1] =	vst.idx.msk $0xffff, v7;
	v6 =	vld [tilespmem:s24+$0xE0]  }
0x383: {  	v7 =	vld [tilespmem:s30+$0xF0];
	[tilespmem:v5+s31+$0xE0 ss:$0x1] =	vst.idx.msk $0xffff, v8  }
0x384: {  	v8 =	vld [tilespmem:s1+$0xF0];
	[tilespmem:v5+s19+$0xE0 ss:$0x1] =	vst.idx.msk $0xffff, v9  }
0x385: {  	v9 =	vld [tilespmem:s23+$0xF0];
	[tilespmem:v5+s3+$0xE0 ss:$0x1] =	vst.idx.msk $0xffff, v11  }
0x386: {  	v11 =	vld [tilespmem:s6+$0xF0];
	[tilespmem:v5+s25+$0xE0 ss:$0x1] =	vst.idx.msk $0xffff, v10  }
0x387: {  	v10 =	vld [tilespmem:s15+$0xF0];
	[tilespmem:v5+s10+$0xE0 ss:$0x1] =	vst.idx.msk $0xffff, v6  }
0x388: {  	[tilespmem:v4+s28+$0x0 ss:$0x1] =	vst.idx.msk $0xffff, v7;
	v6 =	vld [tilespmem:s7+$0xF0]  }
0x389: {  	v7 =	vld [tilespmem:s29+$0xF0];
	[tilespmem:v4+s31+$0x0 ss:$0x1] =	vst.idx.msk $0xffff, v8  }
0x38a: {  	v8 =	vld [tilespmem:s0+$0xF0];
	[tilespmem:v4+s19+$0x0 ss:$0x1] =	vst.idx.msk $0xffff, v9  }
0x38b: {  	v9 =	vld [tilespmem:s22+$0xF0];
	[tilespmem:v4+s3+$0x0 ss:$0x1] =	vst.idx.msk $0xffff, v11  }
0x38c: {  	v11 =	vld [tilespmem:s8+$0xF0];
	[tilespmem:v4+s25+$0x0 ss:$0x1] =	vst.idx.msk $0xffff, v10  }
0x38d: {  	v10 =	vld [tilespmem:s26+$0xF0];
	[tilespmem:v4+s10+$0x0 ss:$0x1] =	vst.idx.msk $0xffff, v6  }
0x38e: {  	[tilespmem:v5+s28+$0xF0 ss:$0x1] =	vst.idx.msk $0xffff, v7;
	v6 =	vld [tilespmem:s24+$0xF0]  }
0x38f: {  	[tilespmem:v5+s31+$0xF0 ss:$0x1] =	vst.idx.msk $0xffff, v8  }
0x390: {  	[tilespmem:v5+s19+$0xF0 ss:$0x1] =	vst.idx.msk $0xffff, v9  }
0x391: {  	[tilespmem:v5+s3+$0xF0 ss:$0x1] =	vst.idx.msk $0xffff, v11  }
0x392: {  	[tilespmem:v5+s25+$0xF0 ss:$0x1] =	vst.idx.msk $0xffff, v10  }
0x393: {  	[tilespmem:v5+s10+$0xF0 ss:$0x1] =	vst.idx.msk $0xffff, v6  }
0x394: {  	s29 =	simm.s32 $0x1B000;
	s28 =	rddreg [dreg:$0x9]  }
0x395: {  	[hbm4b:s28+s16] =	stream.strided.scatter [tilespmem:s29], [sflag:$0x3], $0x2000, s17, s16, $0x38;
	[tilespmem:$0x1D000] =	vst v63  }
0x396: {  	_ =	swait.ge [sflag:s21], $0x2000  }
0x397: {  	s30 =	rddreg [dreg:$0xb]  }
0x398: {  	s31 =	rddreg [dreg:$0xa];
	s1 =	sadd.s32 $0x1, s30  }
0x399: {  	p0 =	sne.s32 s1, s31  }
.Ltmp18:
0x39a: {  	_ = 	snop;
	(pc) =	sbr.rel @p0 .LBB2_1-.Ltmp18, $3  }
0x39b: {  	_ =	sdelay $0x1  }
0x39c: {  	[sflag:s21] =	ssyncset.done $0x0  }
0x39d: {  	[sflag:s21] =	ssyncadd.s32 $0xFFFFE000  }
0x39e: {  	_ =	sfence.sel $0x180000  }
0x39f: {  	[bflag:$0x0] =	sbarrier.arrive $0xFFFF  }
0x3a0: {  	_ =	strace $0x90000047  }
0x3a1: {  	s0 =	stileid.u32;
	[bflag:$0x2] =	sbarrier.arrive $0xFFFF  }
0x3a2: {  	p0 =	sne.s32 s0, $0x0;
	s0 =	rddreg [dreg:$0x3]  }
0x3a3: {  	s0 =	sadd.s32 @!p0 $0x100000, s0  }
0x3a4: {  	[sflag:s0] =	ssyncadd.tile.s32 @!p0 $0x1;
	_ =	shalt  }
.Lfunc_end2:
_tile_overlayer_lowered:
.L_overlay_start_2:
0x3a5: {  	(tag) =	ssettag $0x2  }
0x3a6: {  	s0 =	rddreg [dreg:$0x0];
	s2 =	stileid.u32  }
0x3a7: {  	s1 =	rddreg [dreg:$0x1];
	p0 =	sne.s32 s2, $0x0  }
0x3a8: {  	s3 =	rddreg [dreg:$0x2];
	[bflag:$0x3] =	sbarrier.arrive $0xFFFF;
	s2 =	simm.s32 @!p0 $0x1C03  }
0x3a9: {  	[timem:s3], [sflag:s2] =	dma.local @!p0 [hbm:s0], s1  }
0x3aa: {  	s0 =	simm.s32 @!p0 $0x3  }
0x3ab: {  	_ =	swait.ge @!p0 [sflag:s0], s1  }
0x3ac: {  	s1 =	ssub.s32 @!p0 $0x0, s1;
	[sflag:s0] =	ssyncset.done @!p0 $0x0  }
0x3ad: {  	[sflag:s0] =	ssyncadd.s32 @!p0 s1  }
0x3ae: {  	[bflag:$0x3] =	sbarrier.arrive $0xFFFF  }
0x3af: {  	_ =	shalt  }

</sc_bundles>
